<compile_context>
chip_gen: v7x
topology: tpu7x:2x2x1
jax: 0.10.2.dev20260603
libtpu: 0.0.44.dev20260713+nightly
codegen_flags: <defaults>
</compile_context>

<pallas_src>
import functools

import jax
import jax.numpy as jnp
from jax import lax
from jax.experimental import pallas as pl
from jax.experimental.pallas import tpu as pltpu
from jax.experimental.pallas import tpu_sc as plsc

N = 10000
D = 256
DH = 128
STEPS = 3
NSUB = 16
CH = 128
NCHK = 80
NB = 2
IBLK = 40
NBLK = NCHK // IBLK
ACC_R = 10112
DUMMY = 10000
ZROWS = ACC_R // NSUB
DRAIN = 632
RB = 1000



def _k0_body(x_ref, wembT, bemb, weT, whhT, bhh, h_ref, m0_ref, m1_ref,
             gh_ref):
    h = jnp.maximum(
        jnp.dot(x_ref[...], wembT[...], preferred_element_type=jnp.float32)
        + bemb[...], 0.0)
    h_ref[...] = h
    m = jnp.dot(h, weT[...], preferred_element_type=jnp.float32)
    m0_ref[...] = m[:, :DH]
    m1_ref[...] = m[:, DH:]
    gh_ref[...] = (
        jnp.dot(h, whhT[...], preferred_element_type=jnp.float32) + bhh[...])


def _gru(a0, a1, h, gh, wihT, bih):
    gx = (jnp.dot(a0, wihT[:DH], preferred_element_type=jnp.float32)
          + jnp.dot(a1, wihT[DH:], preferred_element_type=jnp.float32)
          + bih)
    r = jax.nn.sigmoid(gx[:, :D] + gh[:, :D])
    z = jax.nn.sigmoid(gx[:, D:2 * D] + gh[:, D:2 * D])
    n = jnp.tanh(gx[:, 2 * D:] + r * gh[:, 2 * D:])
    return (1.0 - z) * n + z * h


def _k1_body(a0_ref, a1_ref, h_ref, gh_ref, wihT, bih, weT, whhT, bhh,
             hn_ref, mn0_ref, mn1_ref, ghn_ref):
    hnew = _gru(a0_ref[0], a1_ref[0], h_ref[...], gh_ref[...], wihT[...],
                bih[...])
    hn_ref[...] = hnew
    m = jnp.dot(hnew, weT[...], preferred_element_type=jnp.float32)
    mn0_ref[...] = m[:, :DH]
    mn1_ref[...] = m[:, DH:]
    ghn_ref[...] = (
        jnp.dot(hnew, whhT[...], preferred_element_type=jnp.float32)
        + bhh[...])


def _k2_body(a0_ref, a1_ref, h_ref, gh_ref, wihT, bih, woutT, bout, out_ref):
    hnew = _gru(a0_ref[0], a1_ref[0], h_ref[...], gh_ref[...], wihT[...],
                bih[...])
    out_ref[...] = jnp.tanh(
        jnp.dot(hnew, woutT[...], preferred_element_type=jnp.float32)
        + bout[...])


def _row_spec(cols):
    return pl.BlockSpec((RB, cols), lambda i: (i, 0))


def _half_spec(which):
    return pl.BlockSpec((1, RB, DH), lambda i: (which, i, 0))


def _full_spec(r, c):
    return pl.BlockSpec((r, c), lambda i: (0, 0))


def _mk_k0():
    return pl.pallas_call(
        _k0_body,
        grid=(N // RB,),
        in_specs=[
            _row_spec(D), _full_spec(D, D), _full_spec(1, D),
            _full_spec(D, D), _full_spec(D, 3 * D), _full_spec(1, 3 * D),
        ],
        out_specs=[_row_spec(D), _row_spec(DH), _row_spec(DH),
                   _row_spec(3 * D)],
        out_shape=[
            jax.ShapeDtypeStruct((N, D), jnp.float32),
            jax.ShapeDtypeStruct((N, DH), jnp.float32),
            jax.ShapeDtypeStruct((N, DH), jnp.float32),
            jax.ShapeDtypeStruct((N, 3 * D), jnp.float32),
        ],
    )


def _mk_k1():
    return pl.pallas_call(
        _k1_body,
        grid=(N // RB,),
        in_specs=[
            _half_spec(0), _half_spec(1), _row_spec(D), _row_spec(3 * D),
            _full_spec(D, 3 * D), _full_spec(1, 3 * D),
            _full_spec(D, D), _full_spec(D, 3 * D), _full_spec(1, 3 * D),
        ],
        out_specs=[_row_spec(D), _row_spec(DH), _row_spec(DH),
                   _row_spec(3 * D)],
        out_shape=[
            jax.ShapeDtypeStruct((N, D), jnp.float32),
            jax.ShapeDtypeStruct((N, DH), jnp.float32),
            jax.ShapeDtypeStruct((N, DH), jnp.float32),
            jax.ShapeDtypeStruct((N, 3 * D), jnp.float32),
        ],
    )


def _mk_k2():
    return pl.pallas_call(
        _k2_body,
        grid=(N // RB,),
        in_specs=[
            _half_spec(0), _half_spec(1), _row_spec(D), _row_spec(3 * D),
            _full_spec(D, 3 * D), _full_spec(1, 3 * D),
            _full_spec(D, D), _full_spec(1, D),
        ],
        out_specs=_row_spec(D),
        out_shape=jax.ShapeDtypeStruct((N, D), jnp.float32),
    )



def _sc_segment_sum(m0, m1, srcr, dstr, zrows):

    @functools.partial(
        pl.kernel,
        out_type=jax.ShapeDtypeStruct((2, N, DH), jnp.float32),
        mesh=plsc.VectorSubcoreMesh(core_axis_name="c", subcore_axis_name="s"),
        scratch_types=[
            pltpu.VMEM((IBLK, CH), jnp.int32),
            pltpu.VMEM((IBLK, CH), jnp.int32),
            pltpu.VMEM((CH, DH), jnp.float32),
            pltpu.VMEM((CH, DH), jnp.float32),
            pltpu.VMEM_SHARED((ACC_R, DH), jnp.float32),
            pltpu.SemaphoreType.DMA,
            pltpu.SemaphoreType.DMA,
            pltpu.SemaphoreType.DMA,
            pltpu.SemaphoreType.DMA,
        ],
    )
    def sc_k(m0_hbm, m1_hbm, src_hbm, dst_hbm, z_hbm, a_hbm,
             srcs_v, dsts_v, r0, r1, acc_sh, g0, g1, s0, s1):
        c = lax.axis_index("c")
        s = lax.axis_index("s")
        rows = [r0, r1]
        gsem = [g0, g1]
        ssem = [s0, s1]

        pltpu.sync_copy(z_hbm, acc_sh.at[pl.ds(s * ZROWS, ZROWS)])
        plsc.subcore_barrier()

        def run(mh):
            def blk_body(blk, carry):
                row0 = s * NCHK + blk * IBLK
                pltpu.sync_copy(src_hbm.at[pl.ds(row0, IBLK)], srcs_v)
                pltpu.sync_copy(dst_hbm.at[pl.ds(row0, IBLK)], dsts_v)
                pltpu.async_copy(mh.at[srcs_v.at[0]], rows[0], gsem[0])
                pltpu.async_copy(mh.at[srcs_v.at[1]], rows[1], gsem[1])

                def body(t, cy):
                    for b in range(2):
                        chunk = 2 * t + b
                        pltpu.make_async_copy(
                            mh.at[srcs_v.at[chunk]], rows[b], gsem[b]).wait()

                        @pl.when(chunk + 2 < IBLK)
                        def _():
                            pltpu.async_copy(mh.at[srcs_v.at[chunk + 2]],
                                             rows[b], gsem[b])
                    return cy

                lax.fori_loop(0, IBLK // 2, body, 0, unroll=False)
                return carry

            lax.fori_loop(0, NBLK, blk_body, 0, unroll=False)

        @pl.when(c == 0)
        def _():
            run(m0_hbm)

        @pl.when(c == 1)
        def _():
            run(m1_hbm)

        plsc.subcore_barrier()

        out_base = s * DRAIN

        @pl.when(s < NSUB - 1)
        def _():
            pltpu.sync_copy(acc_sh.at[pl.ds(out_base, DRAIN)],
                            a_hbm.at[c, pl.ds(out_base, DRAIN)])

        @pl.when(s == NSUB - 1)
        def _():
            pltpu.sync_copy(acc_sh.at[pl.ds(out_base, N - 15 * DRAIN)],
                            a_hbm.at[c, pl.ds(out_base, N - 15 * DRAIN)])

    return sc_k(m0, m1, srcr, dstr, zrows)



def kernel(x, edge_index, W_emb, b_emb, W_e, W_ih, b_ih, W_hh, b_hh,
           W_out, b_out):
    src = edge_index[0].astype(jnp.int32)
    dst = edge_index[1].astype(jnp.int32)
    e = src.shape[0]
    epad = NSUB * NCHK * CH
    pad = epad - e
    srcr = jnp.concatenate(
        [src, jnp.zeros((pad,), jnp.int32)]).reshape(NSUB * NCHK, CH)
    dstr = jnp.concatenate(
        [dst, jnp.full((pad,), DUMMY, jnp.int32)]).reshape(NSUB * NCHK, CH)
    zrows = jnp.zeros((ZROWS, DH), jnp.float32)

    wembT = W_emb.T
    weT = W_e.T
    wihT = W_ih.T
    whhT = W_hh.T
    woutT = W_out.T
    bemb = b_emb.reshape(1, D)
    bih = b_ih.reshape(1, 3 * D)
    bhh = b_hh.reshape(1, 3 * D)
    bout = b_out.reshape(1, D)

    h, m0, m1, gh = _mk_k0()(x, wembT, bemb, weT, whhT, bhh)
    out = None
    for step in range(STEPS):
        a = _sc_segment_sum(m0, m1, srcr, dstr, zrows)
        if step < STEPS - 1:
            h, m0, m1, gh = _mk_k1()(a, a, h, gh, wihT, bih, weT, whhT, bhh)
        else:
            out = _mk_k2()(a, a, h, gh, wihT, bih, woutT, bout)
    return out

# --- scband reference (transcript-rebuilt; emitter-appended) ---
"""Pipeline reference for scband-gnn-5162550689980 (READ-ONLY COPY).

The authoritative reference and input builder live on the scoring server;
editing this copy changes nothing except your own understanding.
"""

import jax, jax.numpy as jnp
import numpy as np

N = 10000
E = 160000
D = 256
N_STEPS = 3

def setup_inputs(seed: int = 0) -> dict:
    key = jax.random.key(seed)
    ks = jax.random.split(key, 12)
    s = 1.0 / np.sqrt(D)
    x = jax.random.normal(ks[0], (N, D), dtype=jnp.float32)
    edge_index = jax.random.randint(ks[1], (2, E), 0, N, dtype=jnp.int64)
    W_emb = jax.random.uniform(ks[2], (D, D), jnp.float32, -s, s)
    b_emb = jax.random.uniform(ks[3], (D,), jnp.float32, -s, s)
    W_e = jax.random.uniform(ks[4], (D, D), jnp.float32, -s, s)
    W_ih = jax.random.uniform(ks[5], (3 * D, D), jnp.float32, -s, s)
    b_ih = jax.random.uniform(ks[6], (3 * D,), jnp.float32, -s, s)
    W_hh = jax.random.uniform(ks[7], (3 * D, D), jnp.float32, -s, s)
    b_hh = jax.random.uniform(ks[8], (3 * D,), jnp.float32, -s, s)
    W_out = jax.random.uniform(ks[9], (D, D), jnp.float32, -s, s)
    b_out = jax.random.uniform(ks[10], (D,), jnp.float32, -s, s)
    return {"x": x, "edge_index": edge_index, "W_emb": W_emb, "b_emb": b_emb,
            "W_e": W_e, "W_ih": W_ih, "b_ih": b_ih, "W_hh": W_hh, "b_hh": b_hh,
            "W_out": W_out, "b_out": b_out}

def _gru_cell(a, h, W_ih, b_ih, W_hh, b_hh):
    gx = a @ W_ih.T + b_ih
    gh = h @ W_hh.T + b_hh
    xr, xz, xn = jnp.split(gx, 3, axis=-1)
    hr, hz, hn = jnp.split(gh, 3, axis=-1)
    r = jax.nn.sigmoid(xr + hr)
    z = jax.nn.sigmoid(xz + hz)
    n = jnp.tanh(xn + r * hn)
    return (1.0 - z) * n + z * h

def reference(x, edge_index, W_emb, b_emb, W_e, W_ih, b_ih, W_hh, b_hh, W_out, b_out):
    src = edge_index[0]
    dst = edge_index[1]
    h = jax.nn.relu(x @ W_emb.T + b_emb)
    for _ in range(N_STEPS):
        m = h @ W_e.T
        msg = jnp.take(m, src, axis=0)
        a = jax.ops.segment_sum(msg, dst, num_segments=N)
        h = _gru_cell(a, h, W_ih, b_ih, W_hh, b_hh)
    out = jnp.tanh(h @ W_out.T + b_out)
    return out

if __name__ == "__main__":
    import jax
    _d = setup_inputs()
    print(jax.jit(kernel)(*tuple(_d.values())))

</pallas_src>

<mosaic_0001>
#map = affine_map<(d0, d1) -> (0, 0)>
#map1 = affine_map<(d0, d1) -> (0, 0, 0)>
module attributes {stable_mosaic.version = 14 : i64} {
  func.func @sc_k(%arg0: i32, %arg1: i32, %arg2: memref<10000x128xf32, #tpu.memory_space<hbm>>, %arg3: memref<10000x128xf32, #tpu.memory_space<hbm>>, %arg4: memref<1280x128xi32, #tpu.memory_space<hbm>>, %arg5: memref<1280x128xi32, #tpu.memory_space<hbm>>, %arg6: memref<632x128xf32, #tpu.memory_space<hbm>>, %arg7: memref<2x10000x128xf32, #tpu.memory_space<hbm>>, %arg8: memref<40x128xi32, #tpu.memory_space<vmem>>, %arg9: memref<40x128xi32, #tpu.memory_space<vmem>>, %arg10: memref<128x128xf32, #tpu.memory_space<vmem>>, %arg11: memref<128x128xf32, #tpu.memory_space<vmem>>, %arg12: memref<10112x128xf32, #tpu.memory_space<vmem_shared>>, %arg13: memref<!tpu.dma_semaphore, #tpu.memory_space<semaphore_mem>>, %arg14: memref<!tpu.dma_semaphore, #tpu.memory_space<semaphore_mem>>, %arg15: memref<!tpu.dma_semaphore, #tpu.memory_space<semaphore_mem>>, %arg16: memref<!tpu.dma_semaphore, #tpu.memory_space<semaphore_mem>>) attributes {dimension_semantics = [#tpu.dimension_semantics<core_parallel>, #tpu.dimension_semantics<subcore_parallel>], iteration_bounds = array<i64: 2, 16>, scalar_prefetch = 0 : i64, scratch_operands = 9 : i64, tpu.core_type = #tpu.core_type<sc_vector_subcore>, window_params = [{transform_indices = #map}, {transform_indices = #map}, {transform_indices = #map}, {transform_indices = #map}, {transform_indices = #map}, {transform_indices = #map1}]} {
    %mul3A = arith.constant 632 : i32
    %mul3A_0 = arith.muli %arg1, %mul3A : i32
    "tpu.region"() ({
      %run_scoped3A = tpu.sem_alloc : memref<!tpu.dma_semaphore, #tpu.memory_space<semaphore_mem>>
      %dma_start3A = arith.constant 0 : i32
      %dma_start3A_20 = tpu.memref_slice %arg12[%mul3A_0, %dma_start3A] : memref<10112x128xf32, #tpu.memory_space<vmem_shared>> -> memref<632x128xf32, #tpu.memory_space<vmem_shared>>
      tpu.enqueue_dma source(%arg6 : memref<632x128xf32, #tpu.memory_space<hbm>>) target(%dma_start3A_20 : memref<632x128xf32, #tpu.memory_space<vmem_shared>>) target_semaphore(%run_scoped3A : memref<!tpu.dma_semaphore, #tpu.memory_space<semaphore_mem>>)
      %dma_wait3A = arith.constant 0 : i32
      %dma_wait3A_21 = tpu.memref_slice %arg12[%mul3A_0, %dma_wait3A] : memref<10112x128xf32, #tpu.memory_space<vmem_shared>> -> memref<632x128xf32, #tpu.memory_space<vmem_shared>>
      tpu.wait_dma2 semaphore(%run_scoped3A : memref<!tpu.dma_semaphore, #tpu.memory_space<semaphore_mem>>) src(%arg6 : memref<632x128xf32, #tpu.memory_space<hbm>>) dst(%dma_wait3A_21 : memref<632x128xf32, #tpu.memory_space<vmem_shared>>)
      tpu.yield
    }) : () -> ()
    %barrier3A = arith.constant 0 : index
    tpu.barrier barrier_id(%barrier3A)
    %eq3A = arith.constant 0 : i32
    %eq3A_1 = arith.cmpi eq, %arg0, %eq3A : i32
    %convert_element_type3A = arith.extui %eq3A_1 : i1 to i32
    %cond3A = arith.constant 0 : i32
    %cond3A_2 = arith.cmpi ne, %convert_element_type3A, %cond3A : i32
    scf.if %cond3A_2 {
      %scan3A = arith.constant 0 : i32
      %scan3A_20 = arith.constant 0 : i32
      %scan3A_21 = arith.constant 2 : i32
      %scan3A_22 = arith.addi %scan3A_20, %scan3A_21 : i32
      %scan3A_23 = arith.constant 1 : i32
      scf.for %scan3A_25 = %scan3A_20 to %scan3A_22 step %scan3A_23  : i32 {
        %mul3A_26 = arith.constant 80 : i32
        %mul3A_27 = arith.muli %arg1, %mul3A_26 : i32
        %mul3A_28 = arith.constant 40 : i32
        %mul3A_29 = arith.muli %scan3A_25, %mul3A_28 : i32
        %add3A = arith.addi %mul3A_27, %mul3A_29 : i32
        "tpu.region"() ({
          %run_scoped3A = tpu.sem_alloc : memref<!tpu.dma_semaphore, #tpu.memory_space<semaphore_mem>>
          %dma_start3A_49 = arith.constant 0 : i32
          %dma_start3A_50 = tpu.memref_slice %arg4[%add3A, %dma_start3A_49] : memref<1280x128xi32, #tpu.memory_space<hbm>> -> memref<40x128xi32, #tpu.memory_space<hbm>>
          %dma_start3A_51 = arith.constant 0 : i32
          %dma_start3A_52 = tpu.memref_slice %arg4[%add3A, %dma_start3A_51] : memref<1280x128xi32, #tpu.memory_space<hbm>> -> memref<40x128xi32, #tpu.memory_space<hbm>>
          tpu.enqueue_dma source(%dma_start3A_52 : memref<40x128xi32, #tpu.memory_space<hbm>>) target(%arg8 : memref<40x128xi32, #tpu.memory_space<vmem>>) target_semaphore(%run_scoped3A : memref<!tpu.dma_semaphore, #tpu.memory_space<semaphore_mem>>)
          %dma_wait3A = arith.constant 0 : i32
          %dma_wait3A_53 = tpu.memref_slice %arg4[%add3A, %dma_wait3A] : memref<1280x128xi32, #tpu.memory_space<hbm>> -> memref<40x128xi32, #tpu.memory_space<hbm>>
          %dma_wait3A_54 = arith.constant 0 : i32
          %dma_wait3A_55 = tpu.memref_slice %arg4[%add3A, %dma_wait3A_54] : memref<1280x128xi32, #tpu.memory_space<hbm>> -> memref<40x128xi32, #tpu.memory_space<hbm>>
          tpu.wait_dma2 semaphore(%run_scoped3A : memref<!tpu.dma_semaphore, #tpu.memory_space<semaphore_mem>>) src(%dma_wait3A_55 : memref<40x128xi32, #tpu.memory_space<hbm>>) dst(%arg8 : memref<40x128xi32, #tpu.memory_space<vmem>>)
          tpu.yield
        }) : () -> ()
        "tpu.region"() ({
          %run_scoped3A = tpu.sem_alloc : memref<!tpu.dma_semaphore, #tpu.memory_space<semaphore_mem>>
          %dma_start3A_49 = arith.constant 0 : i32
          %dma_start3A_50 = tpu.memref_slice %arg5[%add3A, %dma_start3A_49] : memref<1280x128xi32, #tpu.memory_space<hbm>> -> memref<40x128xi32, #tpu.memory_space<hbm>>
          %dma_start3A_51 = arith.constant 0 : i32
          %dma_start3A_52 = tpu.memref_slice %arg5[%add3A, %dma_start3A_51] : memref<1280x128xi32, #tpu.memory_space<hbm>> -> memref<40x128xi32, #tpu.memory_space<hbm>>
          tpu.enqueue_dma source(%dma_start3A_52 : memref<40x128xi32, #tpu.memory_space<hbm>>) target(%arg9 : memref<40x128xi32, #tpu.memory_space<vmem>>) target_semaphore(%run_scoped3A : memref<!tpu.dma_semaphore, #tpu.memory_space<semaphore_mem>>)
          %dma_wait3A = arith.constant 0 : i32
          %dma_wait3A_53 = tpu.memref_slice %arg5[%add3A, %dma_wait3A] : memref<1280x128xi32, #tpu.memory_space<hbm>> -> memref<40x128xi32, #tpu.memory_space<hbm>>
          %dma_wait3A_54 = arith.constant 0 : i32
          %dma_wait3A_55 = tpu.memref_slice %arg5[%add3A, %dma_wait3A_54] : memref<1280x128xi32, #tpu.memory_space<hbm>> -> memref<40x128xi32, #tpu.memory_space<hbm>>
          tpu.wait_dma2 semaphore(%run_scoped3A : memref<!tpu.dma_semaphore, #tpu.memory_space<semaphore_mem>>) src(%dma_wait3A_55 : memref<40x128xi32, #tpu.memory_space<hbm>>) dst(%arg9 : memref<40x128xi32, #tpu.memory_space<vmem>>)
          tpu.yield
        }) : () -> ()
        %dma_start3A = arith.constant 0 : i32
        %dma_start3A_30 = arith.constant 0 : i32
        %dma_start3A_31 = tpu.memref_slice %arg8[%dma_start3A, %dma_start3A_30] : memref<40x128xi32, #tpu.memory_space<vmem>> -> memref<1x128xi32, #tpu.memory_space<vmem>>
        %dma_start3A_32 = tpu.memref_squeeze %dma_start3A_31 : memref<1x128xi32, #tpu.memory_space<vmem>> -> memref<128xi32, #tpu.memory_space<vmem>>
        %dma_start3A_33 = arith.constant 0 : i32
        %dma_start3A_34 = arith.constant 0 : i32
        %dma_start3A_35 = tpu.memref_slice %arg2[%dma_start3A_33, %dma_start3A_34] : memref<10000x128xf32, #tpu.memory_space<hbm>> -> memref<10000x128xf32, #tpu.memory_space<hbm>>
        tpu.enqueue_indirect_dma source(%dma_start3A_35 : memref<10000x128xf32, #tpu.memory_space<hbm>>) target(%arg10 : memref<128x128xf32, #tpu.memory_space<vmem>>) offsets(%dma_start3A_32 : memref<128xi32, #tpu.memory_space<vmem>>) semaphore(%arg13 : memref<!tpu.dma_semaphore, #tpu.memory_space<semaphore_mem>>)
        %dma_start3A_36 = arith.constant 1 : i32
        %dma_start3A_37 = arith.constant 0 : i32
        %dma_start3A_38 = tpu.memref_slice %arg8[%dma_start3A_36, %dma_start3A_37] : memref<40x128xi32, #tpu.memory_space<vmem>> -> memref<1x128xi32, #tpu.memory_space<vmem>>
        %dma_start3A_39 = tpu.memref_squeeze %dma_start3A_38 : memref<1x128xi32, #tpu.memory_space<vmem>> -> memref<128xi32, #tpu.memory_space<vmem>>
        %dma_start3A_40 = arith.constant 0 : i32
        %dma_start3A_41 = arith.constant 0 : i32
        %dma_start3A_42 = tpu.memref_slice %arg2[%dma_start3A_40, %dma_start3A_41] : memref<10000x128xf32, #tpu.memory_space<hbm>> -> memref<10000x128xf32, #tpu.memory_space<hbm>>
        tpu.enqueue_indirect_dma source(%dma_start3A_42 : memref<10000x128xf32, #tpu.memory_space<hbm>>) target(%arg11 : memref<128x128xf32, #tpu.memory_space<vmem>>) offsets(%dma_start3A_39 : memref<128xi32, #tpu.memory_space<vmem>>) semaphore(%arg14 : memref<!tpu.dma_semaphore, #tpu.memory_space<semaphore_mem>>)
        %scan3A_43 = arith.constant 0 : i32
        %scan3A_44 = arith.constant 0 : i32
        %scan3A_45 = arith.constant 20 : i32
        %scan3A_46 = arith.addi %scan3A_44, %scan3A_45 : i32
        %scan3A_47 = arith.constant 1 : i32
        scf.for %scan3A_49 = %scan3A_44 to %scan3A_46 step %scan3A_47  : i32 {
          %mul3A_50 = arith.constant 2 : i32
          %mul3A_51 = arith.muli %mul3A_50, %scan3A_49 : i32
          %add3A_52 = arith.constant 0 : i32
          %add3A_53 = arith.addi %mul3A_51, %add3A_52 : i32
          %dma_wait3A = arith.constant 0 : i32
          %dma_wait3A_54 = tpu.memref_slice %arg8[%add3A_53, %dma_wait3A] : memref<40x128xi32, #tpu.memory_space<vmem>> -> memref<1x128xi32, #tpu.memory_space<vmem>>
          %dma_wait3A_55 = tpu.memref_squeeze %dma_wait3A_54 : memref<1x128xi32, #tpu.memory_space<vmem>> -> memref<128xi32, #tpu.memory_space<vmem>>
          %dma_wait3A_56 = arith.constant 0 : i32
          %dma_wait3A_57 = arith.constant 0 : i32
          %dma_wait3A_58 = tpu.memref_slice %arg2[%dma_wait3A_56, %dma_wait3A_57] : memref<10000x128xf32, #tpu.memory_space<hbm>> -> memref<10000x128xf32, #tpu.memory_space<hbm>>
          tpu.wait_indirect_dma semaphore(%arg13 : memref<!tpu.dma_semaphore, #tpu.memory_space<semaphore_mem>>) src(%dma_wait3A_58 : memref<10000x128xf32, #tpu.memory_space<hbm>>) dst(%arg10 : memref<128x128xf32, #tpu.memory_space<vmem>>)
          %add3A_59 = arith.constant 2 : i32
          %add3A_60 = arith.addi %add3A_53, %add3A_59 : i32
          %lt3A_61 = arith.constant 40 : i32
          %lt3A_62 = arith.cmpi slt, %add3A_60, %lt3A_61 : i32
          %convert_element_type3A_63 = arith.extui %lt3A_62 : i1 to i32
          %cond3A_64 = arith.constant 0 : i32
          %cond3A_65 = arith.cmpi ne, %convert_element_type3A_63, %cond3A_64 : i32
          scf.if %cond3A_65 {
            %add3A_83 = arith.constant 2 : i32
            %add3A_84 = arith.addi %add3A_53, %add3A_83 : i32
            %dma_start3A_85 = arith.constant 0 : i32
            %dma_start3A_86 = tpu.memref_slice %arg8[%add3A_84, %dma_start3A_85] : memref<40x128xi32, #tpu.memory_space<vmem>> -> memref<1x128xi32, #tpu.memory_space<vmem>>
            %dma_start3A_87 = tpu.memref_squeeze %dma_start3A_86 : memref<1x128xi32, #tpu.memory_space<vmem>> -> memref<128xi32, #tpu.memory_space<vmem>>
            %dma_start3A_88 = arith.constant 0 : i32
            %dma_start3A_89 = arith.constant 0 : i32
            %dma_start3A_90 = tpu.memref_slice %arg2[%dma_start3A_88, %dma_start3A_89] : memref<10000x128xf32, #tpu.memory_space<hbm>> -> memref<10000x128xf32, #tpu.memory_space<hbm>>
            tpu.enqueue_indirect_dma source(%dma_start3A_90 : memref<10000x128xf32, #tpu.memory_space<hbm>>) target(%arg10 : memref<128x128xf32, #tpu.memory_space<vmem>>) offsets(%dma_start3A_87 : memref<128xi32, #tpu.memory_space<vmem>>) semaphore(%arg13 : memref<!tpu.dma_semaphore, #tpu.memory_space<semaphore_mem>>)
          } else {
          }
          %mul3A_66 = arith.constant 2 : i32
          %mul3A_67 = arith.muli %mul3A_66, %scan3A_49 : i32
          %add3A_68 = arith.constant 1 : i32
          %add3A_69 = arith.addi %mul3A_67, %add3A_68 : i32
          %dma_wait3A_70 = arith.constant 0 : i32
          %dma_wait3A_71 = tpu.memref_slice %arg8[%add3A_69, %dma_wait3A_70] : memref<40x128xi32, #tpu.memory_space<vmem>> -> memref<1x128xi32, #tpu.memory_space<vmem>>
          %dma_wait3A_72 = tpu.memref_squeeze %dma_wait3A_71 : memref<1x128xi32, #tpu.memory_space<vmem>> -> memref<128xi32, #tpu.memory_space<vmem>>
          %dma_wait3A_73 = arith.constant 0 : i32
          %dma_wait3A_74 = arith.constant 0 : i32
          %dma_wait3A_75 = tpu.memref_slice %arg2[%dma_wait3A_73, %dma_wait3A_74] : memref<10000x128xf32, #tpu.memory_space<hbm>> -> memref<10000x128xf32, #tpu.memory_space<hbm>>
          tpu.wait_indirect_dma semaphore(%arg14 : memref<!tpu.dma_semaphore, #tpu.memory_space<semaphore_mem>>) src(%dma_wait3A_75 : memref<10000x128xf32, #tpu.memory_space<hbm>>) dst(%arg11 : memref<128x128xf32, #tpu.memory_space<vmem>>)
          %add3A_76 = arith.constant 2 : i32
          %add3A_77 = arith.addi %add3A_69, %add3A_76 : i32
          %lt3A_78 = arith.constant 40 : i32
          %lt3A_79 = arith.cmpi slt, %add3A_77, %lt3A_78 : i32
          %convert_element_type3A_80 = arith.extui %lt3A_79 : i1 to i32
          %cond3A_81 = arith.constant 0 : i32
          %cond3A_82 = arith.cmpi ne, %convert_element_type3A_80, %cond3A_81 : i32
          scf.if %cond3A_82 {
            %add3A_83 = arith.constant 2 : i32
            %add3A_84 = arith.addi %add3A_69, %add3A_83 : i32
            %dma_start3A_85 = arith.constant 0 : i32
            %dma_start3A_86 = tpu.memref_slice %arg8[%add3A_84, %dma_start3A_85] : memref<40x128xi32, #tpu.memory_space<vmem>> -> memref<1x128xi32, #tpu.memory_space<vmem>>
            %dma_start3A_87 = tpu.memref_squeeze %dma_start3A_86 : memref<1x128xi32, #tpu.memory_space<vmem>> -> memref<128xi32, #tpu.memory_space<vmem>>
            %dma_start3A_88 = arith.constant 0 : i32
            %dma_start3A_89 = arith.constant 0 : i32
            %dma_start3A_90 = tpu.memref_slice %arg2[%dma_start3A_88, %dma_start3A_89] : memref<10000x128xf32, #tpu.memory_space<hbm>> -> memref<10000x128xf32, #tpu.memory_space<hbm>>
            tpu.enqueue_indirect_dma source(%dma_start3A_90 : memref<10000x128xf32, #tpu.memory_space<hbm>>) target(%arg11 : memref<128x128xf32, #tpu.memory_space<vmem>>) offsets(%dma_start3A_87 : memref<128xi32, #tpu.memory_space<vmem>>) semaphore(%arg14 : memref<!tpu.dma_semaphore, #tpu.memory_space<semaphore_mem>>)
          } else {
          }
        }
        %scan3A_48 = arith.constant 20 : i32
      }
      %scan3A_24 = arith.constant 2 : i32
    } else {
    }
    %eq3A_3 = arith.constant 1 : i32
    %eq3A_4 = arith.cmpi eq, %arg0, %eq3A_3 : i32
    %convert_element_type3A_5 = arith.extui %eq3A_4 : i1 to i32
    %cond3A_6 = arith.constant 0 : i32
    %cond3A_7 = arith.cmpi ne, %convert_element_type3A_5, %cond3A_6 : i32
    scf.if %cond3A_7 {
      %scan3A = arith.constant 0 : i32
      %scan3A_20 = arith.constant 0 : i32
      %scan3A_21 = arith.constant 2 : i32
      %scan3A_22 = arith.addi %scan3A_20, %scan3A_21 : i32
      %scan3A_23 = arith.constant 1 : i32
      scf.for %scan3A_25 = %scan3A_20 to %scan3A_22 step %scan3A_23  : i32 {
        %mul3A_26 = arith.constant 80 : i32
        %mul3A_27 = arith.muli %arg1, %mul3A_26 : i32
        %mul3A_28 = arith.constant 40 : i32
        %mul3A_29 = arith.muli %scan3A_25, %mul3A_28 : i32
        %add3A = arith.addi %mul3A_27, %mul3A_29 : i32
        "tpu.region"() ({
          %run_scoped3A = tpu.sem_alloc : memref<!tpu.dma_semaphore, #tpu.memory_space<semaphore_mem>>
          %dma_start3A_49 = arith.constant 0 : i32
          %dma_start3A_50 = tpu.memref_slice %arg4[%add3A, %dma_start3A_49] : memref<1280x128xi32, #tpu.memory_space<hbm>> -> memref<40x128xi32, #tpu.memory_space<hbm>>
          %dma_start3A_51 = arith.constant 0 : i32
          %dma_start3A_52 = tpu.memref_slice %arg4[%add3A, %dma_start3A_51] : memref<1280x128xi32, #tpu.memory_space<hbm>> -> memref<40x128xi32, #tpu.memory_space<hbm>>
          tpu.enqueue_dma source(%dma_start3A_52 : memref<40x128xi32, #tpu.memory_space<hbm>>) target(%arg8 : memref<40x128xi32, #tpu.memory_space<vmem>>) target_semaphore(%run_scoped3A : memref<!tpu.dma_semaphore, #tpu.memory_space<semaphore_mem>>)
          %dma_wait3A = arith.constant 0 : i32
          %dma_wait3A_53 = tpu.memref_slice %arg4[%add3A, %dma_wait3A] : memref<1280x128xi32, #tpu.memory_space<hbm>> -> memref<40x128xi32, #tpu.memory_space<hbm>>
          %dma_wait3A_54 = arith.constant 0 : i32
          %dma_wait3A_55 = tpu.memref_slice %arg4[%add3A, %dma_wait3A_54] : memref<1280x128xi32, #tpu.memory_space<hbm>> -> memref<40x128xi32, #tpu.memory_space<hbm>>
          tpu.wait_dma2 semaphore(%run_scoped3A : memref<!tpu.dma_semaphore, #tpu.memory_space<semaphore_mem>>) src(%dma_wait3A_55 : memref<40x128xi32, #tpu.memory_space<hbm>>) dst(%arg8 : memref<40x128xi32, #tpu.memory_space<vmem>>)
          tpu.yield
        }) : () -> ()
        "tpu.region"() ({
          %run_scoped3A = tpu.sem_alloc : memref<!tpu.dma_semaphore, #tpu.memory_space<semaphore_mem>>
          %dma_start3A_49 = arith.constant 0 : i32
          %dma_start3A_50 = tpu.memref_slice %arg5[%add3A, %dma_start3A_49] : memref<1280x128xi32, #tpu.memory_space<hbm>> -> memref<40x128xi32, #tpu.memory_space<hbm>>
          %dma_start3A_51 = arith.constant 0 : i32
          %dma_start3A_52 = tpu.memref_slice %arg5[%add3A, %dma_start3A_51] : memref<1280x128xi32, #tpu.memory_space<hbm>> -> memref<40x128xi32, #tpu.memory_space<hbm>>
          tpu.enqueue_dma source(%dma_start3A_52 : memref<40x128xi32, #tpu.memory_space<hbm>>) target(%arg9 : memref<40x128xi32, #tpu.memory_space<vmem>>) target_semaphore(%run_scoped3A : memref<!tpu.dma_semaphore, #tpu.memory_space<semaphore_mem>>)
          %dma_wait3A = arith.constant 0 : i32
          %dma_wait3A_53 = tpu.memref_slice %arg5[%add3A, %dma_wait3A] : memref<1280x128xi32, #tpu.memory_space<hbm>> -> memref<40x128xi32, #tpu.memory_space<hbm>>
          %dma_wait3A_54 = arith.constant 0 : i32
          %dma_wait3A_55 = tpu.memref_slice %arg5[%add3A, %dma_wait3A_54] : memref<1280x128xi32, #tpu.memory_space<hbm>> -> memref<40x128xi32, #tpu.memory_space<hbm>>
          tpu.wait_dma2 semaphore(%run_scoped3A : memref<!tpu.dma_semaphore, #tpu.memory_space<semaphore_mem>>) src(%dma_wait3A_55 : memref<40x128xi32, #tpu.memory_space<hbm>>) dst(%arg9 : memref<40x128xi32, #tpu.memory_space<vmem>>)
          tpu.yield
        }) : () -> ()
        %dma_start3A = arith.constant 0 : i32
        %dma_start3A_30 = arith.constant 0 : i32
        %dma_start3A_31 = tpu.memref_slice %arg8[%dma_start3A, %dma_start3A_30] : memref<40x128xi32, #tpu.memory_space<vmem>> -> memref<1x128xi32, #tpu.memory_space<vmem>>
        %dma_start3A_32 = tpu.memref_squeeze %dma_start3A_31 : memref<1x128xi32, #tpu.memory_space<vmem>> -> memref<128xi32, #tpu.memory_space<vmem>>
        %dma_start3A_33 = arith.constant 0 : i32
        %dma_start3A_34 = arith.constant 0 : i32
        %dma_start3A_35 = tpu.memref_slice %arg3[%dma_start3A_33, %dma_start3A_34] : memref<10000x128xf32, #tpu.memory_space<hbm>> -> memref<10000x128xf32, #tpu.memory_space<hbm>>
        tpu.enqueue_indirect_dma source(%dma_start3A_35 : memref<10000x128xf32, #tpu.memory_space<hbm>>) target(%arg10 : memref<128x128xf32, #tpu.memory_space<vmem>>) offsets(%dma_start3A_32 : memref<128xi32, #tpu.memory_space<vmem>>) semaphore(%arg13 : memref<!tpu.dma_semaphore, #tpu.memory_space<semaphore_mem>>)
        %dma_start3A_36 = arith.constant 1 : i32
        %dma_start3A_37 = arith.constant 0 : i32
        %dma_start3A_38 = tpu.memref_slice %arg8[%dma_start3A_36, %dma_start3A_37] : memref<40x128xi32, #tpu.memory_space<vmem>> -> memref<1x128xi32, #tpu.memory_space<vmem>>
        %dma_start3A_39 = tpu.memref_squeeze %dma_start3A_38 : memref<1x128xi32, #tpu.memory_space<vmem>> -> memref<128xi32, #tpu.memory_space<vmem>>
        %dma_start3A_40 = arith.constant 0 : i32
        %dma_start3A_41 = arith.constant 0 : i32
        %dma_start3A_42 = tpu.memref_slice %arg3[%dma_start3A_40, %dma_start3A_41] : memref<10000x128xf32, #tpu.memory_space<hbm>> -> memref<10000x128xf32, #tpu.memory_space<hbm>>
        tpu.enqueue_indirect_dma source(%dma_start3A_42 : memref<10000x128xf32, #tpu.memory_space<hbm>>) target(%arg11 : memref<128x128xf32, #tpu.memory_space<vmem>>) offsets(%dma_start3A_39 : memref<128xi32, #tpu.memory_space<vmem>>) semaphore(%arg14 : memref<!tpu.dma_semaphore, #tpu.memory_space<semaphore_mem>>)
        %scan3A_43 = arith.constant 0 : i32
        %scan3A_44 = arith.constant 0 : i32
        %scan3A_45 = arith.constant 20 : i32
        %scan3A_46 = arith.addi %scan3A_44, %scan3A_45 : i32
        %scan3A_47 = arith.constant 1 : i32
        scf.for %scan3A_49 = %scan3A_44 to %scan3A_46 step %scan3A_47  : i32 {
          %mul3A_50 = arith.constant 2 : i32
          %mul3A_51 = arith.muli %mul3A_50, %scan3A_49 : i32
          %add3A_52 = arith.constant 0 : i32
          %add3A_53 = arith.addi %mul3A_51, %add3A_52 : i32
          %dma_wait3A = arith.constant 0 : i32
          %dma_wait3A_54 = tpu.memref_slice %arg8[%add3A_53, %dma_wait3A] : memref<40x128xi32, #tpu.memory_space<vmem>> -> memref<1x128xi32, #tpu.memory_space<vmem>>
          %dma_wait3A_55 = tpu.memref_squeeze %dma_wait3A_54 : memref<1x128xi32, #tpu.memory_space<vmem>> -> memref<128xi32, #tpu.memory_space<vmem>>
          %dma_wait3A_56 = arith.constant 0 : i32
          %dma_wait3A_57 = arith.constant 0 : i32
          %dma_wait3A_58 = tpu.memref_slice %arg3[%dma_wait3A_56, %dma_wait3A_57] : memref<10000x128xf32, #tpu.memory_space<hbm>> -> memref<10000x128xf32, #tpu.memory_space<hbm>>
          tpu.wait_indirect_dma semaphore(%arg13 : memref<!tpu.dma_semaphore, #tpu.memory_space<semaphore_mem>>) src(%dma_wait3A_58 : memref<10000x128xf32, #tpu.memory_space<hbm>>) dst(%arg10 : memref<128x128xf32, #tpu.memory_space<vmem>>)
          %add3A_59 = arith.constant 2 : i32
          %add3A_60 = arith.addi %add3A_53, %add3A_59 : i32
          %lt3A_61 = arith.constant 40 : i32
          %lt3A_62 = arith.cmpi slt, %add3A_60, %lt3A_61 : i32
          %convert_element_type3A_63 = arith.extui %lt3A_62 : i1 to i32
          %cond3A_64 = arith.constant 0 : i32
          %cond3A_65 = arith.cmpi ne, %convert_element_type3A_63, %cond3A_64 : i32
          scf.if %cond3A_65 {
            %add3A_83 = arith.constant 2 : i32
            %add3A_84 = arith.addi %add3A_53, %add3A_83 : i32
            %dma_start3A_85 = arith.constant 0 : i32
            %dma_start3A_86 = tpu.memref_slice %arg8[%add3A_84, %dma_start3A_85] : memref<40x128xi32, #tpu.memory_space<vmem>> -> memref<1x128xi32, #tpu.memory_space<vmem>>
            %dma_start3A_87 = tpu.memref_squeeze %dma_start3A_86 : memref<1x128xi32, #tpu.memory_space<vmem>> -> memref<128xi32, #tpu.memory_space<vmem>>
            %dma_start3A_88 = arith.constant 0 : i32
            %dma_start3A_89 = arith.constant 0 : i32
            %dma_start3A_90 = tpu.memref_slice %arg3[%dma_start3A_88, %dma_start3A_89] : memref<10000x128xf32, #tpu.memory_space<hbm>> -> memref<10000x128xf32, #tpu.memory_space<hbm>>
            tpu.enqueue_indirect_dma source(%dma_start3A_90 : memref<10000x128xf32, #tpu.memory_space<hbm>>) target(%arg10 : memref<128x128xf32, #tpu.memory_space<vmem>>) offsets(%dma_start3A_87 : memref<128xi32, #tpu.memory_space<vmem>>) semaphore(%arg13 : memref<!tpu.dma_semaphore, #tpu.memory_space<semaphore_mem>>)
          } else {
          }
          %mul3A_66 = arith.constant 2 : i32
          %mul3A_67 = arith.muli %mul3A_66, %scan3A_49 : i32
          %add3A_68 = arith.constant 1 : i32
          %add3A_69 = arith.addi %mul3A_67, %add3A_68 : i32
          %dma_wait3A_70 = arith.constant 0 : i32
          %dma_wait3A_71 = tpu.memref_slice %arg8[%add3A_69, %dma_wait3A_70] : memref<40x128xi32, #tpu.memory_space<vmem>> -> memref<1x128xi32, #tpu.memory_space<vmem>>
          %dma_wait3A_72 = tpu.memref_squeeze %dma_wait3A_71 : memref<1x128xi32, #tpu.memory_space<vmem>> -> memref<128xi32, #tpu.memory_space<vmem>>
          %dma_wait3A_73 = arith.constant 0 : i32
          %dma_wait3A_74 = arith.constant 0 : i32
          %dma_wait3A_75 = tpu.memref_slice %arg3[%dma_wait3A_73, %dma_wait3A_74] : memref<10000x128xf32, #tpu.memory_space<hbm>> -> memref<10000x128xf32, #tpu.memory_space<hbm>>
          tpu.wait_indirect_dma semaphore(%arg14 : memref<!tpu.dma_semaphore, #tpu.memory_space<semaphore_mem>>) src(%dma_wait3A_75 : memref<10000x128xf32, #tpu.memory_space<hbm>>) dst(%arg11 : memref<128x128xf32, #tpu.memory_space<vmem>>)
          %add3A_76 = arith.constant 2 : i32
          %add3A_77 = arith.addi %add3A_69, %add3A_76 : i32
          %lt3A_78 = arith.constant 40 : i32
          %lt3A_79 = arith.cmpi slt, %add3A_77, %lt3A_78 : i32
          %convert_element_type3A_80 = arith.extui %lt3A_79 : i1 to i32
          %cond3A_81 = arith.constant 0 : i32
          %cond3A_82 = arith.cmpi ne, %convert_element_type3A_80, %cond3A_81 : i32
          scf.if %cond3A_82 {
            %add3A_83 = arith.constant 2 : i32
            %add3A_84 = arith.addi %add3A_69, %add3A_83 : i32
            %dma_start3A_85 = arith.constant 0 : i32
            %dma_start3A_86 = tpu.memref_slice %arg8[%add3A_84, %dma_start3A_85] : memref<40x128xi32, #tpu.memory_space<vmem>> -> memref<1x128xi32, #tpu.memory_space<vmem>>
            %dma_start3A_87 = tpu.memref_squeeze %dma_start3A_86 : memref<1x128xi32, #tpu.memory_space<vmem>> -> memref<128xi32, #tpu.memory_space<vmem>>
            %dma_start3A_88 = arith.constant 0 : i32
            %dma_start3A_89 = arith.constant 0 : i32
            %dma_start3A_90 = tpu.memref_slice %arg3[%dma_start3A_88, %dma_start3A_89] : memref<10000x128xf32, #tpu.memory_space<hbm>> -> memref<10000x128xf32, #tpu.memory_space<hbm>>
            tpu.enqueue_indirect_dma source(%dma_start3A_90 : memref<10000x128xf32, #tpu.memory_space<hbm>>) target(%arg11 : memref<128x128xf32, #tpu.memory_space<vmem>>) offsets(%dma_start3A_87 : memref<128xi32, #tpu.memory_space<vmem>>) semaphore(%arg14 : memref<!tpu.dma_semaphore, #tpu.memory_space<semaphore_mem>>)
          } else {
          }
        }
        %scan3A_48 = arith.constant 20 : i32
      }
      %scan3A_24 = arith.constant 2 : i32
    } else {
    }
    %barrier3A_8 = arith.constant 0 : index
    tpu.barrier barrier_id(%barrier3A_8)
    %mul3A_9 = arith.constant 632 : i32
    %mul3A_10 = arith.muli %arg1, %mul3A_9 : i32
    %lt3A = arith.constant 15 : i32
    %lt3A_11 = arith.cmpi slt, %arg1, %lt3A : i32
    %convert_element_type3A_12 = arith.extui %lt3A_11 : i1 to i32
    %cond3A_13 = arith.constant 0 : i32
    %cond3A_14 = arith.cmpi ne, %convert_element_type3A_12, %cond3A_13 : i32
    scf.if %cond3A_14 {
      "tpu.region"() ({
        %run_scoped3A = tpu.sem_alloc : memref<!tpu.dma_semaphore, #tpu.memory_space<semaphore_mem>>
        %dma_start3A = arith.constant 0 : i32
        %dma_start3A_20 = tpu.memref_slice %arg7[%arg0, %mul3A_10, %dma_start3A] : memref<2x10000x128xf32, #tpu.memory_space<hbm>> -> memref<1x632x128xf32, #tpu.memory_space<hbm>>
        %dma_start3A_21 = tpu.memref_squeeze %dma_start3A_20 : memref<1x632x128xf32, #tpu.memory_space<hbm>> -> memref<632x128xf32, #tpu.memory_space<hbm>>
        %dma_start3A_22 = arith.constant 0 : i32
        %dma_start3A_23 = tpu.memref_slice %arg12[%mul3A_10, %dma_start3A_22] : memref<10112x128xf32, #tpu.memory_space<vmem_shared>> -> memref<632x128xf32, #tpu.memory_space<vmem_shared>>
        tpu.enqueue_dma source(%dma_start3A_23 : memref<632x128xf32, #tpu.memory_space<vmem_shared>>) target(%dma_start3A_21 : memref<632x128xf32, #tpu.memory_space<hbm>>) target_semaphore(%run_scoped3A : memref<!tpu.dma_semaphore, #tpu.memory_space<semaphore_mem>>)
        %dma_wait3A = arith.constant 0 : i32
        %dma_wait3A_24 = tpu.memref_slice %arg7[%arg0, %mul3A_10, %dma_wait3A] : memref<2x10000x128xf32, #tpu.memory_space<hbm>> -> memref<1x632x128xf32, #tpu.memory_space<hbm>>
        %dma_wait3A_25 = tpu.memref_squeeze %dma_wait3A_24 : memref<1x632x128xf32, #tpu.memory_space<hbm>> -> memref<632x128xf32, #tpu.memory_space<hbm>>
        %dma_wait3A_26 = arith.constant 0 : i32
        %dma_wait3A_27 = tpu.memref_slice %arg12[%mul3A_10, %dma_wait3A_26] : memref<10112x128xf32, #tpu.memory_space<vmem_shared>> -> memref<632x128xf32, #tpu.memory_space<vmem_shared>>
        tpu.wait_dma2 semaphore(%run_scoped3A : memref<!tpu.dma_semaphore, #tpu.memory_space<semaphore_mem>>) src(%dma_wait3A_27 : memref<632x128xf32, #tpu.memory_space<vmem_shared>>) dst(%dma_wait3A_25 : memref<632x128xf32, #tpu.memory_space<hbm>>)
        tpu.yield
      }) : () -> ()
    } else {
    }
    %eq3A_15 = arith.constant 15 : i32
    %eq3A_16 = arith.cmpi eq, %arg1, %eq3A_15 : i32
    %convert_element_type3A_17 = arith.extui %eq3A_16 : i1 to i32
    %cond3A_18 = arith.constant 0 : i32
    %cond3A_19 = arith.cmpi ne, %convert_element_type3A_17, %cond3A_18 : i32
    scf.if %cond3A_19 {
      "tpu.region"() ({
        %run_scoped3A = tpu.sem_alloc : memref<!tpu.dma_semaphore, #tpu.memory_space<semaphore_mem>>
        %dma_start3A = arith.constant 0 : i32
        %dma_start3A_20 = tpu.memref_slice %arg7[%arg0, %mul3A_10, %dma_start3A] : memref<2x10000x128xf32, #tpu.memory_space<hbm>> -> memref<1x520x128xf32, #tpu.memory_space<hbm>>
        %dma_start3A_21 = tpu.memref_squeeze %dma_start3A_20 : memref<1x520x128xf32, #tpu.memory_space<hbm>> -> memref<520x128xf32, #tpu.memory_space<hbm>>
        %dma_start3A_22 = arith.constant 0 : i32
        %dma_start3A_23 = tpu.memref_slice %arg12[%mul3A_10, %dma_start3A_22] : memref<10112x128xf32, #tpu.memory_space<vmem_shared>> -> memref<520x128xf32, #tpu.memory_space<vmem_shared>>
        tpu.enqueue_dma source(%dma_start3A_23 : memref<520x128xf32, #tpu.memory_space<vmem_shared>>) target(%dma_start3A_21 : memref<520x128xf32, #tpu.memory_space<hbm>>) target_semaphore(%run_scoped3A : memref<!tpu.dma_semaphore, #tpu.memory_space<semaphore_mem>>)
        %dma_wait3A = arith.constant 0 : i32
        %dma_wait3A_24 = tpu.memref_slice %arg7[%arg0, %mul3A_10, %dma_wait3A] : memref<2x10000x128xf32, #tpu.memory_space<hbm>> -> memref<1x520x128xf32, #tpu.memory_space<hbm>>
        %dma_wait3A_25 = tpu.memref_squeeze %dma_wait3A_24 : memref<1x520x128xf32, #tpu.memory_space<hbm>> -> memref<520x128xf32, #tpu.memory_space<hbm>>
        %dma_wait3A_26 = arith.constant 0 : i32
        %dma_wait3A_27 = tpu.memref_slice %arg12[%mul3A_10, %dma_wait3A_26] : memref<10112x128xf32, #tpu.memory_space<vmem_shared>> -> memref<520x128xf32, #tpu.memory_space<vmem_shared>>
        tpu.wait_dma2 semaphore(%run_scoped3A : memref<!tpu.dma_semaphore, #tpu.memory_space<semaphore_mem>>) src(%dma_wait3A_27 : memref<520x128xf32, #tpu.memory_space<vmem_shared>>) dst(%dma_wait3A_25 : memref<520x128xf32, #tpu.memory_space<hbm>>)
        tpu.yield
      }) : () -> ()
    } else {
    }
    return
  }
}

#map = affine_map<(d0, d1) -> (0, 0)>
#map1 = affine_map<(d0, d1) -> (0, 0, 0)>
module attributes {stable_mosaic.version = 14 : i64} {
  func.func @sc_k(%arg0: i32, %arg1: i32, %arg2: memref<10000x128xf32, #tpu.memory_space<hbm>>, %arg3: memref<10000x128xf32, #tpu.memory_space<hbm>>, %arg4: memref<1280x128xi32, #tpu.memory_space<hbm>>, %arg5: memref<1280x128xi32, #tpu.memory_space<hbm>>, %arg6: memref<632x128xf32, #tpu.memory_space<hbm>>, %arg7: memref<2x10000x128xf32, #tpu.memory_space<hbm>>, %arg8: memref<40x128xi32, #tpu.memory_space<vmem>>, %arg9: memref<40x128xi32, #tpu.memory_space<vmem>>, %arg10: memref<128x128xf32, #tpu.memory_space<vmem>>, %arg11: memref<128x128xf32, #tpu.memory_space<vmem>>, %arg12: memref<10112x128xf32, #tpu.memory_space<vmem_shared>>, %arg13: memref<!tpu.dma_semaphore, #tpu.memory_space<semaphore_mem>>, %arg14: memref<!tpu.dma_semaphore, #tpu.memory_space<semaphore_mem>>, %arg15: memref<!tpu.dma_semaphore, #tpu.memory_space<semaphore_mem>>, %arg16: memref<!tpu.dma_semaphore, #tpu.memory_space<semaphore_mem>>) attributes {dimension_semantics = [#tpu.dimension_semantics<core_parallel>, #tpu.dimension_semantics<subcore_parallel>], iteration_bounds = array<i64: 2, 16>, scalar_prefetch = 0 : i64, scratch_operands = 9 : i64, tpu.core_type = #tpu.core_type<sc_vector_subcore>, window_params = [{transform_indices = #map}, {transform_indices = #map}, {transform_indices = #map}, {transform_indices = #map}, {transform_indices = #map}, {transform_indices = #map1}]} {
    %mul3A = arith.constant 632 : i32
    %mul3A_0 = arith.muli %arg1, %mul3A : i32
    "tpu.region"() ({
      %run_scoped3A = tpu.sem_alloc : memref<!tpu.dma_semaphore, #tpu.memory_space<semaphore_mem>>
      %dma_start3A = arith.constant 0 : i32
      %dma_start3A_20 = tpu.memref_slice %arg12[%mul3A_0, %dma_start3A] : memref<10112x128xf32, #tpu.memory_space<vmem_shared>> -> memref<632x128xf32, #tpu.memory_space<vmem_shared>>
      tpu.enqueue_dma source(%arg6 : memref<632x128xf32, #tpu.memory_space<hbm>>) target(%dma_start3A_20 : memref<632x128xf32, #tpu.memory_space<vmem_shared>>) target_semaphore(%run_scoped3A : memref<!tpu.dma_semaphore, #tpu.memory_space<semaphore_mem>>)
      %dma_wait3A = arith.constant 0 : i32
      %dma_wait3A_21 = tpu.memref_slice %arg12[%mul3A_0, %dma_wait3A] : memref<10112x128xf32, #tpu.memory_space<vmem_shared>> -> memref<632x128xf32, #tpu.memory_space<vmem_shared>>
      tpu.wait_dma2 semaphore(%run_scoped3A : memref<!tpu.dma_semaphore, #tpu.memory_space<semaphore_mem>>) src(%arg6 : memref<632x128xf32, #tpu.memory_space<hbm>>) dst(%dma_wait3A_21 : memref<632x128xf32, #tpu.memory_space<vmem_shared>>)
      tpu.yield
    }) : () -> ()
    %barrier3A = arith.constant 0 : index
    tpu.barrier barrier_id(%barrier3A)
    %eq3A = arith.constant 0 : i32
    %eq3A_1 = arith.cmpi eq, %arg0, %eq3A : i32
    %convert_element_type3A = arith.extui %eq3A_1 : i1 to i32
    %cond3A = arith.constant 0 : i32
    %cond3A_2 = arith.cmpi ne, %convert_element_type3A, %cond3A : i32
    scf.if %cond3A_2 {
      %scan3A = arith.constant 0 : i32
      %scan3A_20 = arith.constant 0 : i32
      %scan3A_21 = arith.constant 2 : i32
      %scan3A_22 = arith.addi %scan3A_20, %scan3A_21 : i32
      %scan3A_23 = arith.constant 1 : i32
      scf.for %scan3A_25 = %scan3A_20 to %scan3A_22 step %scan3A_23  : i32 {
        %mul3A_26 = arith.constant 80 : i32
        %mul3A_27 = arith.muli %arg1, %mul3A_26 : i32
        %mul3A_28 = arith.constant 40 : i32
        %mul3A_29 = arith.muli %scan3A_25, %mul3A_28 : i32
        %add3A = arith.addi %mul3A_27, %mul3A_29 : i32
        "tpu.region"() ({
          %run_scoped3A = tpu.sem_alloc : memref<!tpu.dma_semaphore, #tpu.memory_space<semaphore_mem>>
          %dma_start3A_49 = arith.constant 0 : i32
          %dma_start3A_50 = tpu.memref_slice %arg4[%add3A, %dma_start3A_49] : memref<1280x128xi32, #tpu.memory_space<hbm>> -> memref<40x128xi32, #tpu.memory_space<hbm>>
          %dma_start3A_51 = arith.constant 0 : i32
          %dma_start3A_52 = tpu.memref_slice %arg4[%add3A, %dma_start3A_51] : memref<1280x128xi32, #tpu.memory_space<hbm>> -> memref<40x128xi32, #tpu.memory_space<hbm>>
          tpu.enqueue_dma source(%dma_start3A_52 : memref<40x128xi32, #tpu.memory_space<hbm>>) target(%arg8 : memref<40x128xi32, #tpu.memory_space<vmem>>) target_semaphore(%run_scoped3A : memref<!tpu.dma_semaphore, #tpu.memory_space<semaphore_mem>>)
          %dma_wait3A = arith.constant 0 : i32
          %dma_wait3A_53 = tpu.memref_slice %arg4[%add3A, %dma_wait3A] : memref<1280x128xi32, #tpu.memory_space<hbm>> -> memref<40x128xi32, #tpu.memory_space<hbm>>
          %dma_wait3A_54 = arith.constant 0 : i32
          %dma_wait3A_55 = tpu.memref_slice %arg4[%add3A, %dma_wait3A_54] : memref<1280x128xi32, #tpu.memory_space<hbm>> -> memref<40x128xi32, #tpu.memory_space<hbm>>
          tpu.wait_dma2 semaphore(%run_scoped3A : memref<!tpu.dma_semaphore, #tpu.memory_space<semaphore_mem>>) src(%dma_wait3A_55 : memref<40x128xi32, #tpu.memory_space<hbm>>) dst(%arg8 : memref<40x128xi32, #tpu.memory_space<vmem>>)
          tpu.yield
        }) : () -> ()
        "tpu.region"() ({
          %run_scoped3A = tpu.sem_alloc : memref<!tpu.dma_semaphore, #tpu.memory_space<semaphore_mem>>
          %dma_start3A_49 = arith.constant 0 : i32
          %dma_start3A_50 = tpu.memref_slice %arg5[%add3A, %dma_start3A_49] : memref<1280x128xi32, #tpu.memory_space<hbm>> -> memref<40x128xi32, #tpu.memory_space<hbm>>
          %dma_start3A_51 = arith.constant 0 : i32
          %dma_start3A_52 = tpu.memref_slice %arg5[%add3A, %dma_start3A_51] : memref<1280x128xi32, #tpu.memory_space<hbm>> -> memref<40x128xi32, #tpu.memory_space<hbm>>
          tpu.enqueue_dma source(%dma_start3A_52 : memref<40x128xi32, #tpu.memory_space<hbm>>) target(%arg9 : memref<40x128xi32, #tpu.memory_space<vmem>>) target_semaphore(%run_scoped3A : memref<!tpu.dma_semaphore, #tpu.memory_space<semaphore_mem>>)
          %dma_wait3A = arith.constant 0 : i32
          %dma_wait3A_53 = tpu.memref_slice %arg5[%add3A, %dma_wait3A] : memref<1280x128xi32, #tpu.memory_space<hbm>> -> memref<40x128xi32, #tpu.memory_space<hbm>>
          %dma_wait3A_54 = arith.constant 0 : i32
          %dma_wait3A_55 = tpu.memref_slice %arg5[%add3A, %dma_wait3A_54] : memref<1280x128xi32, #tpu.memory_space<hbm>> -> memref<40x128xi32, #tpu.memory_space<hbm>>
          tpu.wait_dma2 semaphore(%run_scoped3A : memref<!tpu.dma_semaphore, #tpu.memory_space<semaphore_mem>>) src(%dma_wait3A_55 : memref<40x128xi32, #tpu.memory_space<hbm>>) dst(%arg9 : memref<40x128xi32, #tpu.memory_space<vmem>>)
          tpu.yield
        }) : () -> ()
        %dma_start3A = arith.constant 0 : i32
        %dma_start3A_30 = arith.constant 0 : i32
        %dma_start3A_31 = tpu.memref_slice %arg8[%dma_start3A, %dma_start3A_30] : memref<40x128xi32, #tpu.memory_space<vmem>> -> memref<1x128xi32, #tpu.memory_space<vmem>>
        %dma_start3A_32 = tpu.memref_squeeze %dma_start3A_31 : memref<1x128xi32, #tpu.memory_space<vmem>> -> memref<128xi32, #tpu.memory_space<vmem>>
        %dma_start3A_33 = arith.constant 0 : i32
        %dma_start3A_34 = arith.constant 0 : i32
        %dma_start3A_35 = tpu.memref_slice %arg2[%dma_start3A_33, %dma_start3A_34] : memref<10000x128xf32, #tpu.memory_space<hbm>> -> memref<10000x128xf32, #tpu.memory_space<hbm>>
        tpu.enqueue_indirect_dma source(%dma_start3A_35 : memref<10000x128xf32, #tpu.memory_space<hbm>>) target(%arg10 : memref<128x128xf32, #tpu.memory_space<vmem>>) offsets(%dma_start3A_32 : memref<128xi32, #tpu.memory_space<vmem>>) semaphore(%arg13 : memref<!tpu.dma_semaphore, #tpu.memory_space<semaphore_mem>>)
        %dma_start3A_36 = arith.constant 1 : i32
        %dma_start3A_37 = arith.constant 0 : i32
        %dma_start3A_38 = tpu.memref_slice %arg8[%dma_start3A_36, %dma_start3A_37] : memref<40x128xi32, #tpu.memory_space<vmem>> -> memref<1x128xi32, #tpu.memory_space<vmem>>
        %dma_start3A_39 = tpu.memref_squeeze %dma_start3A_38 : memref<1x128xi32, #tpu.memory_space<vmem>> -> memref<128xi32, #tpu.memory_space<vmem>>
        %dma_start3A_40 = arith.constant 0 : i32
        %dma_start3A_41 = arith.constant 0 : i32
        %dma_start3A_42 = tpu.memref_slice %arg2[%dma_start3A_40, %dma_start3A_41] : memref<10000x128xf32, #tpu.memory_space<hbm>> -> memref<10000x128xf32, #tpu.memory_space<hbm>>
        tpu.enqueue_indirect_dma source(%dma_start3A_42 : memref<10000x128xf32, #tpu.memory_space<hbm>>) target(%arg11 : memref<128x128xf32, #tpu.memory_space<vmem>>) offsets(%dma_start3A_39 : memref<128xi32, #tpu.memory_space<vmem>>) semaphore(%arg14 : memref<!tpu.dma_semaphore, #tpu.memory_space<semaphore_mem>>)
        %scan3A_43 = arith.constant 0 : i32
        %scan3A_44 = arith.constant 0 : i32
        %scan3A_45 = arith.constant 20 : i32
        %scan3A_46 = arith.addi %scan3A_44, %scan3A_45 : i32
        %scan3A_47 = arith.constant 1 : i32
        scf.for %scan3A_49 = %scan3A_44 to %scan3A_46 step %scan3A_47  : i32 {
          %mul3A_50 = arith.constant 2 : i32
          %mul3A_51 = arith.muli %mul3A_50, %scan3A_49 : i32
          %add3A_52 = arith.constant 0 : i32
          %add3A_53 = arith.addi %mul3A_51, %add3A_52 : i32
          %dma_wait3A = arith.constant 0 : i32
          %dma_wait3A_54 = tpu.memref_slice %arg8[%add3A_53, %dma_wait3A] : memref<40x128xi32, #tpu.memory_space<vmem>> -> memref<1x128xi32, #tpu.memory_space<vmem>>
          %dma_wait3A_55 = tpu.memref_squeeze %dma_wait3A_54 : memref<1x128xi32, #tpu.memory_space<vmem>> -> memref<128xi32, #tpu.memory_space<vmem>>
          %dma_wait3A_56 = arith.constant 0 : i32
          %dma_wait3A_57 = arith.constant 0 : i32
          %dma_wait3A_58 = tpu.memref_slice %arg2[%dma_wait3A_56, %dma_wait3A_57] : memref<10000x128xf32, #tpu.memory_space<hbm>> -> memref<10000x128xf32, #tpu.memory_space<hbm>>
          tpu.wait_indirect_dma semaphore(%arg13 : memref<!tpu.dma_semaphore, #tpu.memory_space<semaphore_mem>>) src(%dma_wait3A_58 : memref<10000x128xf32, #tpu.memory_space<hbm>>) dst(%arg10 : memref<128x128xf32, #tpu.memory_space<vmem>>)
          %add3A_59 = arith.constant 2 : i32
          %add3A_60 = arith.addi %add3A_53, %add3A_59 : i32
          %lt3A_61 = arith.constant 40 : i32
          %lt3A_62 = arith.cmpi slt, %add3A_60, %lt3A_61 : i32
          %convert_element_type3A_63 = arith.extui %lt3A_62 : i1 to i32
          %cond3A_64 = arith.constant 0 : i32
          %cond3A_65 = arith.cmpi ne, %convert_element_type3A_63, %cond3A_64 : i32
          scf.if %cond3A_65 {
            %add3A_83 = arith.constant 2 : i32
            %add3A_84 = arith.addi %add3A_53, %add3A_83 : i32
            %dma_start3A_85 = arith.constant 0 : i32
            %dma_start3A_86 = tpu.memref_slice %arg8[%add3A_84, %dma_start3A_85] : memref<40x128xi32, #tpu.memory_space<vmem>> -> memref<1x128xi32, #tpu.memory_space<vmem>>
            %dma_start3A_87 = tpu.memref_squeeze %dma_start3A_86 : memref<1x128xi32, #tpu.memory_space<vmem>> -> memref<128xi32, #tpu.memory_space<vmem>>
            %dma_start3A_88 = arith.constant 0 : i32
            %dma_start3A_89 = arith.constant 0 : i32
            %dma_start3A_90 = tpu.memref_slice %arg2[%dma_start3A_88, %dma_start3A_89] : memref<10000x128xf32, #tpu.memory_space<hbm>> -> memref<10000x128xf32, #tpu.memory_space<hbm>>
            tpu.enqueue_indirect_dma source(%dma_start3A_90 : memref<10000x128xf32, #tpu.memory_space<hbm>>) target(%arg10 : memref<128x128xf32, #tpu.memory_space<vmem>>) offsets(%dma_start3A_87 : memref<128xi32, #tpu.memory_space<vmem>>) semaphore(%arg13 : memref<!tpu.dma_semaphore, #tpu.memory_space<semaphore_mem>>)
          } else {
          }
          %mul3A_66 = arith.constant 2 : i32
          %mul3A_67 = arith.muli %mul3A_66, %scan3A_49 : i32
          %add3A_68 = arith.constant 1 : i32
          %add3A_69 = arith.addi %mul3A_67, %add3A_68 : i32
          %dma_wait3A_70 = arith.constant 0 : i32
          %dma_wait3A_71 = tpu.memref_slice %arg8[%add3A_69, %dma_wait3A_70] : memref<40x128xi32, #tpu.memory_space<vmem>> -> memref<1x128xi32, #tpu.memory_space<vmem>>
          %dma_wait3A_72 = tpu.memref_squeeze %dma_wait3A_71 : memref<1x128xi32, #tpu.memory_space<vmem>> -> memref<128xi32, #tpu.memory_space<vmem>>
          %dma_wait3A_73 = arith.constant 0 : i32
          %dma_wait3A_74 = arith.constant 0 : i32
          %dma_wait3A_75 = tpu.memref_slice %arg2[%dma_wait3A_73, %dma_wait3A_74] : memref<10000x128xf32, #tpu.memory_space<hbm>> -> memref<10000x128xf32, #tpu.memory_space<hbm>>
          tpu.wait_indirect_dma semaphore(%arg14 : memref<!tpu.dma_semaphore, #tpu.memory_space<semaphore_mem>>) src(%dma_wait3A_75 : memref<10000x128xf32, #tpu.memory_space<hbm>>) dst(%arg11 : memref<128x128xf32, #tpu.memory_space<vmem>>)
          %add3A_76 = arith.constant 2 : i32
          %add3A_77 = arith.addi %add3A_69, %add3A_76 : i32
          %lt3A_78 = arith.constant 40 : i32
          %lt3A_79 = arith.cmpi slt, %add3A_77, %lt3A_78 : i32
          %convert_element_type3A_80 = arith.extui %lt3A_79 : i1 to i32
          %cond3A_81 = arith.constant 0 : i32
          %cond3A_82 = arith.cmpi ne, %convert_element_type3A_80, %cond3A_81 : i32
          scf.if %cond3A_82 {
            %add3A_83 = arith.constant 2 : i32
            %add3A_84 = arith.addi %add3A_69, %add3A_83 : i32
            %dma_start3A_85 = arith.constant 0 : i32
            %dma_start3A_86 = tpu.memref_slice %arg8[%add3A_84, %dma_start3A_85] : memref<40x128xi32, #tpu.memory_space<vmem>> -> memref<1x128xi32, #tpu.memory_space<vmem>>
            %dma_start3A_87 = tpu.memref_squeeze %dma_start3A_86 : memref<1x128xi32, #tpu.memory_space<vmem>> -> memref<128xi32, #tpu.memory_space<vmem>>
            %dma_start3A_88 = arith.constant 0 : i32
            %dma_start3A_89 = arith.constant 0 : i32
            %dma_start3A_90 = tpu.memref_slice %arg2[%dma_start3A_88, %dma_start3A_89] : memref<10000x128xf32, #tpu.memory_space<hbm>> -> memref<10000x128xf32, #tpu.memory_space<hbm>>
            tpu.enqueue_indirect_dma source(%dma_start3A_90 : memref<10000x128xf32, #tpu.memory_space<hbm>>) target(%arg11 : memref<128x128xf32, #tpu.memory_space<vmem>>) offsets(%dma_start3A_87 : memref<128xi32, #tpu.memory_space<vmem>>) semaphore(%arg14 : memref<!tpu.dma_semaphore, #tpu.memory_space<semaphore_mem>>)
          } else {
          }
        }
        %scan3A_48 = arith.constant 20 : i32
      }
      %scan3A_24 = arith.constant 2 : i32
    } else {
    }
    %eq3A_3 = arith.constant 1 : i32
    %eq3A_4 = arith.cmpi eq, %arg0, %eq3A_3 : i32
    %convert_element_type3A_5 = arith.extui %eq3A_4 : i1 to i32
    %cond3A_6 = arith.constant 0 : i32
    %cond3A_7 = arith.cmpi ne, %convert_element_type3A_5, %cond3A_6 : i32
    scf.if %cond3A_7 {
      %scan3A = arith.constant 0 : i32
      %scan3A_20 = arith.constant 0 : i32
      %scan3A_21 = arith.constant 2 : i32
      %scan3A_22 = arith.addi %scan3A_20, %scan3A_21 : i32
      %scan3A_23 = arith.constant 1 : i32
      scf.for %scan3A_25 = %scan3A_20 to %scan3A_22 step %scan3A_23  : i32 {
        %mul3A_26 = arith.constant 80 : i32
        %mul3A_27 = arith.muli %arg1, %mul3A_26 : i32
        %mul3A_28 = arith.constant 40 : i32
        %mul3A_29 = arith.muli %scan3A_25, %mul3A_28 : i32
        %add3A = arith.addi %mul3A_27, %mul3A_29 : i32
        "tpu.region"() ({
          %run_scoped3A = tpu.sem_alloc : memref<!tpu.dma_semaphore, #tpu.memory_space<semaphore_mem>>
          %dma_start3A_49 = arith.constant 0 : i32
          %dma_start3A_50 = tpu.memref_slice %arg4[%add3A, %dma_start3A_49] : memref<1280x128xi32, #tpu.memory_space<hbm>> -> memref<40x128xi32, #tpu.memory_space<hbm>>
          %dma_start3A_51 = arith.constant 0 : i32
          %dma_start3A_52 = tpu.memref_slice %arg4[%add3A, %dma_start3A_51] : memref<1280x128xi32, #tpu.memory_space<hbm>> -> memref<40x128xi32, #tpu.memory_space<hbm>>
          tpu.enqueue_dma source(%dma_start3A_52 : memref<40x128xi32, #tpu.memory_space<hbm>>) target(%arg8 : memref<40x128xi32, #tpu.memory_space<vmem>>) target_semaphore(%run_scoped3A : memref<!tpu.dma_semaphore, #tpu.memory_space<semaphore_mem>>)
          %dma_wait3A = arith.constant 0 : i32
          %dma_wait3A_53 = tpu.memref_slice %arg4[%add3A, %dma_wait3A] : memref<1280x128xi32, #tpu.memory_space<hbm>> -> memref<40x128xi32, #tpu.memory_space<hbm>>
          %dma_wait3A_54 = arith.constant 0 : i32
          %dma_wait3A_55 = tpu.memref_slice %arg4[%add3A, %dma_wait3A_54] : memref<1280x128xi32, #tpu.memory_space<hbm>> -> memref<40x128xi32, #tpu.memory_space<hbm>>
          tpu.wait_dma2 semaphore(%run_scoped3A : memref<!tpu.dma_semaphore, #tpu.memory_space<semaphore_mem>>) src(%dma_wait3A_55 : memref<40x128xi32, #tpu.memory_space<hbm>>) dst(%arg8 : memref<40x128xi32, #tpu.memory_space<vmem>>)
          tpu.yield
        }) : () -> ()
        "tpu.region"() ({
          %run_scoped3A = tpu.sem_alloc : memref<!tpu.dma_semaphore, #tpu.memory_space<semaphore_mem>>
          %dma_start3A_49 = arith.constant 0 : i32
          %dma_start3A_50 = tpu.memref_slice %arg5[%add3A, %dma_start3A_49] : memref<1280x128xi32, #tpu.memory_space<hbm>> -> memref<40x128xi32, #tpu.memory_space<hbm>>
          %dma_start3A_51 = arith.constant 0 : i32
          %dma_start3A_52 = tpu.memref_slice %arg5[%add3A, %dma_start3A_51] : memref<1280x128xi32, #tpu.memory_space<hbm>> -> memref<40x128xi32, #tpu.memory_space<hbm>>
          tpu.enqueue_dma source(%dma_start3A_52 : memref<40x128xi32, #tpu.memory_space<hbm>>) target(%arg9 : memref<40x128xi32, #tpu.memory_space<vmem>>) target_semaphore(%run_scoped3A : memref<!tpu.dma_semaphore, #tpu.memory_space<semaphore_mem>>)
          %dma_wait3A = arith.constant 0 : i32
          %dma_wait3A_53 = tpu.memref_slice %arg5[%add3A, %dma_wait3A] : memref<1280x128xi32, #tpu.memory_space<hbm>> -> memref<40x128xi32, #tpu.memory_space<hbm>>
          %dma_wait3A_54 = arith.constant 0 : i32
          %dma_wait3A_55 = tpu.memref_slice %arg5[%add3A, %dma_wait3A_54] : memref<1280x128xi32, #tpu.memory_space<hbm>> -> memref<40x128xi32, #tpu.memory_space<hbm>>
          tpu.wait_dma2 semaphore(%run_scoped3A : memref<!tpu.dma_semaphore, #tpu.memory_space<semaphore_mem>>) src(%dma_wait3A_55 : memref<40x128xi32, #tpu.memory_space<hbm>>) dst(%arg9 : memref<40x128xi32, #tpu.memory_space<vmem>>)
          tpu.yield
        }) : () -> ()
        %dma_start3A = arith.constant 0 : i32
        %dma_start3A_30 = arith.constant 0 : i32
        %dma_start3A_31 = tpu.memref_slice %arg8[%dma_start3A, %dma_start3A_30] : memref<40x128xi32, #tpu.memory_space<vmem>> -> memref<1x128xi32, #tpu.memory_space<vmem>>
        %dma_start3A_32 = tpu.memref_squeeze %dma_start3A_31 : memref<1x128xi32, #tpu.memory_space<vmem>> -> memref<128xi32, #tpu.memory_space<vmem>>
        %dma_start3A_33 = arith.constant 0 : i32
        %dma_start3A_34 = arith.constant 0 : i32
        %dma_start3A_35 = tpu.memref_slice %arg3[%dma_start3A_33, %dma_start3A_34] : memref<10000x128xf32, #tpu.memory_space<hbm>> -> memref<10000x128xf32, #tpu.memory_space<hbm>>
        tpu.enqueue_indirect_dma source(%dma_start3A_35 : memref<10000x128xf32, #tpu.memory_space<hbm>>) target(%arg10 : memref<128x128xf32, #tpu.memory_space<vmem>>) offsets(%dma_start3A_32 : memref<128xi32, #tpu.memory_space<vmem>>) semaphore(%arg13 : memref<!tpu.dma_semaphore, #tpu.memory_space<semaphore_mem>>)
        %dma_start3A_36 = arith.constant 1 : i32
        %dma_start3A_37 = arith.constant 0 : i32
        %dma_start3A_38 = tpu.memref_slice %arg8[%dma_start3A_36, %dma_start3A_37] : memref<40x128xi32, #tpu.memory_space<vmem>> -> memref<1x128xi32, #tpu.memory_space<vmem>>
        %dma_start3A_39 = tpu.memref_squeeze %dma_start3A_38 : memref<1x128xi32, #tpu.memory_space<vmem>> -> memref<128xi32, #tpu.memory_space<vmem>>
        %dma_start3A_40 = arith.constant 0 : i32
        %dma_start3A_41 = arith.constant 0 : i32
        %dma_start3A_42 = tpu.memref_slice %arg3[%dma_start3A_40, %dma_start3A_41] : memref<10000x128xf32, #tpu.memory_space<hbm>> -> memref<10000x128xf32, #tpu.memory_space<hbm>>
        tpu.enqueue_indirect_dma source(%dma_start3A_42 : memref<10000x128xf32, #tpu.memory_space<hbm>>) target(%arg11 : memref<128x128xf32, #tpu.memory_space<vmem>>) offsets(%dma_start3A_39 : memref<128xi32, #tpu.memory_space<vmem>>) semaphore(%arg14 : memref<!tpu.dma_semaphore, #tpu.memory_space<semaphore_mem>>)
        %scan3A_43 = arith.constant 0 : i32
        %scan3A_44 = arith.constant 0 : i32
        %scan3A_45 = arith.constant 20 : i32
        %scan3A_46 = arith.addi %scan3A_44, %scan3A_45 : i32
        %scan3A_47 = arith.constant 1 : i32
        scf.for %scan3A_49 = %scan3A_44 to %scan3A_46 step %scan3A_47  : i32 {
          %mul3A_50 = arith.constant 2 : i32
          %mul3A_51 = arith.muli %mul3A_50, %scan3A_49 : i32
          %add3A_52 = arith.constant 0 : i32
          %add3A_53 = arith.addi %mul3A_51, %add3A_52 : i32
          %dma_wait3A = arith.constant 0 : i32
          %dma_wait3A_54 = tpu.memref_slice %arg8[%add3A_53, %dma_wait3A] : memref<40x128xi32, #tpu.memory_space<vmem>> -> memref<1x128xi32, #tpu.memory_space<vmem>>
          %dma_wait3A_55 = tpu.memref_squeeze %dma_wait3A_54 : memref<1x128xi32, #tpu.memory_space<vmem>> -> memref<128xi32, #tpu.memory_space<vmem>>
          %dma_wait3A_56 = arith.constant 0 : i32
          %dma_wait3A_57 = arith.constant 0 : i32
          %dma_wait3A_58 = tpu.memref_slice %arg3[%dma_wait3A_56, %dma_wait3A_57] : memref<10000x128xf32, #tpu.memory_space<hbm>> -> memref<10000x128xf32, #tpu.memory_space<hbm>>
          tpu.wait_indirect_dma semaphore(%arg13 : memref<!tpu.dma_semaphore, #tpu.memory_space<semaphore_mem>>) src(%dma_wait3A_58 : memref<10000x128xf32, #tpu.memory_space<hbm>>) dst(%arg10 : memref<128x128xf32, #tpu.memory_space<vmem>>)
          %add3A_59 = arith.constant 2 : i32
          %add3A_60 = arith.addi %add3A_53, %add3A_59 : i32
          %lt3A_61 = arith.constant 40 : i32
          %lt3A_62 = arith.cmpi slt, %add3A_60, %lt3A_61 : i32
          %convert_element_type3A_63 = arith.extui %lt3A_62 : i1 to i32
          %cond3A_64 = arith.constant 0 : i32
          %cond3A_65 = arith.cmpi ne, %convert_element_type3A_63, %cond3A_64 : i32
          scf.if %cond3A_65 {
            %add3A_83 = arith.constant 2 : i32
            %add3A_84 = arith.addi %add3A_53, %add3A_83 : i32
            %dma_start3A_85 = arith.constant 0 : i32
            %dma_start3A_86 = tpu.memref_slice %arg8[%add3A_84, %dma_start3A_85] : memref<40x128xi32, #tpu.memory_space<vmem>> -> memref<1x128xi32, #tpu.memory_space<vmem>>
            %dma_start3A_87 = tpu.memref_squeeze %dma_start3A_86 : memref<1x128xi32, #tpu.memory_space<vmem>> -> memref<128xi32, #tpu.memory_space<vmem>>
            %dma_start3A_88 = arith.constant 0 : i32
            %dma_start3A_89 = arith.constant 0 : i32
            %dma_start3A_90 = tpu.memref_slice %arg3[%dma_start3A_88, %dma_start3A_89] : memref<10000x128xf32, #tpu.memory_space<hbm>> -> memref<10000x128xf32, #tpu.memory_space<hbm>>
            tpu.enqueue_indirect_dma source(%dma_start3A_90 : memref<10000x128xf32, #tpu.memory_space<hbm>>) target(%arg10 : memref<128x128xf32, #tpu.memory_space<vmem>>) offsets(%dma_start3A_87 : memref<128xi32, #tpu.memory_space<vmem>>) semaphore(%arg13 : memref<!tpu.dma_semaphore, #tpu.memory_space<semaphore_mem>>)
          } else {
          }
          %mul3A_66 = arith.constant 2 : i32
          %mul3A_67 = arith.muli %mul3A_66, %scan3A_49 : i32
          %add3A_68 = arith.constant 1 : i32
          %add3A_69 = arith.addi %mul3A_67, %add3A_68 : i32
          %dma_wait3A_70 = arith.constant 0 : i32
          %dma_wait3A_71 = tpu.memref_slice %arg8[%add3A_69, %dma_wait3A_70] : memref<40x128xi32, #tpu.memory_space<vmem>> -> memref<1x128xi32, #tpu.memory_space<vmem>>
          %dma_wait3A_72 = tpu.memref_squeeze %dma_wait3A_71 : memref<1x128xi32, #tpu.memory_space<vmem>> -> memref<128xi32, #tpu.memory_space<vmem>>
          %dma_wait3A_73 = arith.constant 0 : i32
          %dma_wait3A_74 = arith.constant 0 : i32
          %dma_wait3A_75 = tpu.memref_slice %arg3[%dma_wait3A_73, %dma_wait3A_74] : memref<10000x128xf32, #tpu.memory_space<hbm>> -> memref<10000x128xf32, #tpu.memory_space<hbm>>
          tpu.wait_indirect_dma semaphore(%arg14 : memref<!tpu.dma_semaphore, #tpu.memory_space<semaphore_mem>>) src(%dma_wait3A_75 : memref<10000x128xf32, #tpu.memory_space<hbm>>) dst(%arg11 : memref<128x128xf32, #tpu.memory_space<vmem>>)
          %add3A_76 = arith.constant 2 : i32
          %add3A_77 = arith.addi %add3A_69, %add3A_76 : i32
          %lt3A_78 = arith.constant 40 : i32
          %lt3A_79 = arith.cmpi slt, %add3A_77, %lt3A_78 : i32
          %convert_element_type3A_80 = arith.extui %lt3A_79 : i1 to i32
          %cond3A_81 = arith.constant 0 : i32
          %cond3A_82 = arith.cmpi ne, %convert_element_type3A_80, %cond3A_81 : i32
          scf.if %cond3A_82 {
            %add3A_83 = arith.constant 2 : i32
            %add3A_84 = arith.addi %add3A_69, %add3A_83 : i32
            %dma_start3A_85 = arith.constant 0 : i32
            %dma_start3A_86 = tpu.memref_slice %arg8[%add3A_84, %dma_start3A_85] : memref<40x128xi32, #tpu.memory_space<vmem>> -> memref<1x128xi32, #tpu.memory_space<vmem>>
            %dma_start3A_87 = tpu.memref_squeeze %dma_start3A_86 : memref<1x128xi32, #tpu.memory_space<vmem>> -> memref<128xi32, #tpu.memory_space<vmem>>
            %dma_start3A_88 = arith.constant 0 : i32
            %dma_start3A_89 = arith.constant 0 : i32
            %dma_start3A_90 = tpu.memref_slice %arg3[%dma_start3A_88, %dma_start3A_89] : memref<10000x128xf32, #tpu.memory_space<hbm>> -> memref<10000x128xf32, #tpu.memory_space<hbm>>
            tpu.enqueue_indirect_dma source(%dma_start3A_90 : memref<10000x128xf32, #tpu.memory_space<hbm>>) target(%arg11 : memref<128x128xf32, #tpu.memory_space<vmem>>) offsets(%dma_start3A_87 : memref<128xi32, #tpu.memory_space<vmem>>) semaphore(%arg14 : memref<!tpu.dma_semaphore, #tpu.memory_space<semaphore_mem>>)
          } else {
          }
        }
        %scan3A_48 = arith.constant 20 : i32
      }
      %scan3A_24 = arith.constant 2 : i32
    } else {
    }
    %barrier3A_8 = arith.constant 0 : index
    tpu.barrier barrier_id(%barrier3A_8)
    %mul3A_9 = arith.constant 632 : i32
    %mul3A_10 = arith.muli %arg1, %mul3A_9 : i32
    %lt3A = arith.constant 15 : i32
    %lt3A_11 = arith.cmpi slt, %arg1, %lt3A : i32
    %convert_element_type3A_12 = arith.extui %lt3A_11 : i1 to i32
    %cond3A_13 = arith.constant 0 : i32
    %cond3A_14 = arith.cmpi ne, %convert_element_type3A_12, %cond3A_13 : i32
    scf.if %cond3A_14 {
      "tpu.region"() ({
        %run_scoped3A = tpu.sem_alloc : memref<!tpu.dma_semaphore, #tpu.memory_space<semaphore_mem>>
        %dma_start3A = arith.constant 0 : i32
        %dma_start3A_20 = tpu.memref_slice %arg7[%arg0, %mul3A_10, %dma_start3A] : memref<2x10000x128xf32, #tpu.memory_space<hbm>> -> memref<1x632x128xf32, #tpu.memory_space<hbm>>
        %dma_start3A_21 = tpu.memref_squeeze %dma_start3A_20 : memref<1x632x128xf32, #tpu.memory_space<hbm>> -> memref<632x128xf32, #tpu.memory_space<hbm>>
        %dma_start3A_22 = arith.constant 0 : i32
        %dma_start3A_23 = tpu.memref_slice %arg12[%mul3A_10, %dma_start3A_22] : memref<10112x128xf32, #tpu.memory_space<vmem_shared>> -> memref<632x128xf32, #tpu.memory_space<vmem_shared>>
        tpu.enqueue_dma source(%dma_start3A_23 : memref<632x128xf32, #tpu.memory_space<vmem_shared>>) target(%dma_start3A_21 : memref<632x128xf32, #tpu.memory_space<hbm>>) target_semaphore(%run_scoped3A : memref<!tpu.dma_semaphore, #tpu.memory_space<semaphore_mem>>)
        %dma_wait3A = arith.constant 0 : i32
        %dma_wait3A_24 = tpu.memref_slice %arg7[%arg0, %mul3A_10, %dma_wait3A] : memref<2x10000x128xf32, #tpu.memory_space<hbm>> -> memref<1x632x128xf32, #tpu.memory_space<hbm>>
        %dma_wait3A_25 = tpu.memref_squeeze %dma_wait3A_24 : memref<1x632x128xf32, #tpu.memory_space<hbm>> -> memref<632x128xf32, #tpu.memory_space<hbm>>
        %dma_wait3A_26 = arith.constant 0 : i32
        %dma_wait3A_27 = tpu.memref_slice %arg12[%mul3A_10, %dma_wait3A_26] : memref<10112x128xf32, #tpu.memory_space<vmem_shared>> -> memref<632x128xf32, #tpu.memory_space<vmem_shared>>
        tpu.wait_dma2 semaphore(%run_scoped3A : memref<!tpu.dma_semaphore, #tpu.memory_space<semaphore_mem>>) src(%dma_wait3A_27 : memref<632x128xf32, #tpu.memory_space<vmem_shared>>) dst(%dma_wait3A_25 : memref<632x128xf32, #tpu.memory_space<hbm>>)
        tpu.yield
      }) : () -> ()
    } else {
    }
    %eq3A_15 = arith.constant 15 : i32
    %eq3A_16 = arith.cmpi eq, %arg1, %eq3A_15 : i32
    %convert_element_type3A_17 = arith.extui %eq3A_16 : i1 to i32
    %cond3A_18 = arith.constant 0 : i32
    %cond3A_19 = arith.cmpi ne, %convert_element_type3A_17, %cond3A_18 : i32
    scf.if %cond3A_19 {
      "tpu.region"() ({
        %run_scoped3A = tpu.sem_alloc : memref<!tpu.dma_semaphore, #tpu.memory_space<semaphore_mem>>
        %dma_start3A = arith.constant 0 : i32
        %dma_start3A_20 = tpu.memref_slice %arg7[%arg0, %mul3A_10, %dma_start3A] : memref<2x10000x128xf32, #tpu.memory_space<hbm>> -> memref<1x520x128xf32, #tpu.memory_space<hbm>>
        %dma_start3A_21 = tpu.memref_squeeze %dma_start3A_20 : memref<1x520x128xf32, #tpu.memory_space<hbm>> -> memref<520x128xf32, #tpu.memory_space<hbm>>
        %dma_start3A_22 = arith.constant 0 : i32
        %dma_start3A_23 = tpu.memref_slice %arg12[%mul3A_10, %dma_start3A_22] : memref<10112x128xf32, #tpu.memory_space<vmem_shared>> -> memref<520x128xf32, #tpu.memory_space<vmem_shared>>
        tpu.enqueue_dma source(%dma_start3A_23 : memref<520x128xf32, #tpu.memory_space<vmem_shared>>) target(%dma_start3A_21 : memref<520x128xf32, #tpu.memory_space<hbm>>) target_semaphore(%run_scoped3A : memref<!tpu.dma_semaphore, #tpu.memory_space<semaphore_mem>>)
        %dma_wait3A = arith.constant 0 : i32
        %dma_wait3A_24 = tpu.memref_slice %arg7[%arg0, %mul3A_10, %dma_wait3A] : memref<2x10000x128xf32, #tpu.memory_space<hbm>> -> memref<1x520x128xf32, #tpu.memory_space<hbm>>
        %dma_wait3A_25 = tpu.memref_squeeze %dma_wait3A_24 : memref<1x520x128xf32, #tpu.memory_space<hbm>> -> memref<520x128xf32, #tpu.memory_space<hbm>>
        %dma_wait3A_26 = arith.constant 0 : i32
        %dma_wait3A_27 = tpu.memref_slice %arg12[%mul3A_10, %dma_wait3A_26] : memref<10112x128xf32, #tpu.memory_space<vmem_shared>> -> memref<520x128xf32, #tpu.memory_space<vmem_shared>>
        tpu.wait_dma2 semaphore(%run_scoped3A : memref<!tpu.dma_semaphore, #tpu.memory_space<semaphore_mem>>) src(%dma_wait3A_27 : memref<520x128xf32, #tpu.memory_space<vmem_shared>>) dst(%dma_wait3A_25 : memref<520x128xf32, #tpu.memory_space<hbm>>)
        tpu.yield
      }) : () -> ()
    } else {
    }
    return
  }
}

#map = affine_map<(d0, d1) -> (0, 0)>
#map1 = affine_map<(d0, d1) -> (0, 0, 0)>
module attributes {stable_mosaic.version = 14 : i64} {
  func.func @sc_k(%arg0: i32, %arg1: i32, %arg2: memref<10000x128xf32, #tpu.memory_space<hbm>>, %arg3: memref<10000x128xf32, #tpu.memory_space<hbm>>, %arg4: memref<1280x128xi32, #tpu.memory_space<hbm>>, %arg5: memref<1280x128xi32, #tpu.memory_space<hbm>>, %arg6: memref<632x128xf32, #tpu.memory_space<hbm>>, %arg7: memref<2x10000x128xf32, #tpu.memory_space<hbm>>, %arg8: memref<40x128xi32, #tpu.memory_space<vmem>>, %arg9: memref<40x128xi32, #tpu.memory_space<vmem>>, %arg10: memref<128x128xf32, #tpu.memory_space<vmem>>, %arg11: memref<128x128xf32, #tpu.memory_space<vmem>>, %arg12: memref<10112x128xf32, #tpu.memory_space<vmem_shared>>, %arg13: memref<!tpu.dma_semaphore, #tpu.memory_space<semaphore_mem>>, %arg14: memref<!tpu.dma_semaphore, #tpu.memory_space<semaphore_mem>>, %arg15: memref<!tpu.dma_semaphore, #tpu.memory_space<semaphore_mem>>, %arg16: memref<!tpu.dma_semaphore, #tpu.memory_space<semaphore_mem>>) attributes {dimension_semantics = [#tpu.dimension_semantics<core_parallel>, #tpu.dimension_semantics<subcore_parallel>], iteration_bounds = array<i64: 2, 16>, scalar_prefetch = 0 : i64, scratch_operands = 9 : i64, tpu.core_type = #tpu.core_type<sc_vector_subcore>, window_params = [{transform_indices = #map}, {transform_indices = #map}, {transform_indices = #map}, {transform_indices = #map}, {transform_indices = #map}, {transform_indices = #map1}]} {
    %mul3A = arith.constant 632 : i32
    %mul3A_0 = arith.muli %arg1, %mul3A : i32
    "tpu.region"() ({
      %run_scoped3A = tpu.sem_alloc : memref<!tpu.dma_semaphore, #tpu.memory_space<semaphore_mem>>
      %dma_start3A = arith.constant 0 : i32
      %dma_start3A_20 = tpu.memref_slice %arg12[%mul3A_0, %dma_start3A] : memref<10112x128xf32, #tpu.memory_space<vmem_shared>> -> memref<632x128xf32, #tpu.memory_space<vmem_shared>>
      tpu.enqueue_dma source(%arg6 : memref<632x128xf32, #tpu.memory_space<hbm>>) target(%dma_start3A_20 : memref<632x128xf32, #tpu.memory_space<vmem_shared>>) target_semaphore(%run_scoped3A : memref<!tpu.dma_semaphore, #tpu.memory_space<semaphore_mem>>)
      %dma_wait3A = arith.constant 0 : i32
      %dma_wait3A_21 = tpu.memref_slice %arg12[%mul3A_0, %dma_wait3A] : memref<10112x128xf32, #tpu.memory_space<vmem_shared>> -> memref<632x128xf32, #tpu.memory_space<vmem_shared>>
      tpu.wait_dma2 semaphore(%run_scoped3A : memref<!tpu.dma_semaphore, #tpu.memory_space<semaphore_mem>>) src(%arg6 : memref<632x128xf32, #tpu.memory_space<hbm>>) dst(%dma_wait3A_21 : memref<632x128xf32, #tpu.memory_space<vmem_shared>>)
      tpu.yield
    }) : () -> ()
    %barrier3A = arith.constant 0 : index
    tpu.barrier barrier_id(%barrier3A)
    %eq3A = arith.constant 0 : i32
    %eq3A_1 = arith.cmpi eq, %arg0, %eq3A : i32
    %convert_element_type3A = arith.extui %eq3A_1 : i1 to i32
    %cond3A = arith.constant 0 : i32
    %cond3A_2 = arith.cmpi ne, %convert_element_type3A, %cond3A : i32
    scf.if %cond3A_2 {
      %scan3A = arith.constant 0 : i32
      %scan3A_20 = arith.constant 0 : i32
      %scan3A_21 = arith.constant 2 : i32
      %scan3A_22 = arith.addi %scan3A_20, %scan3A_21 : i32
      %scan3A_23 = arith.constant 1 : i32
      scf.for %scan3A_25 = %scan3A_20 to %scan3A_22 step %scan3A_23  : i32 {
        %mul3A_26 = arith.constant 80 : i32
        %mul3A_27 = arith.muli %arg1, %mul3A_26 : i32
        %mul3A_28 = arith.constant 40 : i32
        %mul3A_29 = arith.muli %scan3A_25, %mul3A_28 : i32
        %add3A = arith.addi %mul3A_27, %mul3A_29 : i32
        "tpu.region"() ({
          %run_scoped3A = tpu.sem_alloc : memref<!tpu.dma_semaphore, #tpu.memory_space<semaphore_mem>>
          %dma_start3A_49 = arith.constant 0 : i32
          %dma_start3A_50 = tpu.memref_slice %arg4[%add3A, %dma_start3A_49] : memref<1280x128xi32, #tpu.memory_space<hbm>> -> memref<40x128xi32, #tpu.memory_space<hbm>>
          %dma_start3A_51 = arith.constant 0 : i32
          %dma_start3A_52 = tpu.memref_slice %arg4[%add3A, %dma_start3A_51] : memref<1280x128xi32, #tpu.memory_space<hbm>> -> memref<40x128xi32, #tpu.memory_space<hbm>>
          tpu.enqueue_dma source(%dma_start3A_52 : memref<40x128xi32, #tpu.memory_space<hbm>>) target(%arg8 : memref<40x128xi32, #tpu.memory_space<vmem>>) target_semaphore(%run_scoped3A : memref<!tpu.dma_semaphore, #tpu.memory_space<semaphore_mem>>)
          %dma_wait3A = arith.constant 0 : i32
          %dma_wait3A_53 = tpu.memref_slice %arg4[%add3A, %dma_wait3A] : memref<1280x128xi32, #tpu.memory_space<hbm>> -> memref<40x128xi32, #tpu.memory_space<hbm>>
          %dma_wait3A_54 = arith.constant 0 : i32
          %dma_wait3A_55 = tpu.memref_slice %arg4[%add3A, %dma_wait3A_54] : memref<1280x128xi32, #tpu.memory_space<hbm>> -> memref<40x128xi32, #tpu.memory_space<hbm>>
          tpu.wait_dma2 semaphore(%run_scoped3A : memref<!tpu.dma_semaphore, #tpu.memory_space<semaphore_mem>>) src(%dma_wait3A_55 : memref<40x128xi32, #tpu.memory_space<hbm>>) dst(%arg8 : memref<40x128xi32, #tpu.memory_space<vmem>>)
          tpu.yield
        }) : () -> ()
        "tpu.region"() ({
          %run_scoped3A = tpu.sem_alloc : memref<!tpu.dma_semaphore, #tpu.memory_space<semaphore_mem>>
          %dma_start3A_49 = arith.constant 0 : i32
          %dma_start3A_50 = tpu.memref_slice %arg5[%add3A, %dma_start3A_49] : memref<1280x128xi32, #tpu.memory_space<hbm>> -> memref<40x128xi32, #tpu.memory_space<hbm>>
          %dma_start3A_51 = arith.constant 0 : i32
          %dma_start3A_52 = tpu.memref_slice %arg5[%add3A, %dma_start3A_51] : memref<1280x128xi32, #tpu.memory_space<hbm>> -> memref<40x128xi32, #tpu.memory_space<hbm>>
          tpu.enqueue_dma source(%dma_start3A_52 : memref<40x128xi32, #tpu.memory_space<hbm>>) target(%arg9 : memref<40x128xi32, #tpu.memory_space<vmem>>) target_semaphore(%run_scoped3A : memref<!tpu.dma_semaphore, #tpu.memory_space<semaphore_mem>>)
          %dma_wait3A = arith.constant 0 : i32
          %dma_wait3A_53 = tpu.memref_slice %arg5[%add3A, %dma_wait3A] : memref<1280x128xi32, #tpu.memory_space<hbm>> -> memref<40x128xi32, #tpu.memory_space<hbm>>
          %dma_wait3A_54 = arith.constant 0 : i32
          %dma_wait3A_55 = tpu.memref_slice %arg5[%add3A, %dma_wait3A_54] : memref<1280x128xi32, #tpu.memory_space<hbm>> -> memref<40x128xi32, #tpu.memory_space<hbm>>
          tpu.wait_dma2 semaphore(%run_scoped3A : memref<!tpu.dma_semaphore, #tpu.memory_space<semaphore_mem>>) src(%dma_wait3A_55 : memref<40x128xi32, #tpu.memory_space<hbm>>) dst(%arg9 : memref<40x128xi32, #tpu.memory_space<vmem>>)
          tpu.yield
        }) : () -> ()
        %dma_start3A = arith.constant 0 : i32
        %dma_start3A_30 = arith.constant 0 : i32
        %dma_start3A_31 = tpu.memref_slice %arg8[%dma_start3A, %dma_start3A_30] : memref<40x128xi32, #tpu.memory_space<vmem>> -> memref<1x128xi32, #tpu.memory_space<vmem>>
        %dma_start3A_32 = tpu.memref_squeeze %dma_start3A_31 : memref<1x128xi32, #tpu.memory_space<vmem>> -> memref<128xi32, #tpu.memory_space<vmem>>
        %dma_start3A_33 = arith.constant 0 : i32
        %dma_start3A_34 = arith.constant 0 : i32
        %dma_start3A_35 = tpu.memref_slice %arg2[%dma_start3A_33, %dma_start3A_34] : memref<10000x128xf32, #tpu.memory_space<hbm>> -> memref<10000x128xf32, #tpu.memory_space<hbm>>
        tpu.enqueue_indirect_dma source(%dma_start3A_35 : memref<10000x128xf32, #tpu.memory_space<hbm>>) target(%arg10 : memref<128x128xf32, #tpu.memory_space<vmem>>) offsets(%dma_start3A_32 : memref<128xi32, #tpu.memory_space<vmem>>) semaphore(%arg13 : memref<!tpu.dma_semaphore, #tpu.memory_space<semaphore_mem>>)
        %dma_start3A_36 = arith.constant 1 : i32
        %dma_start3A_37 = arith.constant 0 : i32
        %dma_start3A_38 = tpu.memref_slice %arg8[%dma_start3A_36, %dma_start3A_37] : memref<40x128xi32, #tpu.memory_space<vmem>> -> memref<1x128xi32, #tpu.memory_space<vmem>>
        %dma_start3A_39 = tpu.memref_squeeze %dma_start3A_38 : memref<1x128xi32, #tpu.memory_space<vmem>> -> memref<128xi32, #tpu.memory_space<vmem>>
        %dma_start3A_40 = arith.constant 0 : i32
        %dma_start3A_41 = arith.constant 0 : i32
        %dma_start3A_42 = tpu.memref_slice %arg2[%dma_start3A_40, %dma_start3A_41] : memref<10000x128xf32, #tpu.memory_space<hbm>> -> memref<10000x128xf32, #tpu.memory_space<hbm>>
        tpu.enqueue_indirect_dma source(%dma_start3A_42 : memref<10000x128xf32, #tpu.memory_space<hbm>>) target(%arg11 : memref<128x128xf32, #tpu.memory_space<vmem>>) offsets(%dma_start3A_39 : memref<128xi32, #tpu.memory_space<vmem>>) semaphore(%arg14 : memref<!tpu.dma_semaphore, #tpu.memory_space<semaphore_mem>>)
        %scan3A_43 = arith.constant 0 : i32
        %scan3A_44 = arith.constant 0 : i32
        %scan3A_45 = arith.constant 20 : i32
        %scan3A_46 = arith.addi %scan3A_44, %scan3A_45 : i32
        %scan3A_47 = arith.constant 1 : i32
        scf.for %scan3A_49 = %scan3A_44 to %scan3A_46 step %scan3A_47  : i32 {
          %mul3A_50 = arith.constant 2 : i32
          %mul3A_51 = arith.muli %mul3A_50, %scan3A_49 : i32
          %add3A_52 = arith.constant 0 : i32
          %add3A_53 = arith.addi %mul3A_51, %add3A_52 : i32
          %dma_wait3A = arith.constant 0 : i32
          %dma_wait3A_54 = tpu.memref_slice %arg8[%add3A_53, %dma_wait3A] : memref<40x128xi32, #tpu.memory_space<vmem>> -> memref<1x128xi32, #tpu.memory_space<vmem>>
          %dma_wait3A_55 = tpu.memref_squeeze %dma_wait3A_54 : memref<1x128xi32, #tpu.memory_space<vmem>> -> memref<128xi32, #tpu.memory_space<vmem>>
          %dma_wait3A_56 = arith.constant 0 : i32
          %dma_wait3A_57 = arith.constant 0 : i32
          %dma_wait3A_58 = tpu.memref_slice %arg2[%dma_wait3A_56, %dma_wait3A_57] : memref<10000x128xf32, #tpu.memory_space<hbm>> -> memref<10000x128xf32, #tpu.memory_space<hbm>>
          tpu.wait_indirect_dma semaphore(%arg13 : memref<!tpu.dma_semaphore, #tpu.memory_space<semaphore_mem>>) src(%dma_wait3A_58 : memref<10000x128xf32, #tpu.memory_space<hbm>>) dst(%arg10 : memref<128x128xf32, #tpu.memory_space<vmem>>)
          %add3A_59 = arith.constant 2 : i32
          %add3A_60 = arith.addi %add3A_53, %add3A_59 : i32
          %lt3A_61 = arith.constant 40 : i32
          %lt3A_62 = arith.cmpi slt, %add3A_60, %lt3A_61 : i32
          %convert_element_type3A_63 = arith.extui %lt3A_62 : i1 to i32
          %cond3A_64 = arith.constant 0 : i32
          %cond3A_65 = arith.cmpi ne, %convert_element_type3A_63, %cond3A_64 : i32
          scf.if %cond3A_65 {
            %add3A_83 = arith.constant 2 : i32
            %add3A_84 = arith.addi %add3A_53, %add3A_83 : i32
            %dma_start3A_85 = arith.constant 0 : i32
            %dma_start3A_86 = tpu.memref_slice %arg8[%add3A_84, %dma_start3A_85] : memref<40x128xi32, #tpu.memory_space<vmem>> -> memref<1x128xi32, #tpu.memory_space<vmem>>
            %dma_start3A_87 = tpu.memref_squeeze %dma_start3A_86 : memref<1x128xi32, #tpu.memory_space<vmem>> -> memref<128xi32, #tpu.memory_space<vmem>>
            %dma_start3A_88 = arith.constant 0 : i32
            %dma_start3A_89 = arith.constant 0 : i32
            %dma_start3A_90 = tpu.memref_slice %arg2[%dma_start3A_88, %dma_start3A_89] : memref<10000x128xf32, #tpu.memory_space<hbm>> -> memref<10000x128xf32, #tpu.memory_space<hbm>>
            tpu.enqueue_indirect_dma source(%dma_start3A_90 : memref<10000x128xf32, #tpu.memory_space<hbm>>) target(%arg10 : memref<128x128xf32, #tpu.memory_space<vmem>>) offsets(%dma_start3A_87 : memref<128xi32, #tpu.memory_space<vmem>>) semaphore(%arg13 : memref<!tpu.dma_semaphore, #tpu.memory_space<semaphore_mem>>)
          } else {
          }
          %mul3A_66 = arith.constant 2 : i32
          %mul3A_67 = arith.muli %mul3A_66, %scan3A_49 : i32
          %add3A_68 = arith.constant 1 : i32
          %add3A_69 = arith.addi %mul3A_67, %add3A_68 : i32
          %dma_wait3A_70 = arith.constant 0 : i32
          %dma_wait3A_71 = tpu.memref_slice %arg8[%add3A_69, %dma_wait3A_70] : memref<40x128xi32, #tpu.memory_space<vmem>> -> memref<1x128xi32, #tpu.memory_space<vmem>>
          %dma_wait3A_72 = tpu.memref_squeeze %dma_wait3A_71 : memref<1x128xi32, #tpu.memory_space<vmem>> -> memref<128xi32, #tpu.memory_space<vmem>>
          %dma_wait3A_73 = arith.constant 0 : i32
          %dma_wait3A_74 = arith.constant 0 : i32
          %dma_wait3A_75 = tpu.memref_slice %arg2[%dma_wait3A_73, %dma_wait3A_74] : memref<10000x128xf32, #tpu.memory_space<hbm>> -> memref<10000x128xf32, #tpu.memory_space<hbm>>
          tpu.wait_indirect_dma semaphore(%arg14 : memref<!tpu.dma_semaphore, #tpu.memory_space<semaphore_mem>>) src(%dma_wait3A_75 : memref<10000x128xf32, #tpu.memory_space<hbm>>) dst(%arg11 : memref<128x128xf32, #tpu.memory_space<vmem>>)
          %add3A_76 = arith.constant 2 : i32
          %add3A_77 = arith.addi %add3A_69, %add3A_76 : i32
          %lt3A_78 = arith.constant 40 : i32
          %lt3A_79 = arith.cmpi slt, %add3A_77, %lt3A_78 : i32
          %convert_element_type3A_80 = arith.extui %lt3A_79 : i1 to i32
          %cond3A_81 = arith.constant 0 : i32
          %cond3A_82 = arith.cmpi ne, %convert_element_type3A_80, %cond3A_81 : i32
          scf.if %cond3A_82 {
            %add3A_83 = arith.constant 2 : i32
            %add3A_84 = arith.addi %add3A_69, %add3A_83 : i32
            %dma_start3A_85 = arith.constant 0 : i32
            %dma_start3A_86 = tpu.memref_slice %arg8[%add3A_84, %dma_start3A_85] : memref<40x128xi32, #tpu.memory_space<vmem>> -> memref<1x128xi32, #tpu.memory_space<vmem>>
            %dma_start3A_87 = tpu.memref_squeeze %dma_start3A_86 : memref<1x128xi32, #tpu.memory_space<vmem>> -> memref<128xi32, #tpu.memory_space<vmem>>
            %dma_start3A_88 = arith.constant 0 : i32
            %dma_start3A_89 = arith.constant 0 : i32
            %dma_start3A_90 = tpu.memref_slice %arg2[%dma_start3A_88, %dma_start3A_89] : memref<10000x128xf32, #tpu.memory_space<hbm>> -> memref<10000x128xf32, #tpu.memory_space<hbm>>
            tpu.enqueue_indirect_dma source(%dma_start3A_90 : memref<10000x128xf32, #tpu.memory_space<hbm>>) target(%arg11 : memref<128x128xf32, #tpu.memory_space<vmem>>) offsets(%dma_start3A_87 : memref<128xi32, #tpu.memory_space<vmem>>) semaphore(%arg14 : memref<!tpu.dma_semaphore, #tpu.memory_space<semaphore_mem>>)
          } else {
          }
        }
        %scan3A_48 = arith.constant 20 : i32
      }
      %scan3A_24 = arith.constant 2 : i32
    } else {
    }
    %eq3A_3 = arith.constant 1 : i32
    %eq3A_4 = arith.cmpi eq, %arg0, %eq3A_3 : i32
    %convert_element_type3A_5 = arith.extui %eq3A_4 : i1 to i32
    %cond3A_6 = arith.constant 0 : i32
    %cond3A_7 = arith.cmpi ne, %convert_element_type3A_5, %cond3A_6 : i32
    scf.if %cond3A_7 {
      %scan3A = arith.constant 0 : i32
      %scan3A_20 = arith.constant 0 : i32
      %scan3A_21 = arith.constant 2 : i32
      %scan3A_22 = arith.addi %scan3A_20, %scan3A_21 : i32
      %scan3A_23 = arith.constant 1 : i32
      scf.for %scan3A_25 = %scan3A_20 to %scan3A_22 step %scan3A_23  : i32 {
        %mul3A_26 = arith.constant 80 : i32
        %mul3A_27 = arith.muli %arg1, %mul3A_26 : i32
        %mul3A_28 = arith.constant 40 : i32
        %mul3A_29 = arith.muli %scan3A_25, %mul3A_28 : i32
        %add3A = arith.addi %mul3A_27, %mul3A_29 : i32
        "tpu.region"() ({
          %run_scoped3A = tpu.sem_alloc : memref<!tpu.dma_semaphore, #tpu.memory_space<semaphore_mem>>
          %dma_start3A_49 = arith.constant 0 : i32
          %dma_start3A_50 = tpu.memref_slice %arg4[%add3A, %dma_start3A_49] : memref<1280x128xi32, #tpu.memory_space<hbm>> -> memref<40x128xi32, #tpu.memory_space<hbm>>
          %dma_start3A_51 = arith.constant 0 : i32
          %dma_start3A_52 = tpu.memref_slice %arg4[%add3A, %dma_start3A_51] : memref<1280x128xi32, #tpu.memory_space<hbm>> -> memref<40x128xi32, #tpu.memory_space<hbm>>
          tpu.enqueue_dma source(%dma_start3A_52 : memref<40x128xi32, #tpu.memory_space<hbm>>) target(%arg8 : memref<40x128xi32, #tpu.memory_space<vmem>>) target_semaphore(%run_scoped3A : memref<!tpu.dma_semaphore, #tpu.memory_space<semaphore_mem>>)
          %dma_wait3A = arith.constant 0 : i32
          %dma_wait3A_53 = tpu.memref_slice %arg4[%add3A, %dma_wait3A] : memref<1280x128xi32, #tpu.memory_space<hbm>> -> memref<40x128xi32, #tpu.memory_space<hbm>>
          %dma_wait3A_54 = arith.constant 0 : i32
          %dma_wait3A_55 = tpu.memref_slice %arg4[%add3A, %dma_wait3A_54] : memref<1280x128xi32, #tpu.memory_space<hbm>> -> memref<40x128xi32, #tpu.memory_space<hbm>>
          tpu.wait_dma2 semaphore(%run_scoped3A : memref<!tpu.dma_semaphore, #tpu.memory_space<semaphore_mem>>) src(%dma_wait3A_55 : memref<40x128xi32, #tpu.memory_space<hbm>>) dst(%arg8 : memref<40x128xi32, #tpu.memory_space<vmem>>)
          tpu.yield
        }) : () -> ()
        "tpu.region"() ({
          %run_scoped3A = tpu.sem_alloc : memref<!tpu.dma_semaphore, #tpu.memory_space<semaphore_mem>>
          %dma_start3A_49 = arith.constant 0 : i32
          %dma_start3A_50 = tpu.memref_slice %arg5[%add3A, %dma_start3A_49] : memref<1280x128xi32, #tpu.memory_space<hbm>> -> memref<40x128xi32, #tpu.memory_space<hbm>>
          %dma_start3A_51 = arith.constant 0 : i32
          %dma_start3A_52 = tpu.memref_slice %arg5[%add3A, %dma_start3A_51] : memref<1280x128xi32, #tpu.memory_space<hbm>> -> memref<40x128xi32, #tpu.memory_space<hbm>>
          tpu.enqueue_dma source(%dma_start3A_52 : memref<40x128xi32, #tpu.memory_space<hbm>>) target(%arg9 : memref<40x128xi32, #tpu.memory_space<vmem>>) target_semaphore(%run_scoped3A : memref<!tpu.dma_semaphore, #tpu.memory_space<semaphore_mem>>)
          %dma_wait3A = arith.constant 0 : i32
          %dma_wait3A_53 = tpu.memref_slice %arg5[%add3A, %dma_wait3A] : memref<1280x128xi32, #tpu.memory_space<hbm>> -> memref<40x128xi32, #tpu.memory_space<hbm>>
          %dma_wait3A_54 = arith.constant 0 : i32
          %dma_wait3A_55 = tpu.memref_slice %arg5[%add3A, %dma_wait3A_54] : memref<1280x128xi32, #tpu.memory_space<hbm>> -> memref<40x128xi32, #tpu.memory_space<hbm>>
          tpu.wait_dma2 semaphore(%run_scoped3A : memref<!tpu.dma_semaphore, #tpu.memory_space<semaphore_mem>>) src(%dma_wait3A_55 : memref<40x128xi32, #tpu.memory_space<hbm>>) dst(%arg9 : memref<40x128xi32, #tpu.memory_space<vmem>>)
          tpu.yield
        }) : () -> ()
        %dma_start3A = arith.constant 0 : i32
        %dma_start3A_30 = arith.constant 0 : i32
        %dma_start3A_31 = tpu.memref_slice %arg8[%dma_start3A, %dma_start3A_30] : memref<40x128xi32, #tpu.memory_space<vmem>> -> memref<1x128xi32, #tpu.memory_space<vmem>>
        %dma_start3A_32 = tpu.memref_squeeze %dma_start3A_31 : memref<1x128xi32, #tpu.memory_space<vmem>> -> memref<128xi32, #tpu.memory_space<vmem>>
        %dma_start3A_33 = arith.constant 0 : i32
        %dma_start3A_34 = arith.constant 0 : i32
        %dma_start3A_35 = tpu.memref_slice %arg3[%dma_start3A_33, %dma_start3A_34] : memref<10000x128xf32, #tpu.memory_space<hbm>> -> memref<10000x128xf32, #tpu.memory_space<hbm>>
        tpu.enqueue_indirect_dma source(%dma_start3A_35 : memref<10000x128xf32, #tpu.memory_space<hbm>>) target(%arg10 : memref<128x128xf32, #tpu.memory_space<vmem>>) offsets(%dma_start3A_32 : memref<128xi32, #tpu.memory_space<vmem>>) semaphore(%arg13 : memref<!tpu.dma_semaphore, #tpu.memory_space<semaphore_mem>>)
        %dma_start3A_36 = arith.constant 1 : i32
        %dma_start3A_37 = arith.constant 0 : i32
        %dma_start3A_38 = tpu.memref_slice %arg8[%dma_start3A_36, %dma_start3A_37] : memref<40x128xi32, #tpu.memory_space<vmem>> -> memref<1x128xi32, #tpu.memory_space<vmem>>
        %dma_start3A_39 = tpu.memref_squeeze %dma_start3A_38 : memref<1x128xi32, #tpu.memory_space<vmem>> -> memref<128xi32, #tpu.memory_space<vmem>>
        %dma_start3A_40 = arith.constant 0 : i32
        %dma_start3A_41 = arith.constant 0 : i32
        %dma_start3A_42 = tpu.memref_slice %arg3[%dma_start3A_40, %dma_start3A_41] : memref<10000x128xf32, #tpu.memory_space<hbm>> -> memref<10000x128xf32, #tpu.memory_space<hbm>>
        tpu.enqueue_indirect_dma source(%dma_start3A_42 : memref<10000x128xf32, #tpu.memory_space<hbm>>) target(%arg11 : memref<128x128xf32, #tpu.memory_space<vmem>>) offsets(%dma_start3A_39 : memref<128xi32, #tpu.memory_space<vmem>>) semaphore(%arg14 : memref<!tpu.dma_semaphore, #tpu.memory_space<semaphore_mem>>)
        %scan3A_43 = arith.constant 0 : i32
        %scan3A_44 = arith.constant 0 : i32
        %scan3A_45 = arith.constant 20 : i32
        %scan3A_46 = arith.addi %scan3A_44, %scan3A_45 : i32
        %scan3A_47 = arith.constant 1 : i32
        scf.for %scan3A_49 = %scan3A_44 to %scan3A_46 step %scan3A_47  : i32 {
          %mul3A_50 = arith.constant 2 : i32
          %mul3A_51 = arith.muli %mul3A_50, %scan3A_49 : i32
          %add3A_52 = arith.constant 0 : i32
          %add3A_53 = arith.addi %mul3A_51, %add3A_52 : i32
          %dma_wait3A = arith.constant 0 : i32
          %dma_wait3A_54 = tpu.memref_slice %arg8[%add3A_53, %dma_wait3A] : memref<40x128xi32, #tpu.memory_space<vmem>> -> memref<1x128xi32, #tpu.memory_space<vmem>>
          %dma_wait3A_55 = tpu.memref_squeeze %dma_wait3A_54 : memref<1x128xi32, #tpu.memory_space<vmem>> -> memref<128xi32, #tpu.memory_space<vmem>>
          %dma_wait3A_56 = arith.constant 0 : i32
          %dma_wait3A_57 = arith.constant 0 : i32
          %dma_wait3A_58 = tpu.memref_slice %arg3[%dma_wait3A_56, %dma_wait3A_57] : memref<10000x128xf32, #tpu.memory_space<hbm>> -> memref<10000x128xf32, #tpu.memory_space<hbm>>
          tpu.wait_indirect_dma semaphore(%arg13 : memref<!tpu.dma_semaphore, #tpu.memory_space<semaphore_mem>>) src(%dma_wait3A_58 : memref<10000x128xf32, #tpu.memory_space<hbm>>) dst(%arg10 : memref<128x128xf32, #tpu.memory_space<vmem>>)
          %add3A_59 = arith.constant 2 : i32
          %add3A_60 = arith.addi %add3A_53, %add3A_59 : i32
          %lt3A_61 = arith.constant 40 : i32
          %lt3A_62 = arith.cmpi slt, %add3A_60, %lt3A_61 : i32
          %convert_element_type3A_63 = arith.extui %lt3A_62 : i1 to i32
          %cond3A_64 = arith.constant 0 : i32
          %cond3A_65 = arith.cmpi ne, %convert_element_type3A_63, %cond3A_64 : i32
          scf.if %cond3A_65 {
            %add3A_83 = arith.constant 2 : i32
            %add3A_84 = arith.addi %add3A_53, %add3A_83 : i32
            %dma_start3A_85 = arith.constant 0 : i32
            %dma_start3A_86 = tpu.memref_slice %arg8[%add3A_84, %dma_start3A_85] : memref<40x128xi32, #tpu.memory_space<vmem>> -> memref<1x128xi32, #tpu.memory_space<vmem>>
            %dma_start3A_87 = tpu.memref_squeeze %dma_start3A_86 : memref<1x128xi32, #tpu.memory_space<vmem>> -> memref<128xi32, #tpu.memory_space<vmem>>
            %dma_start3A_88 = arith.constant 0 : i32
            %dma_start3A_89 = arith.constant 0 : i32
            %dma_start3A_90 = tpu.memref_slice %arg3[%dma_start3A_88, %dma_start3A_89] : memref<10000x128xf32, #tpu.memory_space<hbm>> -> memref<10000x128xf32, #tpu.memory_space<hbm>>
            tpu.enqueue_indirect_dma source(%dma_start3A_90 : memref<10000x128xf32, #tpu.memory_space<hbm>>) target(%arg10 : memref<128x128xf32, #tpu.memory_space<vmem>>) offsets(%dma_start3A_87 : memref<128xi32, #tpu.memory_space<vmem>>) semaphore(%arg13 : memref<!tpu.dma_semaphore, #tpu.memory_space<semaphore_mem>>)
          } else {
          }
          %mul3A_66 = arith.constant 2 : i32
          %mul3A_67 = arith.muli %mul3A_66, %scan3A_49 : i32
          %add3A_68 = arith.constant 1 : i32
          %add3A_69 = arith.addi %mul3A_67, %add3A_68 : i32
          %dma_wait3A_70 = arith.constant 0 : i32
          %dma_wait3A_71 = tpu.memref_slice %arg8[%add3A_69, %dma_wait3A_70] : memref<40x128xi32, #tpu.memory_space<vmem>> -> memref<1x128xi32, #tpu.memory_space<vmem>>
          %dma_wait3A_72 = tpu.memref_squeeze %dma_wait3A_71 : memref<1x128xi32, #tpu.memory_space<vmem>> -> memref<128xi32, #tpu.memory_space<vmem>>
          %dma_wait3A_73 = arith.constant 0 : i32
          %dma_wait3A_74 = arith.constant 0 : i32
          %dma_wait3A_75 = tpu.memref_slice %arg3[%dma_wait3A_73, %dma_wait3A_74] : memref<10000x128xf32, #tpu.memory_space<hbm>> -> memref<10000x128xf32, #tpu.memory_space<hbm>>
          tpu.wait_indirect_dma semaphore(%arg14 : memref<!tpu.dma_semaphore, #tpu.memory_space<semaphore_mem>>) src(%dma_wait3A_75 : memref<10000x128xf32, #tpu.memory_space<hbm>>) dst(%arg11 : memref<128x128xf32, #tpu.memory_space<vmem>>)
          %add3A_76 = arith.constant 2 : i32
          %add3A_77 = arith.addi %add3A_69, %add3A_76 : i32
          %lt3A_78 = arith.constant 40 : i32
          %lt3A_79 = arith.cmpi slt, %add3A_77, %lt3A_78 : i32
          %convert_element_type3A_80 = arith.extui %lt3A_79 : i1 to i32
          %cond3A_81 = arith.constant 0 : i32
          %cond3A_82 = arith.cmpi ne, %convert_element_type3A_80, %cond3A_81 : i32
          scf.if %cond3A_82 {
            %add3A_83 = arith.constant 2 : i32
            %add3A_84 = arith.addi %add3A_69, %add3A_83 : i32
            %dma_start3A_85 = arith.constant 0 : i32
            %dma_start3A_86 = tpu.memref_slice %arg8[%add3A_84, %dma_start3A_85] : memref<40x128xi32, #tpu.memory_space<vmem>> -> memref<1x128xi32, #tpu.memory_space<vmem>>
            %dma_start3A_87 = tpu.memref_squeeze %dma_start3A_86 : memref<1x128xi32, #tpu.memory_space<vmem>> -> memref<128xi32, #tpu.memory_space<vmem>>
            %dma_start3A_88 = arith.constant 0 : i32
            %dma_start3A_89 = arith.constant 0 : i32
            %dma_start3A_90 = tpu.memref_slice %arg3[%dma_start3A_88, %dma_start3A_89] : memref<10000x128xf32, #tpu.memory_space<hbm>> -> memref<10000x128xf32, #tpu.memory_space<hbm>>
            tpu.enqueue_indirect_dma source(%dma_start3A_90 : memref<10000x128xf32, #tpu.memory_space<hbm>>) target(%arg11 : memref<128x128xf32, #tpu.memory_space<vmem>>) offsets(%dma_start3A_87 : memref<128xi32, #tpu.memory_space<vmem>>) semaphore(%arg14 : memref<!tpu.dma_semaphore, #tpu.memory_space<semaphore_mem>>)
          } else {
          }
        }
        %scan3A_48 = arith.constant 20 : i32
      }
      %scan3A_24 = arith.constant 2 : i32
    } else {
    }
    %barrier3A_8 = arith.constant 0 : index
    tpu.barrier barrier_id(%barrier3A_8)
    %mul3A_9 = arith.constant 632 : i32
    %mul3A_10 = arith.muli %arg1, %mul3A_9 : i32
    %lt3A = arith.constant 15 : i32
    %lt3A_11 = arith.cmpi slt, %arg1, %lt3A : i32
    %convert_element_type3A_12 = arith.extui %lt3A_11 : i1 to i32
    %cond3A_13 = arith.constant 0 : i32
    %cond3A_14 = arith.cmpi ne, %convert_element_type3A_12, %cond3A_13 : i32
    scf.if %cond3A_14 {
      "tpu.region"() ({
        %run_scoped3A = tpu.sem_alloc : memref<!tpu.dma_semaphore, #tpu.memory_space<semaphore_mem>>
        %dma_start3A = arith.constant 0 : i32
        %dma_start3A_20 = tpu.memref_slice %arg7[%arg0, %mul3A_10, %dma_start3A] : memref<2x10000x128xf32, #tpu.memory_space<hbm>> -> memref<1x632x128xf32, #tpu.memory_space<hbm>>
        %dma_start3A_21 = tpu.memref_squeeze %dma_start3A_20 : memref<1x632x128xf32, #tpu.memory_space<hbm>> -> memref<632x128xf32, #tpu.memory_space<hbm>>
        %dma_start3A_22 = arith.constant 0 : i32
        %dma_start3A_23 = tpu.memref_slice %arg12[%mul3A_10, %dma_start3A_22] : memref<10112x128xf32, #tpu.memory_space<vmem_shared>> -> memref<632x128xf32, #tpu.memory_space<vmem_shared>>
        tpu.enqueue_dma source(%dma_start3A_23 : memref<632x128xf32, #tpu.memory_space<vmem_shared>>) target(%dma_start3A_21 : memref<632x128xf32, #tpu.memory_space<hbm>>) target_semaphore(%run_scoped3A : memref<!tpu.dma_semaphore, #tpu.memory_space<semaphore_mem>>)
        %dma_wait3A = arith.constant 0 : i32
        %dma_wait3A_24 = tpu.memref_slice %arg7[%arg0, %mul3A_10, %dma_wait3A] : memref<2x10000x128xf32, #tpu.memory_space<hbm>> -> memref<1x632x128xf32, #tpu.memory_space<hbm>>
        %dma_wait3A_25 = tpu.memref_squeeze %dma_wait3A_24 : memref<1x632x128xf32, #tpu.memory_space<hbm>> -> memref<632x128xf32, #tpu.memory_space<hbm>>
        %dma_wait3A_26 = arith.constant 0 : i32
        %dma_wait3A_27 = tpu.memref_slice %arg12[%mul3A_10, %dma_wait3A_26] : memref<10112x128xf32, #tpu.memory_space<vmem_shared>> -> memref<632x128xf32, #tpu.memory_space<vmem_shared>>
        tpu.wait_dma2 semaphore(%run_scoped3A : memref<!tpu.dma_semaphore, #tpu.memory_space<semaphore_mem>>) src(%dma_wait3A_27 : memref<632x128xf32, #tpu.memory_space<vmem_shared>>) dst(%dma_wait3A_25 : memref<632x128xf32, #tpu.memory_space<hbm>>)
        tpu.yield
      }) : () -> ()
    } else {
    }
    %eq3A_15 = arith.constant 15 : i32
    %eq3A_16 = arith.cmpi eq, %arg1, %eq3A_15 : i32
    %convert_element_type3A_17 = arith.extui %eq3A_16 : i1 to i32
    %cond3A_18 = arith.constant 0 : i32
    %cond3A_19 = arith.cmpi ne, %convert_element_type3A_17, %cond3A_18 : i32
    scf.if %cond3A_19 {
      "tpu.region"() ({
        %run_scoped3A = tpu.sem_alloc : memref<!tpu.dma_semaphore, #tpu.memory_space<semaphore_mem>>
        %dma_start3A = arith.constant 0 : i32
        %dma_start3A_20 = tpu.memref_slice %arg7[%arg0, %mul3A_10, %dma_start3A] : memref<2x10000x128xf32, #tpu.memory_space<hbm>> -> memref<1x520x128xf32, #tpu.memory_space<hbm>>
        %dma_start3A_21 = tpu.memref_squeeze %dma_start3A_20 : memref<1x520x128xf32, #tpu.memory_space<hbm>> -> memref<520x128xf32, #tpu.memory_space<hbm>>
        %dma_start3A_22 = arith.constant 0 : i32
        %dma_start3A_23 = tpu.memref_slice %arg12[%mul3A_10, %dma_start3A_22] : memref<10112x128xf32, #tpu.memory_space<vmem_shared>> -> memref<520x128xf32, #tpu.memory_space<vmem_shared>>
        tpu.enqueue_dma source(%dma_start3A_23 : memref<520x128xf32, #tpu.memory_space<vmem_shared>>) target(%dma_start3A_21 : memref<520x128xf32, #tpu.memory_space<hbm>>) target_semaphore(%run_scoped3A : memref<!tpu.dma_semaphore, #tpu.memory_space<semaphore_mem>>)
        %dma_wait3A = arith.constant 0 : i32
        %dma_wait3A_24 = tpu.memref_slice %arg7[%arg0, %mul3A_10, %dma_wait3A] : memref<2x10000x128xf32, #tpu.memory_space<hbm>> -> memref<1x520x128xf32, #tpu.memory_space<hbm>>
        %dma_wait3A_25 = tpu.memref_squeeze %dma_wait3A_24 : memref<1x520x128xf32, #tpu.memory_space<hbm>> -> memref<520x128xf32, #tpu.memory_space<hbm>>
        %dma_wait3A_26 = arith.constant 0 : i32
        %dma_wait3A_27 = tpu.memref_slice %arg12[%mul3A_10, %dma_wait3A_26] : memref<10112x128xf32, #tpu.memory_space<vmem_shared>> -> memref<520x128xf32, #tpu.memory_space<vmem_shared>>
        tpu.wait_dma2 semaphore(%run_scoped3A : memref<!tpu.dma_semaphore, #tpu.memory_space<semaphore_mem>>) src(%dma_wait3A_27 : memref<520x128xf32, #tpu.memory_space<vmem_shared>>) dst(%dma_wait3A_25 : memref<520x128xf32, #tpu.memory_space<hbm>>)
        tpu.yield
      }) : () -> ()
    } else {
    }
    return
  }
}

module attributes {stable_mosaic.version = 14 : i64} {
  func.func @_k0_body(%arg0: i32, %arg1: memref<1000x256xf32, #tpu.memory_space<vmem>>, %arg2: memref<256x256xf32, #tpu.memory_space<vmem>>, %arg3: memref<1x256xf32, #tpu.memory_space<vmem>>, %arg4: memref<256x256xf32, #tpu.memory_space<vmem>>, %arg5: memref<256x768xf32, #tpu.memory_space<vmem>>, %arg6: memref<1x768xf32, #tpu.memory_space<vmem>>, %arg7: memref<1000x256xf32, #tpu.memory_space<vmem>>, %arg8: memref<1000x128xf32, #tpu.memory_space<vmem>>, %arg9: memref<1000x128xf32, #tpu.memory_space<vmem>>, %arg10: memref<1000x768xf32, #tpu.memory_space<vmem>>) attributes {dimension_semantics = [#tpu.dimension_semantics<arbitrary>], iteration_bounds = array<i64: 10>, scalar_prefetch = 0 : i64, scratch_operands = 0 : i64, tpu.core_type = #tpu.core_type<tc>, window_params = [{transform_indices = @transform_0, window_bounds = array<i64: 1000, 256>}, {pipeline_mode = #tpu.pipeline_mode<synchronous>, transform_indices = @transform_1, window_bounds = array<i64: 256, 256>}, {pipeline_mode = #tpu.pipeline_mode<synchronous>, transform_indices = @transform_2, window_bounds = array<i64: 1, 256>}, {pipeline_mode = #tpu.pipeline_mode<synchronous>, transform_indices = @transform_3, window_bounds = array<i64: 256, 256>}, {pipeline_mode = #tpu.pipeline_mode<synchronous>, transform_indices = @transform_4, window_bounds = array<i64: 256, 768>}, {pipeline_mode = #tpu.pipeline_mode<synchronous>, transform_indices = @transform_5, window_bounds = array<i64: 1, 768>}, {transform_indices = @transform_6, window_bounds = array<i64: 1000, 256>}, {transform_indices = @transform_7, window_bounds = array<i64: 1000, 128>}, {transform_indices = @transform_8, window_bounds = array<i64: 1000, 128>}, {transform_indices = @transform_9, window_bounds = array<i64: 1000, 768>}]} {
    %get3A = arith.constant 0 : index
    %get3A_0 = arith.constant 0 : index
    %get3A_1 = vector.load %arg1[%get3A, %get3A_0] : memref<1000x256xf32, #tpu.memory_space<vmem>>, vector<1000x256xf32>
    %get3A_2 = arith.constant 0 : index
    %get3A_3 = arith.constant 0 : index
    %get3A_4 = vector.load %arg2[%get3A_2, %get3A_3] : memref<256x256xf32, #tpu.memory_space<vmem>>, vector<256x256xf32>
    %dot_general3A = arith.constant dense<0.000000e+00> : vector<1000x256xf32>
    %dot_general3A_5 = tpu.matmul %get3A_1, %get3A_4, %dot_general3A {dimension_numbers = #tpu.dot_dimension_numbers<[1], [0], [0], [1], [0, 0, 1, 1], [], []>, transpose_lhs_hint = false} : vector<1000x256xf32>, vector<256x256xf32>, vector<1000x256xf32> -> vector<1000x256xf32>
    %get3A_6 = arith.constant 0 : index
    %get3A_7 = arith.constant 0 : index
    %get3A_8 = vector.load %arg3[%get3A_6, %get3A_7] : memref<1x256xf32, #tpu.memory_space<vmem>>, vector<1x256xf32>
    %add3A = vector.broadcast %get3A_8 : vector<1x256xf32> to vector<1000x256xf32>
    %add3A_9 = arith.addf %dot_general3A_5, %add3A : vector<1000x256xf32>
    %max3A = arith.constant 0.000000e+00 : f32
    %max3A_10 = vector.broadcast %max3A : f32 to vector<1000x256xf32>
    %max3A_11 = arith.maximumf %add3A_9, %max3A_10 : vector<1000x256xf32>
    %swap3A = arith.constant 0 : index
    %swap3A_12 = arith.constant 0 : index
    %swap3A_13 = vector.load %arg7[%swap3A, %swap3A_12] : memref<1000x256xf32, #tpu.memory_space<vmem>>, vector<1000x256xf32>
    tpu.vector_store %arg7[%swap3A, %swap3A_12], %max3A_11 {strides = array<i32>} : memref<1000x256xf32, #tpu.memory_space<vmem>>, vector<1000x256xf32>,
    %get3A_14 = arith.constant 0 : index
    %get3A_15 = arith.constant 0 : index
    %get3A_16 = vector.load %arg4[%get3A_14, %get3A_15] : memref<256x256xf32, #tpu.memory_space<vmem>>, vector<256x256xf32>
    %dot_general3A_17 = arith.constant dense<0.000000e+00> : vector<1000x256xf32>
    %dot_general3A_18 = tpu.matmul %max3A_11, %get3A_16, %dot_general3A_17 {dimension_numbers = #tpu.dot_dimension_numbers<[1], [0], [0], [1], [0, 0, 1, 1], [], []>, transpose_lhs_hint = false} : vector<1000x256xf32>, vector<256x256xf32>, vector<1000x256xf32> -> vector<1000x256xf32>
    %slice3A = vector.extract_strided_slice %dot_general3A_18 {offsets = [0, 0], sizes = [1000, 128], strides = [1, 1]} : vector<1000x256xf32> to vector<1000x128xf32>
    %swap3A_19 = arith.constant 0 : index
    %swap3A_20 = arith.constant 0 : index
    %swap3A_21 = vector.load %arg8[%swap3A_19, %swap3A_20] : memref<1000x128xf32, #tpu.memory_space<vmem>>, vector<1000x128xf32>
    tpu.vector_store %arg8[%swap3A_19, %swap3A_20], %slice3A {strides = array<i32>} : memref<1000x128xf32, #tpu.memory_space<vmem>>, vector<1000x128xf32>,
    %slice3A_22 = vector.extract_strided_slice %dot_general3A_18 {offsets = [0, 128], sizes = [1000, 128], strides = [1, 1]} : vector<1000x256xf32> to vector<1000x128xf32>
    %swap3A_23 = arith.constant 0 : index
    %swap3A_24 = arith.constant 0 : index
    %swap3A_25 = vector.load %arg9[%swap3A_23, %swap3A_24] : memref<1000x128xf32, #tpu.memory_space<vmem>>, vector<1000x128xf32>
    tpu.vector_store %arg9[%swap3A_23, %swap3A_24], %slice3A_22 {strides = array<i32>} : memref<1000x128xf32, #tpu.memory_space<vmem>>, vector<1000x128xf32>,
    %get3A_26 = arith.constant 0 : index
    %get3A_27 = arith.constant 0 : index
    %get3A_28 = vector.load %arg5[%get3A_26, %get3A_27] : memref<256x768xf32, #tpu.memory_space<vmem>>, vector<256x768xf32>
    %dot_general3A_29 = arith.constant dense<0.000000e+00> : vector<1000x768xf32>
    %dot_general3A_30 = tpu.matmul %max3A_11, %get3A_28, %dot_general3A_29 {dimension_numbers = #tpu.dot_dimension_numbers<[1], [0], [0], [1], [0, 0, 1, 1], [], []>, transpose_lhs_hint = false} : vector<1000x256xf32>, vector<256x768xf32>, vector<1000x768xf32> -> vector<1000x768xf32>
    %get3A_31 = arith.constant 0 : index
    %get3A_32 = arith.constant 0 : index
    %get3A_33 = vector.load %arg6[%get3A_31, %get3A_32] : memref<1x768xf32, #tpu.memory_space<vmem>>, vector<1x768xf32>
    %add3A_34 = vector.broadcast %get3A_33 : vector<1x768xf32> to vector<1000x768xf32>
    %add3A_35 = arith.addf %dot_general3A_30, %add3A_34 : vector<1000x768xf32>
    %swap3A_36 = arith.constant 0 : index
    %swap3A_37 = arith.constant 0 : index
    %swap3A_38 = vector.load %arg10[%swap3A_36, %swap3A_37] : memref<1000x768xf32, #tpu.memory_space<vmem>>, vector<1000x768xf32>
    tpu.vector_store %arg10[%swap3A_36, %swap3A_37], %add3A_35 {strides = array<i32>} : memref<1000x768xf32, #tpu.memory_space<vmem>>, vector<1000x768xf32>,
    return
  }
  func.func @transform_0(%arg0: i32) -> (i32, i32) {
    %c0_i32 = arith.constant 0 : i32
    %c0_i32_0 = arith.constant 0 : i32
    return %arg0, %c0_i32 : i32, i32
  }
  func.func @transform_1(%arg0: i32) -> (i32, i32) {
    %c0_i32 = arith.constant 0 : i32
    %c0_i32_0 = arith.constant 0 : i32
    %c0_i32_1 = arith.constant 0 : i32
    return %c0_i32, %c0_i32_0 : i32, i32
  }
  func.func @transform_2(%arg0: i32) -> (i32, i32) {
    %c0_i32 = arith.constant 0 : i32
    %c0_i32_0 = arith.constant 0 : i32
    %c0_i32_1 = arith.constant 0 : i32
    return %c0_i32, %c0_i32_0 : i32, i32
  }
  func.func @transform_3(%arg0: i32) -> (i32, i32) {
    %c0_i32 = arith.constant 0 : i32
    %c0_i32_0 = arith.constant 0 : i32
    %c0_i32_1 = arith.constant 0 : i32
    return %c0_i32, %c0_i32_0 : i32, i32
  }
  func.func @transform_4(%arg0: i32) -> (i32, i32) {
    %c0_i32 = arith.constant 0 : i32
    %c0_i32_0 = arith.constant 0 : i32
    %c0_i32_1 = arith.constant 0 : i32
    return %c0_i32, %c0_i32_0 : i32, i32
  }
  func.func @transform_5(%arg0: i32) -> (i32, i32) {
    %c0_i32 = arith.constant 0 : i32
    %c0_i32_0 = arith.constant 0 : i32
    %c0_i32_1 = arith.constant 0 : i32
    return %c0_i32, %c0_i32_0 : i32, i32
  }
  func.func @transform_6(%arg0: i32) -> (i32, i32) {
    %c0_i32 = arith.constant 0 : i32
    %c0_i32_0 = arith.constant 0 : i32
    return %arg0, %c0_i32 : i32, i32
  }
  func.func @transform_7(%arg0: i32) -> (i32, i32) {
    %c0_i32 = arith.constant 0 : i32
    %c0_i32_0 = arith.constant 0 : i32
    return %arg0, %c0_i32 : i32, i32
  }
  func.func @transform_8(%arg0: i32) -> (i32, i32) {
    %c0_i32 = arith.constant 0 : i32
    %c0_i32_0 = arith.constant 0 : i32
    return %arg0, %c0_i32 : i32, i32
  }
  func.func @transform_9(%arg0: i32) -> (i32, i32) {
    %c0_i32 = arith.constant 0 : i32
    %c0_i32_0 = arith.constant 0 : i32
    return %arg0, %c0_i32 : i32, i32
  }
}

module attributes {stable_mosaic.version = 14 : i64} {
  func.func @_k1_body(%arg0: i32, %arg1: memref<1x1000x128xf32, #tpu.memory_space<vmem>>, %arg2: memref<1x1000x128xf32, #tpu.memory_space<vmem>>, %arg3: memref<1000x256xf32, #tpu.memory_space<vmem>>, %arg4: memref<1000x768xf32, #tpu.memory_space<vmem>>, %arg5: memref<256x768xf32, #tpu.memory_space<vmem>>, %arg6: memref<1x768xf32, #tpu.memory_space<vmem>>, %arg7: memref<256x256xf32, #tpu.memory_space<vmem>>, %arg8: memref<256x768xf32, #tpu.memory_space<vmem>>, %arg9: memref<1x768xf32, #tpu.memory_space<vmem>>, %arg10: memref<1000x256xf32, #tpu.memory_space<vmem>>, %arg11: memref<1000x128xf32, #tpu.memory_space<vmem>>, %arg12: memref<1000x128xf32, #tpu.memory_space<vmem>>, %arg13: memref<1000x768xf32, #tpu.memory_space<vmem>>) attributes {dimension_semantics = [#tpu.dimension_semantics<arbitrary>], iteration_bounds = array<i64: 10>, scalar_prefetch = 0 : i64, scratch_operands = 0 : i64, tpu.core_type = #tpu.core_type<tc>, window_params = [{transform_indices = @transform_0, window_bounds = array<i64: 1, 1000, 128>}, {transform_indices = @transform_1, window_bounds = array<i64: 1, 1000, 128>}, {transform_indices = @transform_2, window_bounds = array<i64: 1000, 256>}, {transform_indices = @transform_3, window_bounds = array<i64: 1000, 768>}, {pipeline_mode = #tpu.pipeline_mode<synchronous>, transform_indices = @transform_4, window_bounds = array<i64: 256, 768>}, {pipeline_mode = #tpu.pipeline_mode<synchronous>, transform_indices = @transform_5, window_bounds = array<i64: 1, 768>}, {pipeline_mode = #tpu.pipeline_mode<synchronous>, transform_indices = @transform_6, window_bounds = array<i64: 256, 256>}, {pipeline_mode = #tpu.pipeline_mode<synchronous>, transform_indices = @transform_7, window_bounds = array<i64: 256, 768>}, {pipeline_mode = #tpu.pipeline_mode<synchronous>, transform_indices = @transform_8, window_bounds = array<i64: 1, 768>}, {transform_indices = @transform_9, window_bounds = array<i64: 1000, 256>}, {transform_indices = @transform_10, window_bounds = array<i64: 1000, 128>}, {transform_indices = @transform_11, window_bounds = array<i64: 1000, 128>}, {transform_indices = @transform_12, window_bounds = array<i64: 1000, 768>}]} {
    %get3A = arith.constant 0 : index
    %get3A_0 = arith.constant 0 : index
    %get3A_1 = arith.constant 0 : index
    %get3A_2 = vector.load %arg1[%get3A, %get3A_0, %get3A_1] : memref<1x1000x128xf32, #tpu.memory_space<vmem>>, vector<1x1000x128xf32>
    %get3A_3 = vector.shape_cast %get3A_2 : vector<1x1000x128xf32> to vector<1000x128xf32>
    %get3A_4 = arith.constant 0 : index
    %get3A_5 = arith.constant 0 : index
    %get3A_6 = arith.constant 0 : index
    %get3A_7 = vector.load %arg2[%get3A_4, %get3A_5, %get3A_6] : memref<1x1000x128xf32, #tpu.memory_space<vmem>>, vector<1x1000x128xf32>
    %get3A_8 = vector.shape_cast %get3A_7 : vector<1x1000x128xf32> to vector<1000x128xf32>
    %get3A_9 = arith.constant 0 : index
    %get3A_10 = arith.constant 0 : index
    %get3A_11 = vector.load %arg3[%get3A_9, %get3A_10] : memref<1000x256xf32, #tpu.memory_space<vmem>>, vector<1000x256xf32>
    %get3A_12 = arith.constant 0 : index
    %get3A_13 = arith.constant 0 : index
    %get3A_14 = vector.load %arg4[%get3A_12, %get3A_13] : memref<1000x768xf32, #tpu.memory_space<vmem>>, vector<1000x768xf32>
    %get3A_15 = arith.constant 0 : index
    %get3A_16 = arith.constant 0 : index
    %get3A_17 = vector.load %arg5[%get3A_15, %get3A_16] : memref<256x768xf32, #tpu.memory_space<vmem>>, vector<256x768xf32>
    %get3A_18 = arith.constant 0 : index
    %get3A_19 = arith.constant 0 : index
    %get3A_20 = vector.load %arg6[%get3A_18, %get3A_19] : memref<1x768xf32, #tpu.memory_space<vmem>>, vector<1x768xf32>
    %slice3A = vector.extract_strided_slice %get3A_17 {offsets = [0, 0], sizes = [128, 768], strides = [1, 1]} : vector<256x768xf32> to vector<128x768xf32>
    %dot_general3A = arith.constant dense<0.000000e+00> : vector<1000x768xf32>
    %dot_general3A_21 = tpu.matmul %get3A_3, %slice3A, %dot_general3A {dimension_numbers = #tpu.dot_dimension_numbers<[1], [0], [0], [1], [0, 0, 1, 1], [], []>, transpose_lhs_hint = false} : vector<1000x128xf32>, vector<128x768xf32>, vector<1000x768xf32> -> vector<1000x768xf32>
    %slice3A_22 = vector.extract_strided_slice %get3A_17 {offsets = [128, 0], sizes = [128, 768], strides = [1, 1]} : vector<256x768xf32> to vector<128x768xf32>
    %dot_general3A_23 = arith.constant dense<0.000000e+00> : vector<1000x768xf32>
    %dot_general3A_24 = tpu.matmul %get3A_8, %slice3A_22, %dot_general3A_23 {dimension_numbers = #tpu.dot_dimension_numbers<[1], [0], [0], [1], [0, 0, 1, 1], [], []>, transpose_lhs_hint = false} : vector<1000x128xf32>, vector<128x768xf32>, vector<1000x768xf32> -> vector<1000x768xf32>
    %add3A = arith.addf %dot_general3A_21, %dot_general3A_24 : vector<1000x768xf32>
    %add3A_25 = vector.broadcast %get3A_20 : vector<1x768xf32> to vector<1000x768xf32>
    %add3A_26 = arith.addf %add3A, %add3A_25 : vector<1000x768xf32>
    %slice3A_27 = vector.extract_strided_slice %add3A_26 {offsets = [0, 0], sizes = [1000, 256], strides = [1, 1]} : vector<1000x768xf32> to vector<1000x256xf32>
    %slice3A_28 = vector.extract_strided_slice %get3A_14 {offsets = [0, 0], sizes = [1000, 256], strides = [1, 1]} : vector<1000x768xf32> to vector<1000x256xf32>
    %add3A_29 = arith.addf %slice3A_27, %slice3A_28 : vector<1000x256xf32>
    %logistic3A = arith.negf %add3A_29 : vector<1000x256xf32>
    %logistic3A_30 = math.exp %logistic3A : vector<1000x256xf32>
    %logistic3A_31 = arith.constant 1.000000e+00 : f32
    %logistic3A_32 = vector.broadcast %logistic3A_31 : f32 to vector<1000x256xf32>
    %logistic3A_33 = arith.addf %logistic3A_32, %logistic3A_30 : vector<1000x256xf32>
    %logistic3A_34 = arith.divf %logistic3A_32, %logistic3A_33 : vector<1000x256xf32>
    %slice3A_35 = vector.extract_strided_slice %add3A_26 {offsets = [0, 256], sizes = [1000, 256], strides = [1, 1]} : vector<1000x768xf32> to vector<1000x256xf32>
    %slice3A_36 = vector.extract_strided_slice %get3A_14 {offsets = [0, 256], sizes = [1000, 256], strides = [1, 1]} : vector<1000x768xf32> to vector<1000x256xf32>
    %add3A_37 = arith.addf %slice3A_35, %slice3A_36 : vector<1000x256xf32>
    %logistic3A_38 = arith.negf %add3A_37 : vector<1000x256xf32>
    %logistic3A_39 = math.exp %logistic3A_38 : vector<1000x256xf32>
    %logistic3A_40 = arith.constant 1.000000e+00 : f32
    %logistic3A_41 = vector.broadcast %logistic3A_40 : f32 to vector<1000x256xf32>
    %logistic3A_42 = arith.addf %logistic3A_41, %logistic3A_39 : vector<1000x256xf32>
    %logistic3A_43 = arith.divf %logistic3A_41, %logistic3A_42 : vector<1000x256xf32>
    %slice3A_44 = vector.extract_strided_slice %add3A_26 {offsets = [0, 512], sizes = [1000, 256], strides = [1, 1]} : vector<1000x768xf32> to vector<1000x256xf32>
    %slice3A_45 = vector.extract_strided_slice %get3A_14 {offsets = [0, 512], sizes = [1000, 256], strides = [1, 1]} : vector<1000x768xf32> to vector<1000x256xf32>
    %mul3A = arith.mulf %logistic3A_34, %slice3A_45 : vector<1000x256xf32>
    %add3A_46 = arith.addf %slice3A_44, %mul3A : vector<1000x256xf32>
    %tanh3A = math.tanh %add3A_46 : vector<1000x256xf32>
    %sub3A = arith.constant 1.000000e+00 : f32
    %sub3A_47 = vector.broadcast %sub3A : f32 to vector<1000x256xf32>
    %sub3A_48 = arith.subf %sub3A_47, %logistic3A_43 : vector<1000x256xf32>
    %mul3A_49 = arith.mulf %sub3A_48, %tanh3A : vector<1000x256xf32>
    %mul3A_50 = arith.mulf %logistic3A_43, %get3A_11 : vector<1000x256xf32>
    %add3A_51 = arith.addf %mul3A_49, %mul3A_50 : vector<1000x256xf32>
    %swap3A = arith.constant 0 : index
    %swap3A_52 = arith.constant 0 : index
    %swap3A_53 = vector.load %arg10[%swap3A, %swap3A_52] : memref<1000x256xf32, #tpu.memory_space<vmem>>, vector<1000x256xf32>
    tpu.vector_store %arg10[%swap3A, %swap3A_52], %add3A_51 {strides = array<i32>} : memref<1000x256xf32, #tpu.memory_space<vmem>>, vector<1000x256xf32>,
    %get3A_54 = arith.constant 0 : index
    %get3A_55 = arith.constant 0 : index
    %get3A_56 = vector.load %arg7[%get3A_54, %get3A_55] : memref<256x256xf32, #tpu.memory_space<vmem>>, vector<256x256xf32>
    %dot_general3A_57 = arith.constant dense<0.000000e+00> : vector<1000x256xf32>
    %dot_general3A_58 = tpu.matmul %add3A_51, %get3A_56, %dot_general3A_57 {dimension_numbers = #tpu.dot_dimension_numbers<[1], [0], [0], [1], [0, 0, 1, 1], [], []>, transpose_lhs_hint = false} : vector<1000x256xf32>, vector<256x256xf32>, vector<1000x256xf32> -> vector<1000x256xf32>
    %slice3A_59 = vector.extract_strided_slice %dot_general3A_58 {offsets = [0, 0], sizes = [1000, 128], strides = [1, 1]} : vector<1000x256xf32> to vector<1000x128xf32>
    %swap3A_60 = arith.constant 0 : index
    %swap3A_61 = arith.constant 0 : index
    %swap3A_62 = vector.load %arg11[%swap3A_60, %swap3A_61] : memref<1000x128xf32, #tpu.memory_space<vmem>>, vector<1000x128xf32>
    tpu.vector_store %arg11[%swap3A_60, %swap3A_61], %slice3A_59 {strides = array<i32>} : memref<1000x128xf32, #tpu.memory_space<vmem>>, vector<1000x128xf32>,
    %slice3A_63 = vector.extract_strided_slice %dot_general3A_58 {offsets = [0, 128], sizes = [1000, 128], strides = [1, 1]} : vector<1000x256xf32> to vector<1000x128xf32>
    %swap3A_64 = arith.constant 0 : index
    %swap3A_65 = arith.constant 0 : index
    %swap3A_66 = vector.load %arg12[%swap3A_64, %swap3A_65] : memref<1000x128xf32, #tpu.memory_space<vmem>>, vector<1000x128xf32>
    tpu.vector_store %arg12[%swap3A_64, %swap3A_65], %slice3A_63 {strides = array<i32>} : memref<1000x128xf32, #tpu.memory_space<vmem>>, vector<1000x128xf32>,
    %get3A_67 = arith.constant 0 : index
    %get3A_68 = arith.constant 0 : index
    %get3A_69 = vector.load %arg8[%get3A_67, %get3A_68] : memref<256x768xf32, #tpu.memory_space<vmem>>, vector<256x768xf32>
    %dot_general3A_70 = arith.constant dense<0.000000e+00> : vector<1000x768xf32>
    %dot_general3A_71 = tpu.matmul %add3A_51, %get3A_69, %dot_general3A_70 {dimension_numbers = #tpu.dot_dimension_numbers<[1], [0], [0], [1], [0, 0, 1, 1], [], []>, transpose_lhs_hint = false} : vector<1000x256xf32>, vector<256x768xf32>, vector<1000x768xf32> -> vector<1000x768xf32>
    %get3A_72 = arith.constant 0 : index
    %get3A_73 = arith.constant 0 : index
    %get3A_74 = vector.load %arg9[%get3A_72, %get3A_73] : memref<1x768xf32, #tpu.memory_space<vmem>>, vector<1x768xf32>
    %add3A_75 = vector.broadcast %get3A_74 : vector<1x768xf32> to vector<1000x768xf32>
    %add3A_76 = arith.addf %dot_general3A_71, %add3A_75 : vector<1000x768xf32>
    %swap3A_77 = arith.constant 0 : index
    %swap3A_78 = arith.constant 0 : index
    %swap3A_79 = vector.load %arg13[%swap3A_77, %swap3A_78] : memref<1000x768xf32, #tpu.memory_space<vmem>>, vector<1000x768xf32>
    tpu.vector_store %arg13[%swap3A_77, %swap3A_78], %add3A_76 {strides = array<i32>} : memref<1000x768xf32, #tpu.memory_space<vmem>>, vector<1000x768xf32>,
    return
  }
  func.func @transform_0(%arg0: i32) -> (i32, i32, i32) {
    %c0_i32 = arith.constant 0 : i32
    %c0_i32_0 = arith.constant 0 : i32
    %c0_i32_1 = arith.constant 0 : i32
    return %c0_i32, %arg0, %c0_i32_0 : i32, i32, i32
  }
  func.func @transform_1(%arg0: i32) -> (i32, i32, i32) {
    %c1_i32 = arith.constant 1 : i32
    %c0_i32 = arith.constant 0 : i32
    %c0_i32_0 = arith.constant 0 : i32
    return %c1_i32, %arg0, %c0_i32 : i32, i32, i32
  }
  func.func @transform_2(%arg0: i32) -> (i32, i32) {
    %c0_i32 = arith.constant 0 : i32
    %c0_i32_0 = arith.constant 0 : i32
    return %arg0, %c0_i32 : i32, i32
  }
  func.func @transform_3(%arg0: i32) -> (i32, i32) {
    %c0_i32 = arith.constant 0 : i32
    %c0_i32_0 = arith.constant 0 : i32
    return %arg0, %c0_i32 : i32, i32
  }
  func.func @transform_4(%arg0: i32) -> (i32, i32) {
    %c0_i32 = arith.constant 0 : i32
    %c0_i32_0 = arith.constant 0 : i32
    %c0_i32_1 = arith.constant 0 : i32
    return %c0_i32, %c0_i32_0 : i32, i32
  }
  func.func @transform_5(%arg0: i32) -> (i32, i32) {
    %c0_i32 = arith.constant 0 : i32
    %c0_i32_0 = arith.constant 0 : i32
    %c0_i32_1 = arith.constant 0 : i32
    return %c0_i32, %c0_i32_0 : i32, i32
  }
  func.func @transform_6(%arg0: i32) -> (i32, i32) {
    %c0_i32 = arith.constant 0 : i32
    %c0_i32_0 = arith.constant 0 : i32
    %c0_i32_1 = arith.constant 0 : i32
    return %c0_i32, %c0_i32_0 : i32, i32
  }
  func.func @transform_7(%arg0: i32) -> (i32, i32) {
    %c0_i32 = arith.constant 0 : i32
    %c0_i32_0 = arith.constant 0 : i32
    %c0_i32_1 = arith.constant 0 : i32
    return %c0_i32, %c0_i32_0 : i32, i32
  }
  func.func @transform_8(%arg0: i32) -> (i32, i32) {
    %c0_i32 = arith.constant 0 : i32
    %c0_i32_0 = arith.constant 0 : i32
    %c0_i32_1 = arith.constant 0 : i32
    return %c0_i32, %c0_i32_0 : i32, i32
  }
  func.func @transform_9(%arg0: i32) -> (i32, i32) {
    %c0_i32 = arith.constant 0 : i32
    %c0_i32_0 = arith.constant 0 : i32
    return %arg0, %c0_i32 : i32, i32
  }
  func.func @transform_10(%arg0: i32) -> (i32, i32) {
    %c0_i32 = arith.constant 0 : i32
    %c0_i32_0 = arith.constant 0 : i32
    return %arg0, %c0_i32 : i32, i32
  }
  func.func @transform_11(%arg0: i32) -> (i32, i32) {
    %c0_i32 = arith.constant 0 : i32
    %c0_i32_0 = arith.constant 0 : i32
    return %arg0, %c0_i32 : i32, i32
  }
  func.func @transform_12(%arg0: i32) -> (i32, i32) {
    %c0_i32 = arith.constant 0 : i32
    %c0_i32_0 = arith.constant 0 : i32
    return %arg0, %c0_i32 : i32, i32
  }
}

module attributes {stable_mosaic.version = 14 : i64} {
  func.func @_k2_body(%arg0: i32, %arg1: memref<1x1000x128xf32, #tpu.memory_space<vmem>>, %arg2: memref<1x1000x128xf32, #tpu.memory_space<vmem>>, %arg3: memref<1000x256xf32, #tpu.memory_space<vmem>>, %arg4: memref<1000x768xf32, #tpu.memory_space<vmem>>, %arg5: memref<256x768xf32, #tpu.memory_space<vmem>>, %arg6: memref<1x768xf32, #tpu.memory_space<vmem>>, %arg7: memref<256x256xf32, #tpu.memory_space<vmem>>, %arg8: memref<1x256xf32, #tpu.memory_space<vmem>>, %arg9: memref<1000x256xf32, #tpu.memory_space<vmem>>) attributes {dimension_semantics = [#tpu.dimension_semantics<arbitrary>], iteration_bounds = array<i64: 10>, scalar_prefetch = 0 : i64, scratch_operands = 0 : i64, tpu.core_type = #tpu.core_type<tc>, window_params = [{transform_indices = @transform_0, window_bounds = array<i64: 1, 1000, 128>}, {transform_indices = @transform_1, window_bounds = array<i64: 1, 1000, 128>}, {transform_indices = @transform_2, window_bounds = array<i64: 1000, 256>}, {transform_indices = @transform_3, window_bounds = array<i64: 1000, 768>}, {pipeline_mode = #tpu.pipeline_mode<synchronous>, transform_indices = @transform_4, window_bounds = array<i64: 256, 768>}, {pipeline_mode = #tpu.pipeline_mode<synchronous>, transform_indices = @transform_5, window_bounds = array<i64: 1, 768>}, {pipeline_mode = #tpu.pipeline_mode<synchronous>, transform_indices = @transform_6, window_bounds = array<i64: 256, 256>}, {pipeline_mode = #tpu.pipeline_mode<synchronous>, transform_indices = @transform_7, window_bounds = array<i64: 1, 256>}, {transform_indices = @transform_8, window_bounds = array<i64: 1000, 256>}]} {
    %get3A = arith.constant 0 : index
    %get3A_0 = arith.constant 0 : index
    %get3A_1 = arith.constant 0 : index
    %get3A_2 = vector.load %arg1[%get3A, %get3A_0, %get3A_1] : memref<1x1000x128xf32, #tpu.memory_space<vmem>>, vector<1x1000x128xf32>
    %get3A_3 = vector.shape_cast %get3A_2 : vector<1x1000x128xf32> to vector<1000x128xf32>
    %get3A_4 = arith.constant 0 : index
    %get3A_5 = arith.constant 0 : index
    %get3A_6 = arith.constant 0 : index
    %get3A_7 = vector.load %arg2[%get3A_4, %get3A_5, %get3A_6] : memref<1x1000x128xf32, #tpu.memory_space<vmem>>, vector<1x1000x128xf32>
    %get3A_8 = vector.shape_cast %get3A_7 : vector<1x1000x128xf32> to vector<1000x128xf32>
    %get3A_9 = arith.constant 0 : index
    %get3A_10 = arith.constant 0 : index
    %get3A_11 = vector.load %arg3[%get3A_9, %get3A_10] : memref<1000x256xf32, #tpu.memory_space<vmem>>, vector<1000x256xf32>
    %get3A_12 = arith.constant 0 : index
    %get3A_13 = arith.constant 0 : index
    %get3A_14 = vector.load %arg4[%get3A_12, %get3A_13] : memref<1000x768xf32, #tpu.memory_space<vmem>>, vector<1000x768xf32>
    %get3A_15 = arith.constant 0 : index
    %get3A_16 = arith.constant 0 : index
    %get3A_17 = vector.load %arg5[%get3A_15, %get3A_16] : memref<256x768xf32, #tpu.memory_space<vmem>>, vector<256x768xf32>
    %get3A_18 = arith.constant 0 : index
    %get3A_19 = arith.constant 0 : index
    %get3A_20 = vector.load %arg6[%get3A_18, %get3A_19] : memref<1x768xf32, #tpu.memory_space<vmem>>, vector<1x768xf32>
    %slice3A = vector.extract_strided_slice %get3A_17 {offsets = [0, 0], sizes = [128, 768], strides = [1, 1]} : vector<256x768xf32> to vector<128x768xf32>
    %dot_general3A = arith.constant dense<0.000000e+00> : vector<1000x768xf32>
    %dot_general3A_21 = tpu.matmul %get3A_3, %slice3A, %dot_general3A {dimension_numbers = #tpu.dot_dimension_numbers<[1], [0], [0], [1], [0, 0, 1, 1], [], []>, transpose_lhs_hint = false} : vector<1000x128xf32>, vector<128x768xf32>, vector<1000x768xf32> -> vector<1000x768xf32>
    %slice3A_22 = vector.extract_strided_slice %get3A_17 {offsets = [128, 0], sizes = [128, 768], strides = [1, 1]} : vector<256x768xf32> to vector<128x768xf32>
    %dot_general3A_23 = arith.constant dense<0.000000e+00> : vector<1000x768xf32>
    %dot_general3A_24 = tpu.matmul %get3A_8, %slice3A_22, %dot_general3A_23 {dimension_numbers = #tpu.dot_dimension_numbers<[1], [0], [0], [1], [0, 0, 1, 1], [], []>, transpose_lhs_hint = false} : vector<1000x128xf32>, vector<128x768xf32>, vector<1000x768xf32> -> vector<1000x768xf32>
    %add3A = arith.addf %dot_general3A_21, %dot_general3A_24 : vector<1000x768xf32>
    %add3A_25 = vector.broadcast %get3A_20 : vector<1x768xf32> to vector<1000x768xf32>
    %add3A_26 = arith.addf %add3A, %add3A_25 : vector<1000x768xf32>
    %slice3A_27 = vector.extract_strided_slice %add3A_26 {offsets = [0, 0], sizes = [1000, 256], strides = [1, 1]} : vector<1000x768xf32> to vector<1000x256xf32>
    %slice3A_28 = vector.extract_strided_slice %get3A_14 {offsets = [0, 0], sizes = [1000, 256], strides = [1, 1]} : vector<1000x768xf32> to vector<1000x256xf32>
    %add3A_29 = arith.addf %slice3A_27, %slice3A_28 : vector<1000x256xf32>
    %logistic3A = arith.negf %add3A_29 : vector<1000x256xf32>
    %logistic3A_30 = math.exp %logistic3A : vector<1000x256xf32>
    %logistic3A_31 = arith.constant 1.000000e+00 : f32
    %logistic3A_32 = vector.broadcast %logistic3A_31 : f32 to vector<1000x256xf32>
    %logistic3A_33 = arith.addf %logistic3A_32, %logistic3A_30 : vector<1000x256xf32>
    %logistic3A_34 = arith.divf %logistic3A_32, %logistic3A_33 : vector<1000x256xf32>
    %slice3A_35 = vector.extract_strided_slice %add3A_26 {offsets = [0, 256], sizes = [1000, 256], strides = [1, 1]} : vector<1000x768xf32> to vector<1000x256xf32>
    %slice3A_36 = vector.extract_strided_slice %get3A_14 {offsets = [0, 256], sizes = [1000, 256], strides = [1, 1]} : vector<1000x768xf32> to vector<1000x256xf32>
    %add3A_37 = arith.addf %slice3A_35, %slice3A_36 : vector<1000x256xf32>
    %logistic3A_38 = arith.negf %add3A_37 : vector<1000x256xf32>
    %logistic3A_39 = math.exp %logistic3A_38 : vector<1000x256xf32>
    %logistic3A_40 = arith.constant 1.000000e+00 : f32
    %logistic3A_41 = vector.broadcast %logistic3A_40 : f32 to vector<1000x256xf32>
    %logistic3A_42 = arith.addf %logistic3A_41, %logistic3A_39 : vector<1000x256xf32>
    %logistic3A_43 = arith.divf %logistic3A_41, %logistic3A_42 : vector<1000x256xf32>
    %slice3A_44 = vector.extract_strided_slice %add3A_26 {offsets = [0, 512], sizes = [1000, 256], strides = [1, 1]} : vector<1000x768xf32> to vector<1000x256xf32>
    %slice3A_45 = vector.extract_strided_slice %get3A_14 {offsets = [0, 512], sizes = [1000, 256], strides = [1, 1]} : vector<1000x768xf32> to vector<1000x256xf32>
    %mul3A = arith.mulf %logistic3A_34, %slice3A_45 : vector<1000x256xf32>
    %add3A_46 = arith.addf %slice3A_44, %mul3A : vector<1000x256xf32>
    %tanh3A = math.tanh %add3A_46 : vector<1000x256xf32>
    %sub3A = arith.constant 1.000000e+00 : f32
    %sub3A_47 = vector.broadcast %sub3A : f32 to vector<1000x256xf32>
    %sub3A_48 = arith.subf %sub3A_47, %logistic3A_43 : vector<1000x256xf32>
    %mul3A_49 = arith.mulf %sub3A_48, %tanh3A : vector<1000x256xf32>
    %mul3A_50 = arith.mulf %logistic3A_43, %get3A_11 : vector<1000x256xf32>
    %add3A_51 = arith.addf %mul3A_49, %mul3A_50 : vector<1000x256xf32>
    %get3A_52 = arith.constant 0 : index
    %get3A_53 = arith.constant 0 : index
    %get3A_54 = vector.load %arg7[%get3A_52, %get3A_53] : memref<256x256xf32, #tpu.memory_space<vmem>>, vector<256x256xf32>
    %dot_general3A_55 = arith.constant dense<0.000000e+00> : vector<1000x256xf32>
    %dot_general3A_56 = tpu.matmul %add3A_51, %get3A_54, %dot_general3A_55 {dimension_numbers = #tpu.dot_dimension_numbers<[1], [0], [0], [1], [0, 0, 1, 1], [], []>, transpose_lhs_hint = false} : vector<1000x256xf32>, vector<256x256xf32>, vector<1000x256xf32> -> vector<1000x256xf32>
    %get3A_57 = arith.constant 0 : index
    %get3A_58 = arith.constant 0 : index
    %get3A_59 = vector.load %arg8[%get3A_57, %get3A_58] : memref<1x256xf32, #tpu.memory_space<vmem>>, vector<1x256xf32>
    %add3A_60 = vector.broadcast %get3A_59 : vector<1x256xf32> to vector<1000x256xf32>
    %add3A_61 = arith.addf %dot_general3A_56, %add3A_60 : vector<1000x256xf32>
    %tanh3A_62 = math.tanh %add3A_61 : vector<1000x256xf32>
    %swap3A = arith.constant 0 : index
    %swap3A_63 = arith.constant 0 : index
    %swap3A_64 = vector.load %arg9[%swap3A, %swap3A_63] : memref<1000x256xf32, #tpu.memory_space<vmem>>, vector<1000x256xf32>
    tpu.vector_store %arg9[%swap3A, %swap3A_63], %tanh3A_62 {strides = array<i32>} : memref<1000x256xf32, #tpu.memory_space<vmem>>, vector<1000x256xf32>,
    return
  }
  func.func @transform_0(%arg0: i32) -> (i32, i32, i32) {
    %c0_i32 = arith.constant 0 : i32
    %c0_i32_0 = arith.constant 0 : i32
    %c0_i32_1 = arith.constant 0 : i32
    return %c0_i32, %arg0, %c0_i32_0 : i32, i32, i32
  }
  func.func @transform_1(%arg0: i32) -> (i32, i32, i32) {
    %c1_i32 = arith.constant 1 : i32
    %c0_i32 = arith.constant 0 : i32
    %c0_i32_0 = arith.constant 0 : i32
    return %c1_i32, %arg0, %c0_i32 : i32, i32, i32
  }
  func.func @transform_2(%arg0: i32) -> (i32, i32) {
    %c0_i32 = arith.constant 0 : i32
    %c0_i32_0 = arith.constant 0 : i32
    return %arg0, %c0_i32 : i32, i32
  }
  func.func @transform_3(%arg0: i32) -> (i32, i32) {
    %c0_i32 = arith.constant 0 : i32
    %c0_i32_0 = arith.constant 0 : i32
    return %arg0, %c0_i32 : i32, i32
  }
  func.func @transform_4(%arg0: i32) -> (i32, i32) {
    %c0_i32 = arith.constant 0 : i32
    %c0_i32_0 = arith.constant 0 : i32
    %c0_i32_1 = arith.constant 0 : i32
    return %c0_i32, %c0_i32_0 : i32, i32
  }
  func.func @transform_5(%arg0: i32) -> (i32, i32) {
    %c0_i32 = arith.constant 0 : i32
    %c0_i32_0 = arith.constant 0 : i32
    %c0_i32_1 = arith.constant 0 : i32
    return %c0_i32, %c0_i32_0 : i32, i32
  }
  func.func @transform_6(%arg0: i32) -> (i32, i32) {
    %c0_i32 = arith.constant 0 : i32
    %c0_i32_0 = arith.constant 0 : i32
    %c0_i32_1 = arith.constant 0 : i32
    return %c0_i32, %c0_i32_0 : i32, i32
  }
  func.func @transform_7(%arg0: i32) -> (i32, i32) {
    %c0_i32 = arith.constant 0 : i32
    %c0_i32_0 = arith.constant 0 : i32
    %c0_i32_1 = arith.constant 0 : i32
    return %c0_i32, %c0_i32_0 : i32, i32
  }
  func.func @transform_8(%arg0: i32) -> (i32, i32) {
    %c0_i32 = arith.constant 0 : i32
    %c0_i32_0 = arith.constant 0 : i32
    return %arg0, %c0_i32 : i32, i32
  }
}

</mosaic_0001>

<sc_bundles>
// kernel: kernel.12.cloned.1.call-start
scs
__scs_entry_jumppad:
0x0: {  	(pc) =	sbr.rel $0x88, $3  }
0x1: {  	(tag) =	ssettag $0x0;
	lr =	simm.s32 $0x1  }
0x2: {  	[smem:$0x3F96] =	sst lr;
	_ =	strace $0xD0000000  }
0x3: {  	_ = 	snop  }
0x4: {  	_ = 	snop  }
0x5: {  	_ = 	snop  }
0x6: {  	_ = 	snop  }
0x7: {  	_ = 	snop  }
__scs_overlays_trampoline_lowered:
0x8: {  	[smem:$0x3FA5] =	sst s0  }
0x9: {  	[smem:$0x3FA6] =	sst s1  }
0xa: {  	[smem:$0x3FA7] =	sst s2  }
0xb: {  	[smem:$0x3FA8] =	sst s3  }
0xc: {  	[smem:$0x3FA9] =	sst s4  }
0xd: {  	[smem:$0x3FAA] =	sst s5  }
0xe: {  	[smem:$0x3FAB] =	sst s6  }
0xf: {  	[smem:$0x3FAC] =	sst s7  }
0x10: {  	[smem:$0x3FAD] =	sst s8  }
0x11: {  	[smem:$0x3FAE] =	sst s9;
	s0 =	simm.s32 @!p0 $0x0  }
0x12: {  	s1 =	sld [smem:$0x3F94];
	s0 =	simm.s32 @p0 $0x1  }
0x13: {  	[smem:$0x3FAF] =	sst s0;
	s0 =	simm.s32 @!p1 $0x0  }
0x14: {  	s2 =	sld [smem:$0x3F93];
	s0 =	simm.s32 @p1 $0x1  }
0x15: {  	[smem:$0x3FB0] =	sst s0;
	s0 =	simm.s32 @!p2 $0x0  }
0x16: {  	s3 =	sld [smem:$0x3FDB];
	s0 =	simm.s32 @p2 $0x1  }
0x17: {  	s4 =	simm.s32 $0x1BF5;
	[smem:$0x3FB2] =	sst s0  }
0x18: {  	s0 =	sld [smem:$0x3F95];
	_ =	swait.ge [sflag:s4], $0x0  }
0x19: {  	s7 =	sld [smem:$0x3F96]  }
0x1a: {  	s8 =	sadd.s32 $0xFFFFE003, lr  }
0x1b: {  	s9 =	sadd.s32 $0xFFFFFEF7, lr;
	s5 =	simm.s32 $0xFFFFFFFF;
	p2 =	slt.u32 s8, $0xFFFFF086  }
0x1c: {  	p1 =	slt.u32 s9, $0xF7A;
	s5 =	simm.s32 @!p2 $0x0  }
0x1d: {  	s5 =	simm.s32 @p1 $0x1;
	p0 =	seq.s32 s7, s2  }
0x1e: {  	s7 =	smul.u32 @!p0 $0xF7A, s2;
	p2 =	seq.s32 @!p0 s5, $0x0  }
0x1f: {  	s9 =	smul.u32 $0xF7A, s1;
	s8 =	simm.s32 @!p0 $0x1BF5;
	p2 =	por !p2, p0  }
0x20: {  	[sflag:s8] =	ssyncset.s32 @!p0 $0xFFFFF086;
	s6 =	sadd.s32 @!p0 s3, s7;
	s7 =	simm.s32 @!p0 $0x108  }
0x21: {  	s3 =	sadd.s32 s3, s9;
	s6 =	sadd.s32 @!p0 $0x88, s6;
	s7 =	simm.s32 @p2 $0x1082  }
0x22: {  	[simem:s7], [sflag:s8] =	dma.local @!p0 [hbm:s6], $0xF7A  }
0x23: {  	s9 =	sor.u32 $0xD0000000, s2;
	s6 =	simm.s32 $0x108;
	_ =	swait.ge @!p0 [sflag:s8], $0x0  }
0x24: {  	s3 =	sadd.s32 $0x88, s3;
	s6 =	simm.s32 @!p1 $0x1082;
	[sflag:s4] =	ssyncset.s32 $0xFFFFF086  }
0x25: {  	[simem:s6], [sflag:s4] =	dma.local [hbm:s3], $0xF7A  }
0x26: {  	[smem:$0x3F96] =	sst s1;
	(tag) =	ssettag s2;
	_ =	strace s9  }
0x27: {  	s1 =	sld [smem:$0x3FA6]  }
0x28: {  	s2 =	sld [smem:$0x3FA7]  }
0x29: {  	s4 =	sld [smem:$0x3FA9]  }
0x2a: {  	p0 =	seq.s32 s5, $0x0;
	s5 =	sld [smem:$0x3FAA]  }
0x2b: {  	s6 =	sld [smem:$0x3FAB]  }
0x2c: {  	s7 =	sld [smem:$0x3FAC]  }
0x2d: {  	s3 =	simm.s32 $0x108;
	s8 =	sld [smem:$0x3FAD]  }
0x2e: {  	s3 =	simm.s32 @!p0 $0x1082;
	s9 =	sld [smem:$0x3FAE]  }
0x2f: {  	lr =	sadd.s32 s0, s3;
	s0 =	sld [smem:$0x3FA5]  }
0x30: {  	s3 =	sld [smem:$0x3FA8]  }
0x31: {  	[smem:$0x3FB1] =	sst s10  }
0x32: {  	s10 =	sld [smem:$0x3FAF];
	_ =	sdelay $0x3  }
0x33: {  	p0 =	seq.s32 s10, $0x1;
	s10 =	sld [smem:$0x3FB1];
	_ =	sdelay $0x3  }
0x34: {  	[smem:$0x3FB1] =	sst s10  }
0x35: {  	s10 =	sld [smem:$0x3FB0];
	_ =	sdelay $0x3  }
0x36: {  	p1 =	seq.s32 s10, $0x1;
	s10 =	sld [smem:$0x3FB1];
	_ =	sdelay $0x3  }
0x37: {  	[smem:$0x3FB1] =	sst s10  }
0x38: {  	s10 =	sld [smem:$0x3FB2]  }
0x39: {  	_ = 	snop;
	(pc) =	sbr.ind lr, $3  }
0x3a: {  	_ = 	snop  }
0x3b: {  	_ = 	snop  }
0x3c: {  	p2 =	seq.s32 s10, $0x1;
	s10 =	sld [smem:$0x3FB1]  }
0x3d: {  	_ =	shalt  }
0x3e: {  	_ =	shalt  }
0x3f: {  	_ =	shalt  }
0x40: {  	_ =	shalt  }
0x41: {  	_ =	shalt  }
0x42: {  	_ =	shalt  }
0x43: {  	_ =	shalt  }
0x44: {  	_ =	shalt  }
0x45: {  	_ =	shalt  }
0x46: {  	_ =	shalt  }
0x47: {  	_ =	shalt  }
0x48: {  	_ =	shalt  }
0x49: {  	_ =	shalt  }
0x4a: {  	_ =	shalt  }
0x4b: {  	_ =	shalt  }
0x4c: {  	_ =	shalt  }
0x4d: {  	_ =	shalt  }
0x4e: {  	_ =	shalt  }
0x4f: {  	_ =	shalt  }
0x50: {  	_ =	shalt  }
0x51: {  	_ =	shalt  }
0x52: {  	_ =	shalt  }
0x53: {  	_ =	shalt  }
0x54: {  	_ =	shalt  }
0x55: {  	_ =	shalt  }
0x56: {  	_ =	shalt  }
0x57: {  	_ =	shalt  }
0x58: {  	_ =	shalt  }
0x59: {  	_ =	shalt  }
0x5a: {  	_ =	shalt  }
0x5b: {  	_ =	shalt  }
0x5c: {  	_ =	shalt  }
0x5d: {  	_ =	shalt  }
0x5e: {  	_ =	shalt  }
0x5f: {  	_ =	shalt  }
0x60: {  	_ =	shalt  }
0x61: {  	_ =	shalt  }
0x62: {  	_ =	shalt  }
0x63: {  	_ =	shalt  }
0x64: {  	_ =	shalt  }
0x65: {  	_ =	shalt  }
0x66: {  	_ =	shalt  }
0x67: {  	_ =	shalt  }
0x68: {  	_ =	shalt  }
0x69: {  	_ =	shalt  }
0x6a: {  	_ =	shalt  }
0x6b: {  	_ =	shalt  }
0x6c: {  	_ =	shalt  }
0x6d: {  	_ =	shalt  }
0x6e: {  	_ =	shalt  }
0x6f: {  	_ =	shalt  }
0x70: {  	_ =	shalt  }
0x71: {  	_ =	shalt  }
0x72: {  	_ =	shalt  }
0x73: {  	_ =	shalt  }
0x74: {  	_ =	shalt  }
0x75: {  	_ =	shalt  }
0x76: {  	_ =	shalt  }
0x77: {  	_ =	shalt  }
0x78: {  	_ =	shalt  }
0x79: {  	_ =	shalt  }
0x7a: {  	_ =	shalt  }
0x7b: {  	_ =	shalt  }
0x7c: {  	_ =	shalt  }
0x7d: {  	_ =	shalt  }
0x7e: {  	_ =	shalt  }
0x7f: {  	_ =	shalt  }
0x80: {  	_ =	shalt  }
0x81: {  	_ =	shalt  }
0x82: {  	_ =	shalt  }
0x83: {  	_ =	shalt  }
0x84: {  	_ =	shalt  }
0x85: {  	_ =	shalt  }
0x86: {  	_ =	shalt  }
0x87: {  	_ =	shalt  }
.Lfunc_end0:
.L_simem_size_0:
called_computation.1_lowered:
.L_overlay_start_0:
0x88: {  	s2 =	sld [smem:$0x3FD9]  }
0x89: {  	s3 =	sld [smem:$0x3FFE];
	_ =	sdelay $0x1  }
0x8a: {  	s1 =	srdreg.scid  }
0x8b: {  	s0 =	sand.u32 $0x1, s1  }
0x8c: {  	s16 =	sshll.u32 s0, $0xA;
	s2 =	sadd.s32 s3, s2  }
0x8d: {  	s2 =	sadd.s32 s2, s16  }
0x8e: {  	[smem:$0x3FBD] =	sst s2  }
0x8f: {  	_ = 	snop  }
0x90: {  	(tm) =	ssettm $0x1  }
0x91: {  	s17 =	sld [smem:$0x3FFB];
	_ =	sdelay $0x3  }
0x92: {  	_ =	strace s17  }
0x93: {  	s2 =	sld [smem:$0x3FFC];
	_ =	sdelay $0x3  }
0x94: {  	_ =	strace s2  }
0x95: {  	s2 =	sld [smem:$0x3FFD];
	_ =	sdelay $0x3  }
0x96: {  	_ =	strace s2  }
0x97: {  	_ =	strace $0x8FFFFFFF  }
0x98: {  	s18 =	sld [smem:$0x3FDB];
	_ =	sdelay $0x1  }
0x99: {  	s19 =	simm.s32 $_scs_section_size  }
0x9a: {  	s4 =	simm.s32 $_size__tile_overlayer_lowered;
	s5 =	simm.s32 $_tile_overlayer_lowered  }
0x9b: {  	s22 =	simm.s32 $0x1BFF;
	s21 =	sshll.u32 s5, $0x1;
	s2 =	sadd.s32 s19, s18  }
0x9c: {  	s6 =	simm.s32 $0x0;
	s20 =	sshll.u32 s4, $0x1;
	s4 =	sadd.s32 s21, s2  }
0x9d: {  	[timem:s6], [sflag:s22] =	dma.local [hbm:s4], s20  }
0x9e: {  	_ =	swait.ge [sflag:s22], s20  }
0x9f: {  	s3 =	ssub.s32 $0x0, s20;
	[sflag:s22] =	ssyncset.done $0x0  }
0xa0: {  	[sflag:s22] =	ssyncadd.s32 s3;
	_ =	sdelay $0x1  }
0xa1: {  	s23 =	simm.s32 $0x1B8B  }
0xa2: {  	_ =	swait.ge [sflag:s23], $0x1  }
0xa3: {  	[sflag:s23] =	ssyncset.done $0x0  }
0xa4: {  	s25 =	simm.s32 $0x1B8E;
	s24 =	sld [smem:$0x3FFE];
	[sflag:s23] =	ssyncadd.s32 $0xFFFFFFFF  }
0xa5: {  	s26 =	simm.s32 $execute0_lowered;
	[smem:$0x3FD2] =	sst s25  }
0xa6: {  	s4 =	sshll.u32 s26, $0x1;
	_ =	strace $0x80000049;
	[dreg:$0x1] =	wrdreg $0xFFFFFFFF  }
0xa7: {  	s28 =	simm.s32 $_size_execute0_lowered;
	s2 =	sadd.s32 s2, s4;
	[dreg:$0x0] =	wrdreg $0x0  }
0xa8: {  	s4 =	sshll.u32 s28, $0x1;
	[dreg:$0x2] =	wrdreg s2  }
0xa9: {  	[dreg:$0x3] =	wrdreg s4  }
0xaa: {  	[dreg:$0x4] =	wrdreg $0xC0  }
0xab: {  	_ =	task [dreg:s6], $0x5FFFF  }
0xac: {  	[dreg:$0x1] =	wrdreg $0xFFFFFFFF  }
0xad: {  	[dreg:$0x0] =	wrdreg $0x60  }
0xae: {  	[dreg:$0x2] =	wrdreg s24  }
0xaf: {  	[dreg:$0x3] =	wrdreg $0xA8000  }
0xb0: {  	[dreg:$0x4] =	wrdreg $0x9  }
0xb1: {  	_ =	task.clear_ibuf [dreg:s6], $0x5FFFF;
	_ =	strace $0x90000049  }
0xb2: {  	s29 =	simm.s32 $0x9;
	_ =	strace $0x8000004B  }
0xb3: {  	_ =	swait.ge [sflag:s29], $0x1  }
0xb4: {  	[sflag:s29] =	ssyncadd.s32 $0xFFFFFFFF  }
0xb5: {  	_ =	strace $0x9000004B  }
0xb6: {  	_ =	sfence  }
0xb7: {  	s30 =	sld [smem:$0x0];
	_ =	sdelay $0x2  }
0xb8: {  	s31 =	sshll.u32 s1, $0xD;
	s1 =	sshrl.u32 s1, $0x2  }
0xb9: {  	s3 =	sand.u32 $0x4000, s31;
	s1 =	sadd.s32 s1, s30  }
0xba: {  	s0 =	sor.u32 s3, s0;
	s1 =	sshll.u32 s1, $0x11  }
0xbb: {  	s0 =	sor.u32 s1, s0  }
0xbc: {  	s0 =	sadd.s32 $0x8F2B, s0  }
0xbd: {  	[sflag:s0] =	ssyncadd.remote.s32 $0x1  }
0xbe: {  	_ =	sfence.sel $0xFFFF  }
0xbf: {  	[dreg:$0x0] =	wrdreg $0xFFFFFFFF;
	(pc) =	sbr.abs _section_cstart, $3  }
0xc0: {  	[dreg:$0x1] =	wrdreg $0xFFFFFFFF  }
0xc1: {  	_ =	task.clear_ibuf [dreg:s6], $0x2FFFF;
	_ =	strace $0x9FFFFFFF  }
0xc2: {  	(tm) =	ssettm $0x7FFFFFFF  }
0xc3: {  	_ =	shalt  }
tec
execute0_lowered:
.L_overlay_start_1:
0x0: {  	(tag) =	ssettag $0x1  }
0x1: {  	s6 =	rddreg [dreg:$0x0]  }
0x2: {  	s7 =	rddreg [dreg:$0x1]  }
0x3: {  	s0 =	rddreg [dreg:$0x2];
	s1 =	simm.s32 $0x0;
	s5 =	srdreg.scid  }
0x4: {  	s3 =	stileid.u32;
	s18 =	simm.s32 $0x80;
	s19 =	simm.s32 $0x2800  }
0x5: {  	s20 =	simm.s32 $0x6800;
	s21 =	simm.s32 $0x1;
	s22 =	simm.s32 $0x2  }
0x6: {  	s23 =	simm.s32 $0x0;
	[smem:$0x7FF] =	sst s1;
	s2 =	sadd.s32 $0x147E00, s6  }
0x7: {  	s4 =	sadd.s32 $0xCC00, s6;
	s13 =	sadd.s32 $0x7C00, s6;
	s14 =	sadd.s32 $0x2C00, s6  }
0x8: {  	s8 =	sand.u32 $0x1, s5;
	s5 =	sadd.s32 $0x145600, s6;
	s10 =	smul.u32 $0x4F000, s3  }
0x9: {  	s11 =	sadd.s32 $0x33E00, s6;
	s15 =	sshll.u32 s3, $0x6;
	s16 =	smul.u32 $0x13C00, s3  }
0xa: {  	s31 =	smul.u32 $0x500, s3;
	p1 =	seq.s32 s3, $0xF;
	s9 =	ssub.s32 $0x2, s8  }
0xb: {  	_ =	strace $0x8000004A;
	s12 =	smul.u32 $0x138800, s8;
	s28 =	sshrl.u32 s9, $0x1  }
0xc: {  	p0 =	seq.s32 s8, $0x1;
	s10 =	sshrl.u32 s10, $0x2;
	s17 =	ssub.s32 s9, s28  }
0xd: {  	s6 =	sadd.s32 s10, s7;
	s7 =	sor.u32 $0x1C03, s15;
	s29 =	sadd.s32 s16, s12  }
.Ltmp0:
0xe: {  	s30 =	sshrl.u32 s12, $0x3;
	s12 =	sadd.s32 s14, s31;
	(pc) =	sbr.rel .LBB2_1-.Ltmp0, $4  }
0xf: {  	s15 =	sadd.s32 $0x280, s31;
	s16 =	simm.s32 $0x3;
	s8 =	sshrl.u32 s29, $0x3  }
0x10: {  	s9 =	sadd.s32 s11, s30;
	s10 =	smax.u32 s17, $0x1;
	s14 =	sadd.s32 s14, s15  }
0x11: {  	s17 =	simm.s32 $0x1400;
	s8 =	sadd.s32 s11, s8;
	s9 =	sadd.s32 $0x25080, s9  }
0x12: {  	s11 =	sadd.s32 s13, s31;
	s13 =	sadd.s32 s13, s15;
	s15 =	sshrl.u32 s6, $0x3  }
.LBB2_11:
0x13: {  	[tilespmem:s20], [sflag:$0x2] =	stream.indirect.gather [hbm4b:s4+s18], $0x80, s25, s18, $0xb8;
	[tilespmem:$0x1E400] =	vst v63  }
.LBB2_12:
0x14: {  	_ =	swait.ge [sflag:s21], $0x4000  }
0x15: {  	[sflag:s21] =	ssyncset.done $0x0  }
0x16: {  	[sflag:s21] =	ssyncadd.s32 $0xFFFFC000  }
0x17: {  	_ =	swait.ge [sflag:s22], $0x4000  }
0x18: {  	[sflag:s22] =	ssyncset.done $0x0  }
0x19: {  	[sflag:s22] =	ssyncadd.s32 $0xFFFFC000  }
0x1a: {  	s24 =	sshrl.u32 @p1 s6, $0x3;
	[bflag:$0x0] =	sbarrier.arrive $0xFFFF  }
0x1b: {  	[hbm:s9], [sflag:s7] =	dma.local @p1 [spmem:s24], $0x2080  }
0x1c: {  	s24 =	simm.s32 @p1 $0x3  }
0x1d: {  	_ =	swait.ge @p1 [sflag:s24], $0x2080  }
0x1e: {  	s23 =	sadd.s32 $0x1, s23;
	[sflag:s24] =	ssyncset.done @p1 $0x0  }
0x1f: {  	p2 =	sne.s32 s23, s10;
	[sflag:s24] =	ssyncadd.s32 @p1 $0xFFFFDF80;
	s24 =	sshrl.u32 @!p1 s6, $0x3  }
0x20: {  	[hbm:s8], [sflag:s7] =	dma.local @!p1 [spmem:s24], $0x2780  }
.Ltmp1:
0x21: {  	_ = 	snop;
	(pc) =	sbr.rel @!p2 .LBB2_13-.Ltmp1, $4  }
0x22: {  	s24 =	simm.s32 @!p1 $0x3  }
0x23: {  	_ =	swait.ge @!p1 [sflag:s24], $0x2780  }
0x24: {  	[sflag:s24] =	ssyncset.done @!p1 $0x0  }
0x25: {  	[sflag:s24] =	ssyncadd.s32 @!p1 $0xFFFFD880  }
.LBB2_1:
0x26: {  	[spmem:s15], [sflag:s7] =	dma.local [hbm:s5], $0x2780  }
.Ltmp2:
0x27: {  	_ =	swait.ge [sflag:s16], $0x2780;
	(pc) =	sbr.rel @!p0 .LBB2_2-.Ltmp2, $3  }
0x28: {  	[sflag:s16] =	ssyncset.done $0x0  }
0x29: {  	[sflag:s16] =	ssyncadd.s32 $0xFFFFD880  }
0x2a: {  	[bflag:$0x0] =	sbarrier.arrive $0xFFFF;
	_ =	sdelay $0x1  }
0x2b: {  	[tilespmem:s1], [sflag:$0x3] =	stream.linear.gather [hbm4b:s11+s1], $0x1400, $0x38;
	[tilespmem:$0x1E400] =	vst v63  }
0x2c: {  	_ =	swait.ge [sflag:s16], $0x1400  }
0x2d: {  	[sflag:s16] =	ssyncset.done $0x0  }
0x2e: {  	[sflag:s16] =	ssyncadd.s32 $0xFFFFEC00  }
0x2f: {  	[tilespmem:s17], [sflag:$0x3] =	stream.linear.gather [hbm4b:s12+s1], $0x1400, $0x38;
	[tilespmem:$0x1E400] =	vst v63  }
0x30: {  	_ =	swait.ge [sflag:s16], $0x1400  }
0x31: {  	[sflag:s16] =	ssyncset.done $0x0  }
0x32: {  	[sflag:s16] =	ssyncadd.s32 $0xFFFFEC00  }
0x33: {  	[tilespmem:s19], [sflag:$0x1] =	stream.indirect.gather [hbm4b:s4+s18], $0x80, s1, s18, $0xb8;
	[tilespmem:$0x1E400] =	vst v63  }
0x34: {  	_ = 	snop  }
0x35: {  	[tilespmem:s20], [sflag:$0x2] =	stream.indirect.gather [hbm4b:s4+s18], $0x80, s18, s18, $0xb8;
	[tilespmem:$0x1E400] =	vst v63  }
0x36: {  	_ =	swait.ge [sflag:s21], $0x4000  }
0x37: {  	[sflag:s21] =	ssyncset.done $0x0  }
0x38: {  	s24 =	simm.s32 $0x100;
	[sflag:s21] =	ssyncadd.s32 $0xFFFFC000  }
0x39: {  	[tilespmem:s19], [sflag:$0x1] =	stream.indirect.gather [hbm4b:s4+s18], $0x80, s24, s18, $0xb8;
	[tilespmem:$0x1E400] =	vst v63  }
0x3a: {  	_ =	swait.ge [sflag:s22], $0x4000  }
0x3b: {  	[sflag:s22] =	ssyncset.done $0x0  }
0x3c: {  	s25 =	simm.s32 $0x180;
	s24 =	simm.s32 $0xFFFFB800;
	[sflag:s22] =	ssyncadd.s32 $0xFFFFC000  }
.LBB2_8:
0x3d: {  	[tilespmem:s20], [sflag:$0x2] =	stream.indirect.gather [hbm4b:s4+s18], $0x80, s25, s18, $0xb8;
	[tilespmem:$0x1E400] =	vst v63  }
0x3e: {  	s25 =	smov.u32 s24  }
0x3f: {  	p2 =	sne.s32 s24, $0xFFFFFC00;
	s24 =	sadd.s32 $0x400, s24;
	_ =	swait.ge [sflag:s21], $0x4000  }
0x40: {  	s25 =	sshra.s32 s25, $0x2;
	[sflag:s21] =	ssyncset.done $0x0  }
.Ltmp3:
0x41: {  	s26 =	sadd.s32 $0x1400, s25;
	[sflag:s21] =	ssyncadd.s32 $0xFFFFC000;
	(pc) =	sbr.rel @p2 .LBB2_8-.Ltmp3, $4  }
0x42: {  	[tilespmem:s19], [sflag:$0x1] =	stream.indirect.gather [hbm4b:s4+s18], $0x80, s26, s18, $0xb8;
	[tilespmem:$0x1E400] =	vst v63  }
0x43: {  	_ =	swait.ge [sflag:s22], $0x4000  }
0x44: {  	[sflag:s22] =	ssyncset.done $0x0  }
0x45: {  	s25 =	sadd.s32 $0x1480, s25;
	[sflag:s22] =	ssyncadd.s32 $0xFFFFC000  }
0x46: {  	[tilespmem:s20], [sflag:$0x2] =	stream.indirect.gather [hbm4b:s4+s18], $0x80, s25, s18, $0xb8;
	[tilespmem:$0x1E400] =	vst v63  }
0x47: {  	_ =	swait.ge [sflag:s21], $0x4000  }
0x48: {  	[sflag:s21] =	ssyncset.done $0x0  }
0x49: {  	[sflag:s21] =	ssyncadd.s32 $0xFFFFC000  }
0x4a: {  	_ =	swait.ge [sflag:s22], $0x4000  }
0x4b: {  	[sflag:s22] =	ssyncset.done $0x0  }
0x4c: {  	[sflag:s22] =	ssyncadd.s32 $0xFFFFC000  }
0x4d: {  	[tilespmem:s1], [sflag:$0x3] =	stream.linear.gather [hbm4b:s13+s1], $0x1400, $0x38;
	[tilespmem:$0x1E400] =	vst v63  }
0x4e: {  	_ =	swait.ge [sflag:s16], $0x1400  }
0x4f: {  	[sflag:s16] =	ssyncset.done $0x0  }
0x50: {  	[sflag:s16] =	ssyncadd.s32 $0xFFFFEC00  }
0x51: {  	[tilespmem:s17], [sflag:$0x3] =	stream.linear.gather [hbm4b:s14+s1], $0x1400, $0x38;
	[tilespmem:$0x1E400] =	vst v63  }
0x52: {  	_ =	swait.ge [sflag:s16], $0x1400  }
0x53: {  	[sflag:s16] =	ssyncset.done $0x0  }
0x54: {  	[sflag:s16] =	ssyncadd.s32 $0xFFFFEC00  }
0x55: {  	[tilespmem:s19], [sflag:$0x1] =	stream.indirect.gather [hbm4b:s4+s18], $0x80, s1, s18, $0xb8;
	[tilespmem:$0x1E400] =	vst v63  }
0x56: {  	_ = 	snop  }
0x57: {  	[tilespmem:s20], [sflag:$0x2] =	stream.indirect.gather [hbm4b:s4+s18], $0x80, s18, s18, $0xb8;
	[tilespmem:$0x1E400] =	vst v63  }
0x58: {  	_ =	swait.ge [sflag:s21], $0x4000  }
0x59: {  	[sflag:s21] =	ssyncset.done $0x0  }
0x5a: {  	s24 =	simm.s32 $0x100;
	[sflag:s21] =	ssyncadd.s32 $0xFFFFC000  }
0x5b: {  	[tilespmem:s19], [sflag:$0x1] =	stream.indirect.gather [hbm4b:s4+s18], $0x80, s24, s18, $0xb8;
	[tilespmem:$0x1E400] =	vst v63  }
0x5c: {  	_ =	swait.ge [sflag:s22], $0x4000  }
0x5d: {  	[sflag:s22] =	ssyncset.done $0x0  }
0x5e: {  	s25 =	simm.s32 $0x180;
	s24 =	simm.s32 $0xFFFFB800;
	[sflag:s22] =	ssyncadd.s32 $0xFFFFC000  }
.LBB2_10:
0x5f: {  	[tilespmem:s20], [sflag:$0x2] =	stream.indirect.gather [hbm4b:s4+s18], $0x80, s25, s18, $0xb8;
	[tilespmem:$0x1E400] =	vst v63  }
0x60: {  	s25 =	smov.u32 s24  }
0x61: {  	p2 =	sne.s32 s24, $0xFFFFFC00;
	s24 =	sadd.s32 $0x400, s24;
	_ =	swait.ge [sflag:s21], $0x4000  }
0x62: {  	s25 =	sshra.s32 s25, $0x2;
	[sflag:s21] =	ssyncset.done $0x0  }
.Ltmp4:
0x63: {  	s26 =	sadd.s32 $0x1400, s25;
	[sflag:s21] =	ssyncadd.s32 $0xFFFFC000;
	(pc) =	sbr.rel @p2 .LBB2_10-.Ltmp4, $4  }
0x64: {  	[tilespmem:s19], [sflag:$0x1] =	stream.indirect.gather [hbm4b:s4+s18], $0x80, s26, s18, $0xb8;
	[tilespmem:$0x1E400] =	vst v63  }
0x65: {  	_ =	swait.ge [sflag:s22], $0x4000  }
0x66: {  	[sflag:s22] =	ssyncset.done $0x0  }
0x67: {  	s25 =	sadd.s32 $0x1480, s25;
	[sflag:s22] =	ssyncadd.s32 $0xFFFFC000  }
.Ltmp5:
0x68: {  	_ = 	snop;
	(pc) =	sbr.rel .LBB2_11-.Ltmp5, $1  }
0x69: {  	_ =	sdelay $0x3  }
.LBB2_2:
0x6a: {  	[tilespmem:s1], [sflag:$0x3] =	stream.linear.gather [hbm4b:s11+s1], $0x1400, $0x38;
	[tilespmem:$0x1E400] =	vst v63  }
0x6b: {  	_ =	swait.ge [sflag:s16], $0x1400  }
0x6c: {  	[sflag:s16] =	ssyncset.done $0x0  }
0x6d: {  	[sflag:s16] =	ssyncadd.s32 $0xFFFFEC00  }
0x6e: {  	[tilespmem:s17], [sflag:$0x3] =	stream.linear.gather [hbm4b:s12+s1], $0x1400, $0x38;
	[tilespmem:$0x1E400] =	vst v63  }
0x6f: {  	_ =	swait.ge [sflag:s16], $0x1400  }
0x70: {  	[sflag:s16] =	ssyncset.done $0x0  }
0x71: {  	[sflag:s16] =	ssyncadd.s32 $0xFFFFEC00  }
0x72: {  	[tilespmem:s19], [sflag:$0x1] =	stream.indirect.gather [hbm4b:s2+s18], $0x80, s1, s18, $0xb8;
	[tilespmem:$0x1E400] =	vst v63  }
0x73: {  	_ = 	snop  }
0x74: {  	[tilespmem:s20], [sflag:$0x2] =	stream.indirect.gather [hbm4b:s2+s18], $0x80, s18, s18, $0xb8;
	[tilespmem:$0x1E400] =	vst v63  }
0x75: {  	_ =	swait.ge [sflag:s21], $0x4000  }
0x76: {  	[sflag:s21] =	ssyncset.done $0x0  }
0x77: {  	s24 =	simm.s32 $0x100;
	[sflag:s21] =	ssyncadd.s32 $0xFFFFC000  }
0x78: {  	[tilespmem:s19], [sflag:$0x1] =	stream.indirect.gather [hbm4b:s2+s18], $0x80, s24, s18, $0xb8;
	[tilespmem:$0x1E400] =	vst v63  }
0x79: {  	_ =	swait.ge [sflag:s22], $0x4000  }
0x7a: {  	[sflag:s22] =	ssyncset.done $0x0  }
0x7b: {  	s25 =	simm.s32 $0x180;
	s24 =	simm.s32 $0xFFFFB800;
	[sflag:s22] =	ssyncadd.s32 $0xFFFFC000  }
.LBB2_3:
0x7c: {  	[tilespmem:s20], [sflag:$0x2] =	stream.indirect.gather [hbm4b:s2+s18], $0x80, s25, s18, $0xb8;
	[tilespmem:$0x1E400] =	vst v63  }
0x7d: {  	s25 =	smov.u32 s24  }
0x7e: {  	p2 =	sne.s32 s24, $0xFFFFFC00;
	s24 =	sadd.s32 $0x400, s24;
	_ =	swait.ge [sflag:s21], $0x4000  }
0x7f: {  	s25 =	sshra.s32 s25, $0x2;
	[sflag:s21] =	ssyncset.done $0x0  }
.Ltmp6:
0x80: {  	s26 =	sadd.s32 $0x1400, s25;
	[sflag:s21] =	ssyncadd.s32 $0xFFFFC000;
	(pc) =	sbr.rel @p2 .LBB2_3-.Ltmp6, $4  }
0x81: {  	[tilespmem:s19], [sflag:$0x1] =	stream.indirect.gather [hbm4b:s2+s18], $0x80, s26, s18, $0xb8;
	[tilespmem:$0x1E400] =	vst v63  }
0x82: {  	_ =	swait.ge [sflag:s22], $0x4000  }
0x83: {  	[sflag:s22] =	ssyncset.done $0x0  }
0x84: {  	s25 =	sadd.s32 $0x1480, s25;
	[sflag:s22] =	ssyncadd.s32 $0xFFFFC000  }
0x85: {  	[tilespmem:s20], [sflag:$0x2] =	stream.indirect.gather [hbm4b:s2+s18], $0x80, s25, s18, $0xb8;
	[tilespmem:$0x1E400] =	vst v63  }
0x86: {  	_ =	swait.ge [sflag:s21], $0x4000  }
0x87: {  	[sflag:s21] =	ssyncset.done $0x0  }
0x88: {  	[sflag:s21] =	ssyncadd.s32 $0xFFFFC000  }
0x89: {  	_ =	swait.ge [sflag:s22], $0x4000  }
0x8a: {  	[sflag:s22] =	ssyncset.done $0x0  }
0x8b: {  	[sflag:s22] =	ssyncadd.s32 $0xFFFFC000  }
0x8c: {  	[tilespmem:s1], [sflag:$0x3] =	stream.linear.gather [hbm4b:s13+s1], $0x1400, $0x38;
	[tilespmem:$0x1E400] =	vst v63  }
0x8d: {  	_ =	swait.ge [sflag:s16], $0x1400  }
0x8e: {  	[sflag:s16] =	ssyncset.done $0x0  }
0x8f: {  	[sflag:s16] =	ssyncadd.s32 $0xFFFFEC00  }
0x90: {  	[tilespmem:s17], [sflag:$0x3] =	stream.linear.gather [hbm4b:s14+s1], $0x1400, $0x38;
	[tilespmem:$0x1E400] =	vst v63  }
0x91: {  	_ =	swait.ge [sflag:s16], $0x1400  }
0x92: {  	[sflag:s16] =	ssyncset.done $0x0  }
0x93: {  	[sflag:s16] =	ssyncadd.s32 $0xFFFFEC00  }
0x94: {  	[tilespmem:s19], [sflag:$0x1] =	stream.indirect.gather [hbm4b:s2+s18], $0x80, s1, s18, $0xb8;
	[tilespmem:$0x1E400] =	vst v63  }
0x95: {  	_ = 	snop  }
0x96: {  	[tilespmem:s20], [sflag:$0x2] =	stream.indirect.gather [hbm4b:s2+s18], $0x80, s18, s18, $0xb8;
	[tilespmem:$0x1E400] =	vst v63  }
0x97: {  	_ =	swait.ge [sflag:s21], $0x4000  }
0x98: {  	[sflag:s21] =	ssyncset.done $0x0  }
0x99: {  	s24 =	simm.s32 $0x100;
	[sflag:s21] =	ssyncadd.s32 $0xFFFFC000  }
0x9a: {  	[tilespmem:s19], [sflag:$0x1] =	stream.indirect.gather [hbm4b:s2+s18], $0x80, s24, s18, $0xb8;
	[tilespmem:$0x1E400] =	vst v63  }
0x9b: {  	_ =	swait.ge [sflag:s22], $0x4000  }
0x9c: {  	[sflag:s22] =	ssyncset.done $0x0  }
0x9d: {  	s25 =	simm.s32 $0x180;
	s24 =	simm.s32 $0xFFFFB800;
	[sflag:s22] =	ssyncadd.s32 $0xFFFFC000  }
.LBB2_5:
0x9e: {  	[tilespmem:s20], [sflag:$0x2] =	stream.indirect.gather [hbm4b:s2+s18], $0x80, s25, s18, $0xb8;
	[tilespmem:$0x1E400] =	vst v63  }
0x9f: {  	s25 =	smov.u32 s24  }
0xa0: {  	p2 =	seq.s32 s24, $0xFFFFFC00;
	s24 =	sadd.s32 $0x400, s24;
	_ =	swait.ge [sflag:s21], $0x4000  }
0xa1: {  	s25 =	sshra.s32 s25, $0x2;
	[sflag:s21] =	ssyncset.done $0x0  }
.Ltmp7:
0xa2: {  	s26 =	sadd.s32 $0x1400, s25;
	[sflag:s21] =	ssyncadd.s32 $0xFFFFC000;
	(pc) =	sbr.rel @!p2 .LBB2_5-.Ltmp7, $4  }
0xa3: {  	[tilespmem:s19], [sflag:$0x1] =	stream.indirect.gather [hbm4b:s2+s18], $0x80, s26, s18, $0xb8;
	[tilespmem:$0x1E400] =	vst v63  }
0xa4: {  	_ =	swait.ge [sflag:s22], $0x4000  }
0xa5: {  	[sflag:s22] =	ssyncset.done $0x0  }
0xa6: {  	s25 =	sadd.s32 $0x1480, s25;
	[sflag:s22] =	ssyncadd.s32 $0xFFFFC000  }
.Ltmp8:
0xa7: {  	(pc) =	sbr.rel .LBB2_12-.Ltmp8, $2  }
0xa8: {  	_ =	sdelay $0x2  }
0xa9: {  	[tilespmem:s20], [sflag:$0x2] =	stream.indirect.gather [hbm4b:s2+s18], $0x80, s25, s18, $0xb8;
	[tilespmem:$0x1E400] =	vst v63  }
.LBB2_13:
0xaa: {  	_ =	sfence.sel $0x180000  }
0xab: {  	[bflag:$0x0] =	sbarrier.arrive $0xFFFF  }
0xac: {  	p0 =	sne.s32 s3, $0x0;
	_ =	strace $0x9000004A  }
0xad: {  	s0 =	sadd.s32 @!p0 $0x100000, s0;
	[bflag:$0x2] =	sbarrier.arrive $0xFFFF  }
0xae: {  	[sflag:s0] =	ssyncadd.tile.s32 @!p0 $0x1;
	_ =	shalt  }
.Lfunc_end2:
_tile_overlayer_lowered:
.L_overlay_start_2:
0xaf: {  	(tag) =	ssettag $0x2  }
0xb0: {  	s0 =	rddreg [dreg:$0x0];
	s2 =	stileid.u32  }
0xb1: {  	s1 =	rddreg [dreg:$0x1];
	p0 =	sne.s32 s2, $0x0  }
0xb2: {  	s3 =	rddreg [dreg:$0x2];
	[bflag:$0x3] =	sbarrier.arrive $0xFFFF;
	s2 =	simm.s32 @!p0 $0x1C03  }
0xb3: {  	[timem:s3], [sflag:s2] =	dma.local @!p0 [hbm:s0], s1  }
0xb4: {  	s0 =	simm.s32 @!p0 $0x3  }
0xb5: {  	_ =	swait.ge @!p0 [sflag:s0], s1  }
0xb6: {  	s1 =	ssub.s32 @!p0 $0x0, s1;
	[sflag:s0] =	ssyncset.done @!p0 $0x0  }
0xb7: {  	[sflag:s0] =	ssyncadd.s32 @!p0 s1  }
0xb8: {  	[bflag:$0x3] =	sbarrier.arrive $0xFFFF  }
0xb9: {  	_ =	shalt  }

// kernel: kernel.15.cloned.1.call-start
scs
__scs_entry_jumppad:
0x0: {  	(pc) =	sbr.rel $0x88, $3  }
0x1: {  	(tag) =	ssettag $0x0;
	lr =	simm.s32 $0x1  }
0x2: {  	[smem:$0x3F96] =	sst lr;
	_ =	strace $0xD0000000  }
0x3: {  	_ = 	snop  }
0x4: {  	_ = 	snop  }
0x5: {  	_ = 	snop  }
0x6: {  	_ = 	snop  }
0x7: {  	_ = 	snop  }
__scs_overlays_trampoline_lowered:
0x8: {  	[smem:$0x3FA5] =	sst s0  }
0x9: {  	[smem:$0x3FA6] =	sst s1  }
0xa: {  	[smem:$0x3FA7] =	sst s2  }
0xb: {  	[smem:$0x3FA8] =	sst s3  }
0xc: {  	[smem:$0x3FA9] =	sst s4  }
0xd: {  	[smem:$0x3FAA] =	sst s5  }
0xe: {  	[smem:$0x3FAB] =	sst s6  }
0xf: {  	[smem:$0x3FAC] =	sst s7  }
0x10: {  	[smem:$0x3FAD] =	sst s8  }
0x11: {  	[smem:$0x3FAE] =	sst s9;
	s0 =	simm.s32 @!p0 $0x0  }
0x12: {  	s1 =	sld [smem:$0x3F94];
	s0 =	simm.s32 @p0 $0x1  }
0x13: {  	[smem:$0x3FAF] =	sst s0;
	s0 =	simm.s32 @!p1 $0x0  }
0x14: {  	s2 =	sld [smem:$0x3F93];
	s0 =	simm.s32 @p1 $0x1  }
0x15: {  	[smem:$0x3FB0] =	sst s0;
	s0 =	simm.s32 @!p2 $0x0  }
0x16: {  	s3 =	sld [smem:$0x3FDB];
	s0 =	simm.s32 @p2 $0x1  }
0x17: {  	s4 =	simm.s32 $0x1BF5;
	[smem:$0x3FB2] =	sst s0  }
0x18: {  	s0 =	sld [smem:$0x3F95];
	_ =	swait.ge [sflag:s4], $0x0  }
0x19: {  	s7 =	sld [smem:$0x3F96]  }
0x1a: {  	s8 =	sadd.s32 $0xFFFFE003, lr  }
0x1b: {  	s9 =	sadd.s32 $0xFFFFFEF7, lr;
	s5 =	simm.s32 $0xFFFFFFFF;
	p2 =	slt.u32 s8, $0xFFFFF086  }
0x1c: {  	p1 =	slt.u32 s9, $0xF7A;
	s5 =	simm.s32 @!p2 $0x0  }
0x1d: {  	s5 =	simm.s32 @p1 $0x1;
	p0 =	seq.s32 s7, s2  }
0x1e: {  	s7 =	smul.u32 @!p0 $0xF7A, s2;
	p2 =	seq.s32 @!p0 s5, $0x0  }
0x1f: {  	s9 =	smul.u32 $0xF7A, s1;
	s8 =	simm.s32 @!p0 $0x1BF5;
	p2 =	por !p2, p0  }
0x20: {  	[sflag:s8] =	ssyncset.s32 @!p0 $0xFFFFF086;
	s6 =	sadd.s32 @!p0 s3, s7;
	s7 =	simm.s32 @!p0 $0x108  }
0x21: {  	s3 =	sadd.s32 s3, s9;
	s6 =	sadd.s32 @!p0 $0x88, s6;
	s7 =	simm.s32 @p2 $0x1082  }
0x22: {  	[simem:s7], [sflag:s8] =	dma.local @!p0 [hbm:s6], $0xF7A  }
0x23: {  	s9 =	sor.u32 $0xD0000000, s2;
	s6 =	simm.s32 $0x108;
	_ =	swait.ge @!p0 [sflag:s8], $0x0  }
0x24: {  	s3 =	sadd.s32 $0x88, s3;
	s6 =	simm.s32 @!p1 $0x1082;
	[sflag:s4] =	ssyncset.s32 $0xFFFFF086  }
0x25: {  	[simem:s6], [sflag:s4] =	dma.local [hbm:s3], $0xF7A  }
0x26: {  	[smem:$0x3F96] =	sst s1;
	(tag) =	ssettag s2;
	_ =	strace s9  }
0x27: {  	s1 =	sld [smem:$0x3FA6]  }
0x28: {  	s2 =	sld [smem:$0x3FA7]  }
0x29: {  	s4 =	sld [smem:$0x3FA9]  }
0x2a: {  	p0 =	seq.s32 s5, $0x0;
	s5 =	sld [smem:$0x3FAA]  }
0x2b: {  	s6 =	sld [smem:$0x3FAB]  }
0x2c: {  	s7 =	sld [smem:$0x3FAC]  }
0x2d: {  	s3 =	simm.s32 $0x108;
	s8 =	sld [smem:$0x3FAD]  }
0x2e: {  	s3 =	simm.s32 @!p0 $0x1082;
	s9 =	sld [smem:$0x3FAE]  }
0x2f: {  	lr =	sadd.s32 s0, s3;
	s0 =	sld [smem:$0x3FA5]  }
0x30: {  	s3 =	sld [smem:$0x3FA8]  }
0x31: {  	[smem:$0x3FB1] =	sst s10  }
0x32: {  	s10 =	sld [smem:$0x3FAF];
	_ =	sdelay $0x3  }
0x33: {  	p0 =	seq.s32 s10, $0x1;
	s10 =	sld [smem:$0x3FB1];
	_ =	sdelay $0x3  }
0x34: {  	[smem:$0x3FB1] =	sst s10  }
0x35: {  	s10 =	sld [smem:$0x3FB0];
	_ =	sdelay $0x3  }
0x36: {  	p1 =	seq.s32 s10, $0x1;
	s10 =	sld [smem:$0x3FB1];
	_ =	sdelay $0x3  }
0x37: {  	[smem:$0x3FB1] =	sst s10  }
0x38: {  	s10 =	sld [smem:$0x3FB2]  }
0x39: {  	_ = 	snop;
	(pc) =	sbr.ind lr, $3  }
0x3a: {  	_ = 	snop  }
0x3b: {  	_ = 	snop  }
0x3c: {  	p2 =	seq.s32 s10, $0x1;
	s10 =	sld [smem:$0x3FB1]  }
0x3d: {  	_ =	shalt  }
0x3e: {  	_ =	shalt  }
0x3f: {  	_ =	shalt  }
0x40: {  	_ =	shalt  }
0x41: {  	_ =	shalt  }
0x42: {  	_ =	shalt  }
0x43: {  	_ =	shalt  }
0x44: {  	_ =	shalt  }
0x45: {  	_ =	shalt  }
0x46: {  	_ =	shalt  }
0x47: {  	_ =	shalt  }
0x48: {  	_ =	shalt  }
0x49: {  	_ =	shalt  }
0x4a: {  	_ =	shalt  }
0x4b: {  	_ =	shalt  }
0x4c: {  	_ =	shalt  }
0x4d: {  	_ =	shalt  }
0x4e: {  	_ =	shalt  }
0x4f: {  	_ =	shalt  }
0x50: {  	_ =	shalt  }
0x51: {  	_ =	shalt  }
0x52: {  	_ =	shalt  }
0x53: {  	_ =	shalt  }
0x54: {  	_ =	shalt  }
0x55: {  	_ =	shalt  }
0x56: {  	_ =	shalt  }
0x57: {  	_ =	shalt  }
0x58: {  	_ =	shalt  }
0x59: {  	_ =	shalt  }
0x5a: {  	_ =	shalt  }
0x5b: {  	_ =	shalt  }
0x5c: {  	_ =	shalt  }
0x5d: {  	_ =	shalt  }
0x5e: {  	_ =	shalt  }
0x5f: {  	_ =	shalt  }
0x60: {  	_ =	shalt  }
0x61: {  	_ =	shalt  }
0x62: {  	_ =	shalt  }
0x63: {  	_ =	shalt  }
0x64: {  	_ =	shalt  }
0x65: {  	_ =	shalt  }
0x66: {  	_ =	shalt  }
0x67: {  	_ =	shalt  }
0x68: {  	_ =	shalt  }
0x69: {  	_ =	shalt  }
0x6a: {  	_ =	shalt  }
0x6b: {  	_ =	shalt  }
0x6c: {  	_ =	shalt  }
0x6d: {  	_ =	shalt  }
0x6e: {  	_ =	shalt  }
0x6f: {  	_ =	shalt  }
0x70: {  	_ =	shalt  }
0x71: {  	_ =	shalt  }
0x72: {  	_ =	shalt  }
0x73: {  	_ =	shalt  }
0x74: {  	_ =	shalt  }
0x75: {  	_ =	shalt  }
0x76: {  	_ =	shalt  }
0x77: {  	_ =	shalt  }
0x78: {  	_ =	shalt  }
0x79: {  	_ =	shalt  }
0x7a: {  	_ =	shalt  }
0x7b: {  	_ =	shalt  }
0x7c: {  	_ =	shalt  }
0x7d: {  	_ =	shalt  }
0x7e: {  	_ =	shalt  }
0x7f: {  	_ =	shalt  }
0x80: {  	_ =	shalt  }
0x81: {  	_ =	shalt  }
0x82: {  	_ =	shalt  }
0x83: {  	_ =	shalt  }
0x84: {  	_ =	shalt  }
0x85: {  	_ =	shalt  }
0x86: {  	_ =	shalt  }
0x87: {  	_ =	shalt  }
.Lfunc_end0:
.L_simem_size_0:
called_computation.2_lowered:
.L_overlay_start_0:
0x88: {  	s2 =	sld [smem:$0x3FD9]  }
0x89: {  	s3 =	sld [smem:$0x3FFE];
	_ =	sdelay $0x1  }
0x8a: {  	s1 =	srdreg.scid  }
0x8b: {  	s0 =	sand.u32 $0x1, s1  }
0x8c: {  	s16 =	sshll.u32 s0, $0xA;
	s2 =	sadd.s32 s3, s2  }
0x8d: {  	s2 =	sadd.s32 s2, s16  }
0x8e: {  	[smem:$0x3FBD] =	sst s2  }
0x8f: {  	_ = 	snop  }
0x90: {  	(tm) =	ssettm $0x1  }
0x91: {  	s17 =	sld [smem:$0x3FFB];
	_ =	sdelay $0x3  }
0x92: {  	_ =	strace s17  }
0x93: {  	s2 =	sld [smem:$0x3FFC];
	_ =	sdelay $0x3  }
0x94: {  	_ =	strace s2  }
0x95: {  	s2 =	sld [smem:$0x3FFD];
	_ =	sdelay $0x3  }
0x96: {  	_ =	strace s2  }
0x97: {  	_ =	strace $0x8FFFFFFF  }
0x98: {  	s18 =	sld [smem:$0x3FDB];
	_ =	sdelay $0x1  }
0x99: {  	s19 =	simm.s32 $_scs_section_size  }
0x9a: {  	s4 =	simm.s32 $_size__tile_overlayer_lowered;
	s5 =	simm.s32 $_tile_overlayer_lowered  }
0x9b: {  	s22 =	simm.s32 $0x1BFF;
	s21 =	sshll.u32 s5, $0x1;
	s2 =	sadd.s32 s19, s18  }
0x9c: {  	s6 =	simm.s32 $0x0;
	s20 =	sshll.u32 s4, $0x1;
	s4 =	sadd.s32 s21, s2  }
0x9d: {  	[timem:s6], [sflag:s22] =	dma.local [hbm:s4], s20  }
0x9e: {  	_ =	swait.ge [sflag:s22], s20  }
0x9f: {  	s3 =	ssub.s32 $0x0, s20;
	[sflag:s22] =	ssyncset.done $0x0  }
0xa0: {  	[sflag:s22] =	ssyncadd.s32 s3;
	_ =	sdelay $0x1  }
0xa1: {  	s23 =	simm.s32 $0x1B8B  }
0xa2: {  	_ =	swait.ge [sflag:s23], $0x1  }
0xa3: {  	[sflag:s23] =	ssyncset.done $0x0  }
0xa4: {  	s25 =	simm.s32 $0x1B8E;
	s24 =	sld [smem:$0x3FFE];
	[sflag:s23] =	ssyncadd.s32 $0xFFFFFFFF  }
0xa5: {  	s26 =	simm.s32 $execute0_lowered;
	[smem:$0x3FD2] =	sst s25  }
0xa6: {  	s4 =	sshll.u32 s26, $0x1;
	_ =	strace $0x8000004C;
	[dreg:$0x1] =	wrdreg $0xFFFFFFFF  }
0xa7: {  	s28 =	simm.s32 $_size_execute0_lowered;
	s2 =	sadd.s32 s2, s4;
	[dreg:$0x0] =	wrdreg $0x0  }
0xa8: {  	s4 =	sshll.u32 s28, $0x1;
	[dreg:$0x2] =	wrdreg s2  }
0xa9: {  	[dreg:$0x3] =	wrdreg s4  }
0xaa: {  	[dreg:$0x4] =	wrdreg $0xC0  }
0xab: {  	_ =	task [dreg:s6], $0x5FFFF  }
0xac: {  	[dreg:$0x1] =	wrdreg $0xFFFFFFFF  }
0xad: {  	[dreg:$0x0] =	wrdreg $0x60  }
0xae: {  	[dreg:$0x2] =	wrdreg s24  }
0xaf: {  	[dreg:$0x3] =	wrdreg $0xA8000  }
0xb0: {  	[dreg:$0x4] =	wrdreg $0x9  }
0xb1: {  	_ =	task.clear_ibuf [dreg:s6], $0x5FFFF;
	_ =	strace $0x9000004C  }
0xb2: {  	s29 =	simm.s32 $0x9;
	_ =	strace $0x8000004E  }
0xb3: {  	_ =	swait.ge [sflag:s29], $0x1  }
0xb4: {  	[sflag:s29] =	ssyncadd.s32 $0xFFFFFFFF  }
0xb5: {  	_ =	strace $0x9000004E  }
0xb6: {  	_ =	sfence  }
0xb7: {  	s30 =	sld [smem:$0x0];
	_ =	sdelay $0x2  }
0xb8: {  	s31 =	sshll.u32 s1, $0xD;
	s1 =	sshrl.u32 s1, $0x2  }
0xb9: {  	s3 =	sand.u32 $0x4000, s31;
	s1 =	sadd.s32 s1, s30  }
0xba: {  	s0 =	sor.u32 s3, s0;
	s1 =	sshll.u32 s1, $0x11  }
0xbb: {  	s0 =	sor.u32 s1, s0  }
0xbc: {  	s0 =	sadd.s32 $0x8F2B, s0  }
0xbd: {  	[sflag:s0] =	ssyncadd.remote.s32 $0x1  }
0xbe: {  	_ =	sfence.sel $0xFFFF  }
0xbf: {  	[dreg:$0x0] =	wrdreg $0xFFFFFFFF;
	(pc) =	sbr.abs _section_cstart, $3  }
0xc0: {  	[dreg:$0x1] =	wrdreg $0xFFFFFFFF  }
0xc1: {  	_ =	task.clear_ibuf [dreg:s6], $0x2FFFF;
	_ =	strace $0x9FFFFFFF  }
0xc2: {  	(tm) =	ssettm $0x7FFFFFFF  }
0xc3: {  	_ =	shalt  }
tec
execute0_lowered:
.L_overlay_start_1:
0x0: {  	(tag) =	ssettag $0x1  }
0x1: {  	s6 =	rddreg [dreg:$0x0]  }
0x2: {  	s7 =	rddreg [dreg:$0x1]  }
0x3: {  	s0 =	rddreg [dreg:$0x2];
	s1 =	simm.s32 $0x0;
	s5 =	srdreg.scid  }
0x4: {  	s3 =	stileid.u32;
	s18 =	simm.s32 $0x80;
	s19 =	simm.s32 $0x2800  }
0x5: {  	s20 =	simm.s32 $0x6800;
	s21 =	simm.s32 $0x1;
	s22 =	simm.s32 $0x2  }
0x6: {  	s23 =	simm.s32 $0x0;
	[smem:$0x7FF] =	sst s1;
	s2 =	sadd.s32 $0x147E00, s6  }
0x7: {  	s4 =	sadd.s32 $0x16F000, s6;
	s13 =	sadd.s32 $0x7C00, s6;
	s14 =	sadd.s32 $0x2C00, s6  }
0x8: {  	s8 =	sand.u32 $0x1, s5;
	s5 =	sadd.s32 $0x145600, s6;
	s10 =	smul.u32 $0x4F000, s3  }
0x9: {  	s11 =	sadd.s32 $0x196200, s6;
	s15 =	sshll.u32 s3, $0x6;
	s16 =	smul.u32 $0x13C00, s3  }
0xa: {  	s31 =	smul.u32 $0x500, s3;
	p1 =	seq.s32 s3, $0xF;
	s9 =	ssub.s32 $0x2, s8  }
0xb: {  	_ =	strace $0x8000004D;
	s12 =	smul.u32 $0x138800, s8;
	s28 =	sshrl.u32 s9, $0x1  }
0xc: {  	p0 =	seq.s32 s8, $0x1;
	s10 =	sshrl.u32 s10, $0x2;
	s17 =	ssub.s32 s9, s28  }
0xd: {  	s6 =	sadd.s32 s10, s7;
	s7 =	sor.u32 $0x1C03, s15;
	s29 =	sadd.s32 s16, s12  }
.Ltmp0:
0xe: {  	s30 =	sshrl.u32 s12, $0x3;
	s12 =	sadd.s32 s14, s31;
	(pc) =	sbr.rel .LBB2_1-.Ltmp0, $4  }
0xf: {  	s15 =	sadd.s32 $0x280, s31;
	s16 =	simm.s32 $0x3;
	s8 =	sshrl.u32 s29, $0x3  }
0x10: {  	s9 =	sadd.s32 s11, s30;
	s10 =	smax.u32 s17, $0x1;
	s14 =	sadd.s32 s14, s15  }
0x11: {  	s17 =	simm.s32 $0x1400;
	s8 =	sadd.s32 s11, s8;
	s9 =	sadd.s32 $0x25080, s9  }
0x12: {  	s11 =	sadd.s32 s13, s31;
	s13 =	sadd.s32 s13, s15;
	s15 =	sshrl.u32 s6, $0x3  }
.LBB2_11:
0x13: {  	[tilespmem:s20], [sflag:$0x2] =	stream.indirect.gather [hbm4b:s4+s18], $0x80, s25, s18, $0xb8;
	[tilespmem:$0x1E400] =	vst v63  }
.LBB2_12:
0x14: {  	_ =	swait.ge [sflag:s21], $0x4000  }
0x15: {  	[sflag:s21] =	ssyncset.done $0x0  }
0x16: {  	[sflag:s21] =	ssyncadd.s32 $0xFFFFC000  }
0x17: {  	_ =	swait.ge [sflag:s22], $0x4000  }
0x18: {  	[sflag:s22] =	ssyncset.done $0x0  }
0x19: {  	[sflag:s22] =	ssyncadd.s32 $0xFFFFC000  }
0x1a: {  	s24 =	sshrl.u32 @p1 s6, $0x3;
	[bflag:$0x0] =	sbarrier.arrive $0xFFFF  }
0x1b: {  	[hbm:s9], [sflag:s7] =	dma.local @p1 [spmem:s24], $0x2080  }
0x1c: {  	s24 =	simm.s32 @p1 $0x3  }
0x1d: {  	_ =	swait.ge @p1 [sflag:s24], $0x2080  }
0x1e: {  	s23 =	sadd.s32 $0x1, s23;
	[sflag:s24] =	ssyncset.done @p1 $0x0  }
0x1f: {  	p2 =	sne.s32 s23, s10;
	[sflag:s24] =	ssyncadd.s32 @p1 $0xFFFFDF80;
	s24 =	sshrl.u32 @!p1 s6, $0x3  }
0x20: {  	[hbm:s8], [sflag:s7] =	dma.local @!p1 [spmem:s24], $0x2780  }
.Ltmp1:
0x21: {  	_ = 	snop;
	(pc) =	sbr.rel @!p2 .LBB2_13-.Ltmp1, $4  }
0x22: {  	s24 =	simm.s32 @!p1 $0x3  }
0x23: {  	_ =	swait.ge @!p1 [sflag:s24], $0x2780  }
0x24: {  	[sflag:s24] =	ssyncset.done @!p1 $0x0  }
0x25: {  	[sflag:s24] =	ssyncadd.s32 @!p1 $0xFFFFD880  }
.LBB2_1:
0x26: {  	[spmem:s15], [sflag:s7] =	dma.local [hbm:s5], $0x2780  }
.Ltmp2:
0x27: {  	_ =	swait.ge [sflag:s16], $0x2780;
	(pc) =	sbr.rel @!p0 .LBB2_2-.Ltmp2, $3  }
0x28: {  	[sflag:s16] =	ssyncset.done $0x0  }
0x29: {  	[sflag:s16] =	ssyncadd.s32 $0xFFFFD880  }
0x2a: {  	[bflag:$0x0] =	sbarrier.arrive $0xFFFF;
	_ =	sdelay $0x1  }
0x2b: {  	[tilespmem:s1], [sflag:$0x3] =	stream.linear.gather [hbm4b:s11+s1], $0x1400, $0x38;
	[tilespmem:$0x1E400] =	vst v63  }
0x2c: {  	_ =	swait.ge [sflag:s16], $0x1400  }
0x2d: {  	[sflag:s16] =	ssyncset.done $0x0  }
0x2e: {  	[sflag:s16] =	ssyncadd.s32 $0xFFFFEC00  }
0x2f: {  	[tilespmem:s17], [sflag:$0x3] =	stream.linear.gather [hbm4b:s12+s1], $0x1400, $0x38;
	[tilespmem:$0x1E400] =	vst v63  }
0x30: {  	_ =	swait.ge [sflag:s16], $0x1400  }
0x31: {  	[sflag:s16] =	ssyncset.done $0x0  }
0x32: {  	[sflag:s16] =	ssyncadd.s32 $0xFFFFEC00  }
0x33: {  	[tilespmem:s19], [sflag:$0x1] =	stream.indirect.gather [hbm4b:s4+s18], $0x80, s1, s18, $0xb8;
	[tilespmem:$0x1E400] =	vst v63  }
0x34: {  	_ = 	snop  }
0x35: {  	[tilespmem:s20], [sflag:$0x2] =	stream.indirect.gather [hbm4b:s4+s18], $0x80, s18, s18, $0xb8;
	[tilespmem:$0x1E400] =	vst v63  }
0x36: {  	_ =	swait.ge [sflag:s21], $0x4000  }
0x37: {  	[sflag:s21] =	ssyncset.done $0x0  }
0x38: {  	s24 =	simm.s32 $0x100;
	[sflag:s21] =	ssyncadd.s32 $0xFFFFC000  }
0x39: {  	[tilespmem:s19], [sflag:$0x1] =	stream.indirect.gather [hbm4b:s4+s18], $0x80, s24, s18, $0xb8;
	[tilespmem:$0x1E400] =	vst v63  }
0x3a: {  	_ =	swait.ge [sflag:s22], $0x4000  }
0x3b: {  	[sflag:s22] =	ssyncset.done $0x0  }
0x3c: {  	s25 =	simm.s32 $0x180;
	s24 =	simm.s32 $0xFFFFB800;
	[sflag:s22] =	ssyncadd.s32 $0xFFFFC000  }
.LBB2_8:
0x3d: {  	[tilespmem:s20], [sflag:$0x2] =	stream.indirect.gather [hbm4b:s4+s18], $0x80, s25, s18, $0xb8;
	[tilespmem:$0x1E400] =	vst v63  }
0x3e: {  	s25 =	smov.u32 s24  }
0x3f: {  	p2 =	sne.s32 s24, $0xFFFFFC00;
	s24 =	sadd.s32 $0x400, s24;
	_ =	swait.ge [sflag:s21], $0x4000  }
0x40: {  	s25 =	sshra.s32 s25, $0x2;
	[sflag:s21] =	ssyncset.done $0x0  }
.Ltmp3:
0x41: {  	s26 =	sadd.s32 $0x1400, s25;
	[sflag:s21] =	ssyncadd.s32 $0xFFFFC000;
	(pc) =	sbr.rel @p2 .LBB2_8-.Ltmp3, $4  }
0x42: {  	[tilespmem:s19], [sflag:$0x1] =	stream.indirect.gather [hbm4b:s4+s18], $0x80, s26, s18, $0xb8;
	[tilespmem:$0x1E400] =	vst v63  }
0x43: {  	_ =	swait.ge [sflag:s22], $0x4000  }
0x44: {  	[sflag:s22] =	ssyncset.done $0x0  }
0x45: {  	s25 =	sadd.s32 $0x1480, s25;
	[sflag:s22] =	ssyncadd.s32 $0xFFFFC000  }
0x46: {  	[tilespmem:s20], [sflag:$0x2] =	stream.indirect.gather [hbm4b:s4+s18], $0x80, s25, s18, $0xb8;
	[tilespmem:$0x1E400] =	vst v63  }
0x47: {  	_ =	swait.ge [sflag:s21], $0x4000  }
0x48: {  	[sflag:s21] =	ssyncset.done $0x0  }
0x49: {  	[sflag:s21] =	ssyncadd.s32 $0xFFFFC000  }
0x4a: {  	_ =	swait.ge [sflag:s22], $0x4000  }
0x4b: {  	[sflag:s22] =	ssyncset.done $0x0  }
0x4c: {  	[sflag:s22] =	ssyncadd.s32 $0xFFFFC000  }
0x4d: {  	[tilespmem:s1], [sflag:$0x3] =	stream.linear.gather [hbm4b:s13+s1], $0x1400, $0x38;
	[tilespmem:$0x1E400] =	vst v63  }
0x4e: {  	_ =	swait.ge [sflag:s16], $0x1400  }
0x4f: {  	[sflag:s16] =	ssyncset.done $0x0  }
0x50: {  	[sflag:s16] =	ssyncadd.s32 $0xFFFFEC00  }
0x51: {  	[tilespmem:s17], [sflag:$0x3] =	stream.linear.gather [hbm4b:s14+s1], $0x1400, $0x38;
	[tilespmem:$0x1E400] =	vst v63  }
0x52: {  	_ =	swait.ge [sflag:s16], $0x1400  }
0x53: {  	[sflag:s16] =	ssyncset.done $0x0  }
0x54: {  	[sflag:s16] =	ssyncadd.s32 $0xFFFFEC00  }
0x55: {  	[tilespmem:s19], [sflag:$0x1] =	stream.indirect.gather [hbm4b:s4+s18], $0x80, s1, s18, $0xb8;
	[tilespmem:$0x1E400] =	vst v63  }
0x56: {  	_ = 	snop  }
0x57: {  	[tilespmem:s20], [sflag:$0x2] =	stream.indirect.gather [hbm4b:s4+s18], $0x80, s18, s18, $0xb8;
	[tilespmem:$0x1E400] =	vst v63  }
0x58: {  	_ =	swait.ge [sflag:s21], $0x4000  }
0x59: {  	[sflag:s21] =	ssyncset.done $0x0  }
0x5a: {  	s24 =	simm.s32 $0x100;
	[sflag:s21] =	ssyncadd.s32 $0xFFFFC000  }
0x5b: {  	[tilespmem:s19], [sflag:$0x1] =	stream.indirect.gather [hbm4b:s4+s18], $0x80, s24, s18, $0xb8;
	[tilespmem:$0x1E400] =	vst v63  }
0x5c: {  	_ =	swait.ge [sflag:s22], $0x4000  }
0x5d: {  	[sflag:s22] =	ssyncset.done $0x0  }
0x5e: {  	s25 =	simm.s32 $0x180;
	s24 =	simm.s32 $0xFFFFB800;
	[sflag:s22] =	ssyncadd.s32 $0xFFFFC000  }
.LBB2_10:
0x5f: {  	[tilespmem:s20], [sflag:$0x2] =	stream.indirect.gather [hbm4b:s4+s18], $0x80, s25, s18, $0xb8;
	[tilespmem:$0x1E400] =	vst v63  }
0x60: {  	s25 =	smov.u32 s24  }
0x61: {  	p2 =	sne.s32 s24, $0xFFFFFC00;
	s24 =	sadd.s32 $0x400, s24;
	_ =	swait.ge [sflag:s21], $0x4000  }
0x62: {  	s25 =	sshra.s32 s25, $0x2;
	[sflag:s21] =	ssyncset.done $0x0  }
.Ltmp4:
0x63: {  	s26 =	sadd.s32 $0x1400, s25;
	[sflag:s21] =	ssyncadd.s32 $0xFFFFC000;
	(pc) =	sbr.rel @p2 .LBB2_10-.Ltmp4, $4  }
0x64: {  	[tilespmem:s19], [sflag:$0x1] =	stream.indirect.gather [hbm4b:s4+s18], $0x80, s26, s18, $0xb8;
	[tilespmem:$0x1E400] =	vst v63  }
0x65: {  	_ =	swait.ge [sflag:s22], $0x4000  }
0x66: {  	[sflag:s22] =	ssyncset.done $0x0  }
0x67: {  	s25 =	sadd.s32 $0x1480, s25;
	[sflag:s22] =	ssyncadd.s32 $0xFFFFC000  }
.Ltmp5:
0x68: {  	_ = 	snop;
	(pc) =	sbr.rel .LBB2_11-.Ltmp5, $1  }
0x69: {  	_ =	sdelay $0x3  }
.LBB2_2:
0x6a: {  	[tilespmem:s1], [sflag:$0x3] =	stream.linear.gather [hbm4b:s11+s1], $0x1400, $0x38;
	[tilespmem:$0x1E400] =	vst v63  }
0x6b: {  	_ =	swait.ge [sflag:s16], $0x1400  }
0x6c: {  	[sflag:s16] =	ssyncset.done $0x0  }
0x6d: {  	[sflag:s16] =	ssyncadd.s32 $0xFFFFEC00  }
0x6e: {  	[tilespmem:s17], [sflag:$0x3] =	stream.linear.gather [hbm4b:s12+s1], $0x1400, $0x38;
	[tilespmem:$0x1E400] =	vst v63  }
0x6f: {  	_ =	swait.ge [sflag:s16], $0x1400  }
0x70: {  	[sflag:s16] =	ssyncset.done $0x0  }
0x71: {  	[sflag:s16] =	ssyncadd.s32 $0xFFFFEC00  }
0x72: {  	[tilespmem:s19], [sflag:$0x1] =	stream.indirect.gather [hbm4b:s2+s18], $0x80, s1, s18, $0xb8;
	[tilespmem:$0x1E400] =	vst v63  }
0x73: {  	_ = 	snop  }
0x74: {  	[tilespmem:s20], [sflag:$0x2] =	stream.indirect.gather [hbm4b:s2+s18], $0x80, s18, s18, $0xb8;
	[tilespmem:$0x1E400] =	vst v63  }
0x75: {  	_ =	swait.ge [sflag:s21], $0x4000  }
0x76: {  	[sflag:s21] =	ssyncset.done $0x0  }
0x77: {  	s24 =	simm.s32 $0x100;
	[sflag:s21] =	ssyncadd.s32 $0xFFFFC000  }
0x78: {  	[tilespmem:s19], [sflag:$0x1] =	stream.indirect.gather [hbm4b:s2+s18], $0x80, s24, s18, $0xb8;
	[tilespmem:$0x1E400] =	vst v63  }
0x79: {  	_ =	swait.ge [sflag:s22], $0x4000  }
0x7a: {  	[sflag:s22] =	ssyncset.done $0x0  }
0x7b: {  	s25 =	simm.s32 $0x180;
	s24 =	simm.s32 $0xFFFFB800;
	[sflag:s22] =	ssyncadd.s32 $0xFFFFC000  }
.LBB2_3:
0x7c: {  	[tilespmem:s20], [sflag:$0x2] =	stream.indirect.gather [hbm4b:s2+s18], $0x80, s25, s18, $0xb8;
	[tilespmem:$0x1E400] =	vst v63  }
0x7d: {  	s25 =	smov.u32 s24  }
0x7e: {  	p2 =	sne.s32 s24, $0xFFFFFC00;
	s24 =	sadd.s32 $0x400, s24;
	_ =	swait.ge [sflag:s21], $0x4000  }
0x7f: {  	s25 =	sshra.s32 s25, $0x2;
	[sflag:s21] =	ssyncset.done $0x0  }
.Ltmp6:
0x80: {  	s26 =	sadd.s32 $0x1400, s25;
	[sflag:s21] =	ssyncadd.s32 $0xFFFFC000;
	(pc) =	sbr.rel @p2 .LBB2_3-.Ltmp6, $4  }
0x81: {  	[tilespmem:s19], [sflag:$0x1] =	stream.indirect.gather [hbm4b:s2+s18], $0x80, s26, s18, $0xb8;
	[tilespmem:$0x1E400] =	vst v63  }
0x82: {  	_ =	swait.ge [sflag:s22], $0x4000  }
0x83: {  	[sflag:s22] =	ssyncset.done $0x0  }
0x84: {  	s25 =	sadd.s32 $0x1480, s25;
	[sflag:s22] =	ssyncadd.s32 $0xFFFFC000  }
0x85: {  	[tilespmem:s20], [sflag:$0x2] =	stream.indirect.gather [hbm4b:s2+s18], $0x80, s25, s18, $0xb8;
	[tilespmem:$0x1E400] =	vst v63  }
0x86: {  	_ =	swait.ge [sflag:s21], $0x4000  }
0x87: {  	[sflag:s21] =	ssyncset.done $0x0  }
0x88: {  	[sflag:s21] =	ssyncadd.s32 $0xFFFFC000  }
0x89: {  	_ =	swait.ge [sflag:s22], $0x4000  }
0x8a: {  	[sflag:s22] =	ssyncset.done $0x0  }
0x8b: {  	[sflag:s22] =	ssyncadd.s32 $0xFFFFC000  }
0x8c: {  	[tilespmem:s1], [sflag:$0x3] =	stream.linear.gather [hbm4b:s13+s1], $0x1400, $0x38;
	[tilespmem:$0x1E400] =	vst v63  }
0x8d: {  	_ =	swait.ge [sflag:s16], $0x1400  }
0x8e: {  	[sflag:s16] =	ssyncset.done $0x0  }
0x8f: {  	[sflag:s16] =	ssyncadd.s32 $0xFFFFEC00  }
0x90: {  	[tilespmem:s17], [sflag:$0x3] =	stream.linear.gather [hbm4b:s14+s1], $0x1400, $0x38;
	[tilespmem:$0x1E400] =	vst v63  }
0x91: {  	_ =	swait.ge [sflag:s16], $0x1400  }
0x92: {  	[sflag:s16] =	ssyncset.done $0x0  }
0x93: {  	[sflag:s16] =	ssyncadd.s32 $0xFFFFEC00  }
0x94: {  	[tilespmem:s19], [sflag:$0x1] =	stream.indirect.gather [hbm4b:s2+s18], $0x80, s1, s18, $0xb8;
	[tilespmem:$0x1E400] =	vst v63  }
0x95: {  	_ = 	snop  }
0x96: {  	[tilespmem:s20], [sflag:$0x2] =	stream.indirect.gather [hbm4b:s2+s18], $0x80, s18, s18, $0xb8;
	[tilespmem:$0x1E400] =	vst v63  }
0x97: {  	_ =	swait.ge [sflag:s21], $0x4000  }
0x98: {  	[sflag:s21] =	ssyncset.done $0x0  }
0x99: {  	s24 =	simm.s32 $0x100;
	[sflag:s21] =	ssyncadd.s32 $0xFFFFC000  }
0x9a: {  	[tilespmem:s19], [sflag:$0x1] =	stream.indirect.gather [hbm4b:s2+s18], $0x80, s24, s18, $0xb8;
	[tilespmem:$0x1E400] =	vst v63  }
0x9b: {  	_ =	swait.ge [sflag:s22], $0x4000  }
0x9c: {  	[sflag:s22] =	ssyncset.done $0x0  }
0x9d: {  	s25 =	simm.s32 $0x180;
	s24 =	simm.s32 $0xFFFFB800;
	[sflag:s22] =	ssyncadd.s32 $0xFFFFC000  }
.LBB2_5:
0x9e: {  	[tilespmem:s20], [sflag:$0x2] =	stream.indirect.gather [hbm4b:s2+s18], $0x80, s25, s18, $0xb8;
	[tilespmem:$0x1E400] =	vst v63  }
0x9f: {  	s25 =	smov.u32 s24  }
0xa0: {  	p2 =	seq.s32 s24, $0xFFFFFC00;
	s24 =	sadd.s32 $0x400, s24;
	_ =	swait.ge [sflag:s21], $0x4000  }
0xa1: {  	s25 =	sshra.s32 s25, $0x2;
	[sflag:s21] =	ssyncset.done $0x0  }
.Ltmp7:
0xa2: {  	s26 =	sadd.s32 $0x1400, s25;
	[sflag:s21] =	ssyncadd.s32 $0xFFFFC000;
	(pc) =	sbr.rel @!p2 .LBB2_5-.Ltmp7, $4  }
0xa3: {  	[tilespmem:s19], [sflag:$0x1] =	stream.indirect.gather [hbm4b:s2+s18], $0x80, s26, s18, $0xb8;
	[tilespmem:$0x1E400] =	vst v63  }
0xa4: {  	_ =	swait.ge [sflag:s22], $0x4000  }
0xa5: {  	[sflag:s22] =	ssyncset.done $0x0  }
0xa6: {  	s25 =	sadd.s32 $0x1480, s25;
	[sflag:s22] =	ssyncadd.s32 $0xFFFFC000  }
.Ltmp8:
0xa7: {  	(pc) =	sbr.rel .LBB2_12-.Ltmp8, $2  }
0xa8: {  	_ =	sdelay $0x2  }
0xa9: {  	[tilespmem:s20], [sflag:$0x2] =	stream.indirect.gather [hbm4b:s2+s18], $0x80, s25, s18, $0xb8;
	[tilespmem:$0x1E400] =	vst v63  }
.LBB2_13:
0xaa: {  	_ =	sfence.sel $0x180000  }
0xab: {  	[bflag:$0x0] =	sbarrier.arrive $0xFFFF  }
0xac: {  	p0 =	sne.s32 s3, $0x0;
	_ =	strace $0x9000004D  }
0xad: {  	s0 =	sadd.s32 @!p0 $0x100000, s0;
	[bflag:$0x2] =	sbarrier.arrive $0xFFFF  }
0xae: {  	[sflag:s0] =	ssyncadd.tile.s32 @!p0 $0x1;
	_ =	shalt  }
.Lfunc_end2:
_tile_overlayer_lowered:
.L_overlay_start_2:
0xaf: {  	(tag) =	ssettag $0x2  }
0xb0: {  	s0 =	rddreg [dreg:$0x0];
	s2 =	stileid.u32  }
0xb1: {  	s1 =	rddreg [dreg:$0x1];
	p0 =	sne.s32 s2, $0x0  }
0xb2: {  	s3 =	rddreg [dreg:$0x2];
	[bflag:$0x3] =	sbarrier.arrive $0xFFFF;
	s2 =	simm.s32 @!p0 $0x1C03  }
0xb3: {  	[timem:s3], [sflag:s2] =	dma.local @!p0 [hbm:s0], s1  }
0xb4: {  	s0 =	simm.s32 @!p0 $0x3  }
0xb5: {  	_ =	swait.ge @!p0 [sflag:s0], s1  }
0xb6: {  	s1 =	ssub.s32 @!p0 $0x0, s1;
	[sflag:s0] =	ssyncset.done @!p0 $0x0  }
0xb7: {  	[sflag:s0] =	ssyncadd.s32 @!p0 s1  }
0xb8: {  	[bflag:$0x3] =	sbarrier.arrive $0xFFFF  }
0xb9: {  	_ =	shalt  }

// kernel: kernel.9.cloned.1.call-start
scs
__scs_entry_jumppad:
0x0: {  	(pc) =	sbr.rel $0x88, $3  }
0x1: {  	(tag) =	ssettag $0x0;
	lr =	simm.s32 $0x1  }
0x2: {  	[smem:$0x3F96] =	sst lr;
	_ =	strace $0xD0000000  }
0x3: {  	_ = 	snop  }
0x4: {  	_ = 	snop  }
0x5: {  	_ = 	snop  }
0x6: {  	_ = 	snop  }
0x7: {  	_ = 	snop  }
__scs_overlays_trampoline_lowered:
0x8: {  	[smem:$0x3FA5] =	sst s0  }
0x9: {  	[smem:$0x3FA6] =	sst s1  }
0xa: {  	[smem:$0x3FA7] =	sst s2  }
0xb: {  	[smem:$0x3FA8] =	sst s3  }
0xc: {  	[smem:$0x3FA9] =	sst s4  }
0xd: {  	[smem:$0x3FAA] =	sst s5  }
0xe: {  	[smem:$0x3FAB] =	sst s6  }
0xf: {  	[smem:$0x3FAC] =	sst s7  }
0x10: {  	[smem:$0x3FAD] =	sst s8  }
0x11: {  	[smem:$0x3FAE] =	sst s9;
	s0 =	simm.s32 @!p0 $0x0  }
0x12: {  	s1 =	sld [smem:$0x3F94];
	s0 =	simm.s32 @p0 $0x1  }
0x13: {  	[smem:$0x3FAF] =	sst s0;
	s0 =	simm.s32 @!p1 $0x0  }
0x14: {  	s2 =	sld [smem:$0x3F93];
	s0 =	simm.s32 @p1 $0x1  }
0x15: {  	[smem:$0x3FB0] =	sst s0;
	s0 =	simm.s32 @!p2 $0x0  }
0x16: {  	s3 =	sld [smem:$0x3FDB];
	s0 =	simm.s32 @p2 $0x1  }
0x17: {  	s4 =	simm.s32 $0x1BF5;
	[smem:$0x3FB2] =	sst s0  }
0x18: {  	s0 =	sld [smem:$0x3F95];
	_ =	swait.ge [sflag:s4], $0x0  }
0x19: {  	s7 =	sld [smem:$0x3F96]  }
0x1a: {  	s8 =	sadd.s32 $0xFFFFE003, lr  }
0x1b: {  	s9 =	sadd.s32 $0xFFFFFEF7, lr;
	s5 =	simm.s32 $0xFFFFFFFF;
	p2 =	slt.u32 s8, $0xFFFFF086  }
0x1c: {  	p1 =	slt.u32 s9, $0xF7A;
	s5 =	simm.s32 @!p2 $0x0  }
0x1d: {  	s5 =	simm.s32 @p1 $0x1;
	p0 =	seq.s32 s7, s2  }
0x1e: {  	s7 =	smul.u32 @!p0 $0xF7A, s2;
	p2 =	seq.s32 @!p0 s5, $0x0  }
0x1f: {  	s9 =	smul.u32 $0xF7A, s1;
	s8 =	simm.s32 @!p0 $0x1BF5;
	p2 =	por !p2, p0  }
0x20: {  	[sflag:s8] =	ssyncset.s32 @!p0 $0xFFFFF086;
	s6 =	sadd.s32 @!p0 s3, s7;
	s7 =	simm.s32 @!p0 $0x108  }
0x21: {  	s3 =	sadd.s32 s3, s9;
	s6 =	sadd.s32 @!p0 $0x88, s6;
	s7 =	simm.s32 @p2 $0x1082  }
0x22: {  	[simem:s7], [sflag:s8] =	dma.local @!p0 [hbm:s6], $0xF7A  }
0x23: {  	s9 =	sor.u32 $0xD0000000, s2;
	s6 =	simm.s32 $0x108;
	_ =	swait.ge @!p0 [sflag:s8], $0x0  }
0x24: {  	s3 =	sadd.s32 $0x88, s3;
	s6 =	simm.s32 @!p1 $0x1082;
	[sflag:s4] =	ssyncset.s32 $0xFFFFF086  }
0x25: {  	[simem:s6], [sflag:s4] =	dma.local [hbm:s3], $0xF7A  }
0x26: {  	[smem:$0x3F96] =	sst s1;
	(tag) =	ssettag s2;
	_ =	strace s9  }
0x27: {  	s1 =	sld [smem:$0x3FA6]  }
0x28: {  	s2 =	sld [smem:$0x3FA7]  }
0x29: {  	s4 =	sld [smem:$0x3FA9]  }
0x2a: {  	p0 =	seq.s32 s5, $0x0;
	s5 =	sld [smem:$0x3FAA]  }
0x2b: {  	s6 =	sld [smem:$0x3FAB]  }
0x2c: {  	s7 =	sld [smem:$0x3FAC]  }
0x2d: {  	s3 =	simm.s32 $0x108;
	s8 =	sld [smem:$0x3FAD]  }
0x2e: {  	s3 =	simm.s32 @!p0 $0x1082;
	s9 =	sld [smem:$0x3FAE]  }
0x2f: {  	lr =	sadd.s32 s0, s3;
	s0 =	sld [smem:$0x3FA5]  }
0x30: {  	s3 =	sld [smem:$0x3FA8]  }
0x31: {  	[smem:$0x3FB1] =	sst s10  }
0x32: {  	s10 =	sld [smem:$0x3FAF];
	_ =	sdelay $0x3  }
0x33: {  	p0 =	seq.s32 s10, $0x1;
	s10 =	sld [smem:$0x3FB1];
	_ =	sdelay $0x3  }
0x34: {  	[smem:$0x3FB1] =	sst s10  }
0x35: {  	s10 =	sld [smem:$0x3FB0];
	_ =	sdelay $0x3  }
0x36: {  	p1 =	seq.s32 s10, $0x1;
	s10 =	sld [smem:$0x3FB1];
	_ =	sdelay $0x3  }
0x37: {  	[smem:$0x3FB1] =	sst s10  }
0x38: {  	s10 =	sld [smem:$0x3FB2]  }
0x39: {  	_ = 	snop;
	(pc) =	sbr.ind lr, $3  }
0x3a: {  	_ = 	snop  }
0x3b: {  	_ = 	snop  }
0x3c: {  	p2 =	seq.s32 s10, $0x1;
	s10 =	sld [smem:$0x3FB1]  }
0x3d: {  	_ =	shalt  }
0x3e: {  	_ =	shalt  }
0x3f: {  	_ =	shalt  }
0x40: {  	_ =	shalt  }
0x41: {  	_ =	shalt  }
0x42: {  	_ =	shalt  }
0x43: {  	_ =	shalt  }
0x44: {  	_ =	shalt  }
0x45: {  	_ =	shalt  }
0x46: {  	_ =	shalt  }
0x47: {  	_ =	shalt  }
0x48: {  	_ =	shalt  }
0x49: {  	_ =	shalt  }
0x4a: {  	_ =	shalt  }
0x4b: {  	_ =	shalt  }
0x4c: {  	_ =	shalt  }
0x4d: {  	_ =	shalt  }
0x4e: {  	_ =	shalt  }
0x4f: {  	_ =	shalt  }
0x50: {  	_ =	shalt  }
0x51: {  	_ =	shalt  }
0x52: {  	_ =	shalt  }
0x53: {  	_ =	shalt  }
0x54: {  	_ =	shalt  }
0x55: {  	_ =	shalt  }
0x56: {  	_ =	shalt  }
0x57: {  	_ =	shalt  }
0x58: {  	_ =	shalt  }
0x59: {  	_ =	shalt  }
0x5a: {  	_ =	shalt  }
0x5b: {  	_ =	shalt  }
0x5c: {  	_ =	shalt  }
0x5d: {  	_ =	shalt  }
0x5e: {  	_ =	shalt  }
0x5f: {  	_ =	shalt  }
0x60: {  	_ =	shalt  }
0x61: {  	_ =	shalt  }
0x62: {  	_ =	shalt  }
0x63: {  	_ =	shalt  }
0x64: {  	_ =	shalt  }
0x65: {  	_ =	shalt  }
0x66: {  	_ =	shalt  }
0x67: {  	_ =	shalt  }
0x68: {  	_ =	shalt  }
0x69: {  	_ =	shalt  }
0x6a: {  	_ =	shalt  }
0x6b: {  	_ =	shalt  }
0x6c: {  	_ =	shalt  }
0x6d: {  	_ =	shalt  }
0x6e: {  	_ =	shalt  }
0x6f: {  	_ =	shalt  }
0x70: {  	_ =	shalt  }
0x71: {  	_ =	shalt  }
0x72: {  	_ =	shalt  }
0x73: {  	_ =	shalt  }
0x74: {  	_ =	shalt  }
0x75: {  	_ =	shalt  }
0x76: {  	_ =	shalt  }
0x77: {  	_ =	shalt  }
0x78: {  	_ =	shalt  }
0x79: {  	_ =	shalt  }
0x7a: {  	_ =	shalt  }
0x7b: {  	_ =	shalt  }
0x7c: {  	_ =	shalt  }
0x7d: {  	_ =	shalt  }
0x7e: {  	_ =	shalt  }
0x7f: {  	_ =	shalt  }
0x80: {  	_ =	shalt  }
0x81: {  	_ =	shalt  }
0x82: {  	_ =	shalt  }
0x83: {  	_ =	shalt  }
0x84: {  	_ =	shalt  }
0x85: {  	_ =	shalt  }
0x86: {  	_ =	shalt  }
0x87: {  	_ =	shalt  }
.Lfunc_end0:
.L_simem_size_0:
called_computation_lowered:
.L_overlay_start_0:
0x88: {  	s2 =	sld [smem:$0x3FD9]  }
0x89: {  	s3 =	sld [smem:$0x3FFE];
	_ =	sdelay $0x1  }
0x8a: {  	s1 =	srdreg.scid  }
0x8b: {  	s0 =	sand.u32 $0x1, s1  }
0x8c: {  	s16 =	sshll.u32 s0, $0xA;
	s2 =	sadd.s32 s3, s2  }
0x8d: {  	s2 =	sadd.s32 s2, s16  }
0x8e: {  	[smem:$0x3FBD] =	sst s2  }
0x8f: {  	_ = 	snop  }
0x90: {  	(tm) =	ssettm $0x1  }
0x91: {  	s17 =	sld [smem:$0x3FFB];
	_ =	sdelay $0x3  }
0x92: {  	_ =	strace s17  }
0x93: {  	s2 =	sld [smem:$0x3FFC];
	_ =	sdelay $0x3  }
0x94: {  	_ =	strace s2  }
0x95: {  	s2 =	sld [smem:$0x3FFD];
	_ =	sdelay $0x3  }
0x96: {  	_ =	strace s2  }
0x97: {  	_ =	strace $0x8FFFFFFF  }
0x98: {  	s18 =	sld [smem:$0x3FDB];
	_ =	sdelay $0x1  }
0x99: {  	s19 =	simm.s32 $_scs_section_size  }
0x9a: {  	s4 =	simm.s32 $_size__tile_overlayer_lowered;
	s5 =	simm.s32 $_tile_overlayer_lowered  }
0x9b: {  	s22 =	simm.s32 $0x1BFF;
	s21 =	sshll.u32 s5, $0x1;
	s2 =	sadd.s32 s19, s18  }
0x9c: {  	s6 =	simm.s32 $0x0;
	s20 =	sshll.u32 s4, $0x1;
	s4 =	sadd.s32 s21, s2  }
0x9d: {  	[timem:s6], [sflag:s22] =	dma.local [hbm:s4], s20  }
0x9e: {  	_ =	swait.ge [sflag:s22], s20  }
0x9f: {  	s3 =	ssub.s32 $0x0, s20;
	[sflag:s22] =	ssyncset.done $0x0  }
0xa0: {  	[sflag:s22] =	ssyncadd.s32 s3;
	_ =	sdelay $0x1  }
0xa1: {  	s23 =	simm.s32 $0x1B8B  }
0xa2: {  	_ =	swait.ge [sflag:s23], $0x1  }
0xa3: {  	[sflag:s23] =	ssyncset.done $0x0  }
0xa4: {  	s25 =	simm.s32 $0x1B8E;
	s24 =	sld [smem:$0x3FFE];
	[sflag:s23] =	ssyncadd.s32 $0xFFFFFFFF  }
0xa5: {  	s26 =	simm.s32 $execute0_lowered;
	[smem:$0x3FD2] =	sst s25  }
0xa6: {  	s4 =	sshll.u32 s26, $0x1;
	_ =	strace $0x80000046;
	[dreg:$0x1] =	wrdreg $0xFFFFFFFF  }
0xa7: {  	s28 =	simm.s32 $_size_execute0_lowered;
	s2 =	sadd.s32 s2, s4;
	[dreg:$0x0] =	wrdreg $0x0  }
0xa8: {  	s4 =	sshll.u32 s28, $0x1;
	[dreg:$0x2] =	wrdreg s2  }
0xa9: {  	[dreg:$0x3] =	wrdreg s4  }
0xaa: {  	[dreg:$0x4] =	wrdreg $0xC0  }
0xab: {  	_ =	task [dreg:s6], $0x5FFFF  }
0xac: {  	[dreg:$0x1] =	wrdreg $0xFFFFFFFF  }
0xad: {  	[dreg:$0x0] =	wrdreg $0x60  }
0xae: {  	[dreg:$0x2] =	wrdreg s24  }
0xaf: {  	[dreg:$0x3] =	wrdreg $0xA8000  }
0xb0: {  	[dreg:$0x4] =	wrdreg $0x9  }
0xb1: {  	_ =	task.clear_ibuf [dreg:s6], $0x5FFFF;
	_ =	strace $0x90000046  }
0xb2: {  	s29 =	simm.s32 $0x9;
	_ =	strace $0x80000048  }
0xb3: {  	_ =	swait.ge [sflag:s29], $0x1  }
0xb4: {  	[sflag:s29] =	ssyncadd.s32 $0xFFFFFFFF  }
0xb5: {  	_ =	strace $0x90000048  }
0xb6: {  	_ =	sfence  }
0xb7: {  	s30 =	sld [smem:$0x0];
	_ =	sdelay $0x2  }
0xb8: {  	s31 =	sshll.u32 s1, $0xD;
	s1 =	sshrl.u32 s1, $0x2  }
0xb9: {  	s3 =	sand.u32 $0x4000, s31;
	s1 =	sadd.s32 s1, s30  }
0xba: {  	s0 =	sor.u32 s3, s0;
	s1 =	sshll.u32 s1, $0x11  }
0xbb: {  	s0 =	sor.u32 s1, s0  }
0xbc: {  	s0 =	sadd.s32 $0x8F2B, s0  }
0xbd: {  	[sflag:s0] =	ssyncadd.remote.s32 $0x1  }
0xbe: {  	_ =	sfence.sel $0xFFFF  }
0xbf: {  	[dreg:$0x0] =	wrdreg $0xFFFFFFFF;
	(pc) =	sbr.abs _section_cstart, $3  }
0xc0: {  	[dreg:$0x1] =	wrdreg $0xFFFFFFFF  }
0xc1: {  	_ =	task.clear_ibuf [dreg:s6], $0x2FFFF;
	_ =	strace $0x9FFFFFFF  }
0xc2: {  	(tm) =	ssettm $0x7FFFFFFF  }
0xc3: {  	_ =	shalt  }
tec
execute0_lowered:
.L_overlay_start_1:
0x0: {  	(tag) =	ssettag $0x1  }
0x1: {  	s6 =	rddreg [dreg:$0x0]  }
0x2: {  	s7 =	rddreg [dreg:$0x1]  }
0x3: {  	s0 =	rddreg [dreg:$0x2];
	s1 =	simm.s32 $0x0;
	s5 =	srdreg.scid  }
0x4: {  	s3 =	stileid.u32;
	s18 =	simm.s32 $0x80;
	s19 =	simm.s32 $0x2800  }
0x5: {  	s20 =	simm.s32 $0x6800;
	s21 =	simm.s32 $0x1;
	s22 =	simm.s32 $0x2  }
0x6: {  	s23 =	simm.s32 $0x0;
	[smem:$0x7FF] =	sst s1;
	s2 =	sadd.s32 $0xF7200, s6  }
0x7: {  	s4 =	sadd.s32 $0x11E400, s6;
	s13 =	sadd.s32 $0x7C00, s6;
	s14 =	sadd.s32 $0x2C00, s6  }
0x8: {  	s8 =	sand.u32 $0x1, s5;
	s5 =	sadd.s32 $0x145600, s6;
	s10 =	smul.u32 $0x4F000, s3  }
0x9: {  	s11 =	sadd.s32 $0x147E00, s6;
	s15 =	sshll.u32 s3, $0x6;
	s16 =	smul.u32 $0x13C00, s3  }
0xa: {  	s31 =	smul.u32 $0x500, s3;
	p1 =	seq.s32 s3, $0xF;
	s9 =	ssub.s32 $0x2, s8  }
0xb: {  	_ =	strace $0x80000047;
	s12 =	smul.u32 $0x138800, s8;
	s28 =	sshrl.u32 s9, $0x1  }
0xc: {  	p0 =	seq.s32 s8, $0x1;
	s10 =	sshrl.u32 s10, $0x2;
	s17 =	ssub.s32 s9, s28  }
0xd: {  	s6 =	sadd.s32 s10, s7;
	s7 =	sor.u32 $0x1C03, s15;
	s29 =	sadd.s32 s16, s12  }
.Ltmp0:
0xe: {  	s30 =	sshrl.u32 s12, $0x3;
	s12 =	sadd.s32 s14, s31;
	(pc) =	sbr.rel .LBB2_1-.Ltmp0, $4  }
0xf: {  	s15 =	sadd.s32 $0x280, s31;
	s16 =	simm.s32 $0x3;
	s8 =	sshrl.u32 s29, $0x3  }
0x10: {  	s9 =	sadd.s32 s11, s30;
	s10 =	smax.u32 s17, $0x1;
	s14 =	sadd.s32 s14, s15  }
0x11: {  	s17 =	simm.s32 $0x1400;
	s8 =	sadd.s32 s11, s8;
	s9 =	sadd.s32 $0x25080, s9  }
0x12: {  	s11 =	sadd.s32 s13, s31;
	s13 =	sadd.s32 s13, s15;
	s15 =	sshrl.u32 s6, $0x3  }
.LBB2_11:
0x13: {  	[tilespmem:s20], [sflag:$0x2] =	stream.indirect.gather [hbm4b:s4+s18], $0x80, s25, s18, $0xb8;
	[tilespmem:$0x1E400] =	vst v63  }
.LBB2_12:
0x14: {  	_ =	swait.ge [sflag:s21], $0x4000  }
0x15: {  	[sflag:s21] =	ssyncset.done $0x0  }
0x16: {  	[sflag:s21] =	ssyncadd.s32 $0xFFFFC000  }
0x17: {  	_ =	swait.ge [sflag:s22], $0x4000  }
0x18: {  	[sflag:s22] =	ssyncset.done $0x0  }
0x19: {  	[sflag:s22] =	ssyncadd.s32 $0xFFFFC000  }
0x1a: {  	s24 =	sshrl.u32 @p1 s6, $0x3;
	[bflag:$0x0] =	sbarrier.arrive $0xFFFF  }
0x1b: {  	[hbm:s9], [sflag:s7] =	dma.local @p1 [spmem:s24], $0x2080  }
0x1c: {  	s24 =	simm.s32 @p1 $0x3  }
0x1d: {  	_ =	swait.ge @p1 [sflag:s24], $0x2080  }
0x1e: {  	s23 =	sadd.s32 $0x1, s23;
	[sflag:s24] =	ssyncset.done @p1 $0x0  }
0x1f: {  	p2 =	sne.s32 s23, s10;
	[sflag:s24] =	ssyncadd.s32 @p1 $0xFFFFDF80;
	s24 =	sshrl.u32 @!p1 s6, $0x3  }
0x20: {  	[hbm:s8], [sflag:s7] =	dma.local @!p1 [spmem:s24], $0x2780  }
.Ltmp1:
0x21: {  	_ = 	snop;
	(pc) =	sbr.rel @!p2 .LBB2_13-.Ltmp1, $4  }
0x22: {  	s24 =	simm.s32 @!p1 $0x3  }
0x23: {  	_ =	swait.ge @!p1 [sflag:s24], $0x2780  }
0x24: {  	[sflag:s24] =	ssyncset.done @!p1 $0x0  }
0x25: {  	[sflag:s24] =	ssyncadd.s32 @!p1 $0xFFFFD880  }
.LBB2_1:
0x26: {  	[spmem:s15], [sflag:s7] =	dma.local [hbm:s5], $0x2780  }
.Ltmp2:
0x27: {  	_ =	swait.ge [sflag:s16], $0x2780;
	(pc) =	sbr.rel @!p0 .LBB2_2-.Ltmp2, $3  }
0x28: {  	[sflag:s16] =	ssyncset.done $0x0  }
0x29: {  	[sflag:s16] =	ssyncadd.s32 $0xFFFFD880  }
0x2a: {  	[bflag:$0x0] =	sbarrier.arrive $0xFFFF;
	_ =	sdelay $0x1  }
0x2b: {  	[tilespmem:s1], [sflag:$0x3] =	stream.linear.gather [hbm4b:s11+s1], $0x1400, $0x38;
	[tilespmem:$0x1E400] =	vst v63  }
0x2c: {  	_ =	swait.ge [sflag:s16], $0x1400  }
0x2d: {  	[sflag:s16] =	ssyncset.done $0x0  }
0x2e: {  	[sflag:s16] =	ssyncadd.s32 $0xFFFFEC00  }
0x2f: {  	[tilespmem:s17], [sflag:$0x3] =	stream.linear.gather [hbm4b:s12+s1], $0x1400, $0x38;
	[tilespmem:$0x1E400] =	vst v63  }
0x30: {  	_ =	swait.ge [sflag:s16], $0x1400  }
0x31: {  	[sflag:s16] =	ssyncset.done $0x0  }
0x32: {  	[sflag:s16] =	ssyncadd.s32 $0xFFFFEC00  }
0x33: {  	[tilespmem:s19], [sflag:$0x1] =	stream.indirect.gather [hbm4b:s4+s18], $0x80, s1, s18, $0xb8;
	[tilespmem:$0x1E400] =	vst v63  }
0x34: {  	_ = 	snop  }
0x35: {  	[tilespmem:s20], [sflag:$0x2] =	stream.indirect.gather [hbm4b:s4+s18], $0x80, s18, s18, $0xb8;
	[tilespmem:$0x1E400] =	vst v63  }
0x36: {  	_ =	swait.ge [sflag:s21], $0x4000  }
0x37: {  	[sflag:s21] =	ssyncset.done $0x0  }
0x38: {  	s24 =	simm.s32 $0x100;
	[sflag:s21] =	ssyncadd.s32 $0xFFFFC000  }
0x39: {  	[tilespmem:s19], [sflag:$0x1] =	stream.indirect.gather [hbm4b:s4+s18], $0x80, s24, s18, $0xb8;
	[tilespmem:$0x1E400] =	vst v63  }
0x3a: {  	_ =	swait.ge [sflag:s22], $0x4000  }
0x3b: {  	[sflag:s22] =	ssyncset.done $0x0  }
0x3c: {  	s25 =	simm.s32 $0x180;
	s24 =	simm.s32 $0xFFFFB800;
	[sflag:s22] =	ssyncadd.s32 $0xFFFFC000  }
.LBB2_8:
0x3d: {  	[tilespmem:s20], [sflag:$0x2] =	stream.indirect.gather [hbm4b:s4+s18], $0x80, s25, s18, $0xb8;
	[tilespmem:$0x1E400] =	vst v63  }
0x3e: {  	s25 =	smov.u32 s24  }
0x3f: {  	p2 =	sne.s32 s24, $0xFFFFFC00;
	s24 =	sadd.s32 $0x400, s24;
	_ =	swait.ge [sflag:s21], $0x4000  }
0x40: {  	s25 =	sshra.s32 s25, $0x2;
	[sflag:s21] =	ssyncset.done $0x0  }
.Ltmp3:
0x41: {  	s26 =	sadd.s32 $0x1400, s25;
	[sflag:s21] =	ssyncadd.s32 $0xFFFFC000;
	(pc) =	sbr.rel @p2 .LBB2_8-.Ltmp3, $4  }
0x42: {  	[tilespmem:s19], [sflag:$0x1] =	stream.indirect.gather [hbm4b:s4+s18], $0x80, s26, s18, $0xb8;
	[tilespmem:$0x1E400] =	vst v63  }
0x43: {  	_ =	swait.ge [sflag:s22], $0x4000  }
0x44: {  	[sflag:s22] =	ssyncset.done $0x0  }
0x45: {  	s25 =	sadd.s32 $0x1480, s25;
	[sflag:s22] =	ssyncadd.s32 $0xFFFFC000  }
0x46: {  	[tilespmem:s20], [sflag:$0x2] =	stream.indirect.gather [hbm4b:s4+s18], $0x80, s25, s18, $0xb8;
	[tilespmem:$0x1E400] =	vst v63  }
0x47: {  	_ =	swait.ge [sflag:s21], $0x4000  }
0x48: {  	[sflag:s21] =	ssyncset.done $0x0  }
0x49: {  	[sflag:s21] =	ssyncadd.s32 $0xFFFFC000  }
0x4a: {  	_ =	swait.ge [sflag:s22], $0x4000  }
0x4b: {  	[sflag:s22] =	ssyncset.done $0x0  }
0x4c: {  	[sflag:s22] =	ssyncadd.s32 $0xFFFFC000  }
0x4d: {  	[tilespmem:s1], [sflag:$0x3] =	stream.linear.gather [hbm4b:s13+s1], $0x1400, $0x38;
	[tilespmem:$0x1E400] =	vst v63  }
0x4e: {  	_ =	swait.ge [sflag:s16], $0x1400  }
0x4f: {  	[sflag:s16] =	ssyncset.done $0x0  }
0x50: {  	[sflag:s16] =	ssyncadd.s32 $0xFFFFEC00  }
0x51: {  	[tilespmem:s17], [sflag:$0x3] =	stream.linear.gather [hbm4b:s14+s1], $0x1400, $0x38;
	[tilespmem:$0x1E400] =	vst v63  }
0x52: {  	_ =	swait.ge [sflag:s16], $0x1400  }
0x53: {  	[sflag:s16] =	ssyncset.done $0x0  }
0x54: {  	[sflag:s16] =	ssyncadd.s32 $0xFFFFEC00  }
0x55: {  	[tilespmem:s19], [sflag:$0x1] =	stream.indirect.gather [hbm4b:s4+s18], $0x80, s1, s18, $0xb8;
	[tilespmem:$0x1E400] =	vst v63  }
0x56: {  	_ = 	snop  }
0x57: {  	[tilespmem:s20], [sflag:$0x2] =	stream.indirect.gather [hbm4b:s4+s18], $0x80, s18, s18, $0xb8;
	[tilespmem:$0x1E400] =	vst v63  }
0x58: {  	_ =	swait.ge [sflag:s21], $0x4000  }
0x59: {  	[sflag:s21] =	ssyncset.done $0x0  }
0x5a: {  	s24 =	simm.s32 $0x100;
	[sflag:s21] =	ssyncadd.s32 $0xFFFFC000  }
0x5b: {  	[tilespmem:s19], [sflag:$0x1] =	stream.indirect.gather [hbm4b:s4+s18], $0x80, s24, s18, $0xb8;
	[tilespmem:$0x1E400] =	vst v63  }
0x5c: {  	_ =	swait.ge [sflag:s22], $0x4000  }
0x5d: {  	[sflag:s22] =	ssyncset.done $0x0  }
0x5e: {  	s25 =	simm.s32 $0x180;
	s24 =	simm.s32 $0xFFFFB800;
	[sflag:s22] =	ssyncadd.s32 $0xFFFFC000  }
.LBB2_10:
0x5f: {  	[tilespmem:s20], [sflag:$0x2] =	stream.indirect.gather [hbm4b:s4+s18], $0x80, s25, s18, $0xb8;
	[tilespmem:$0x1E400] =	vst v63  }
0x60: {  	s25 =	smov.u32 s24  }
0x61: {  	p2 =	sne.s32 s24, $0xFFFFFC00;
	s24 =	sadd.s32 $0x400, s24;
	_ =	swait.ge [sflag:s21], $0x4000  }
0x62: {  	s25 =	sshra.s32 s25, $0x2;
	[sflag:s21] =	ssyncset.done $0x0  }
.Ltmp4:
0x63: {  	s26 =	sadd.s32 $0x1400, s25;
	[sflag:s21] =	ssyncadd.s32 $0xFFFFC000;
	(pc) =	sbr.rel @p2 .LBB2_10-.Ltmp4, $4  }
0x64: {  	[tilespmem:s19], [sflag:$0x1] =	stream.indirect.gather [hbm4b:s4+s18], $0x80, s26, s18, $0xb8;
	[tilespmem:$0x1E400] =	vst v63  }
0x65: {  	_ =	swait.ge [sflag:s22], $0x4000  }
0x66: {  	[sflag:s22] =	ssyncset.done $0x0  }
0x67: {  	s25 =	sadd.s32 $0x1480, s25;
	[sflag:s22] =	ssyncadd.s32 $0xFFFFC000  }
.Ltmp5:
0x68: {  	_ = 	snop;
	(pc) =	sbr.rel .LBB2_11-.Ltmp5, $1  }
0x69: {  	_ =	sdelay $0x3  }
.LBB2_2:
0x6a: {  	[tilespmem:s1], [sflag:$0x3] =	stream.linear.gather [hbm4b:s11+s1], $0x1400, $0x38;
	[tilespmem:$0x1E400] =	vst v63  }
0x6b: {  	_ =	swait.ge [sflag:s16], $0x1400  }
0x6c: {  	[sflag:s16] =	ssyncset.done $0x0  }
0x6d: {  	[sflag:s16] =	ssyncadd.s32 $0xFFFFEC00  }
0x6e: {  	[tilespmem:s17], [sflag:$0x3] =	stream.linear.gather [hbm4b:s12+s1], $0x1400, $0x38;
	[tilespmem:$0x1E400] =	vst v63  }
0x6f: {  	_ =	swait.ge [sflag:s16], $0x1400  }
0x70: {  	[sflag:s16] =	ssyncset.done $0x0  }
0x71: {  	[sflag:s16] =	ssyncadd.s32 $0xFFFFEC00  }
0x72: {  	[tilespmem:s19], [sflag:$0x1] =	stream.indirect.gather [hbm4b:s2+s18], $0x80, s1, s18, $0xb8;
	[tilespmem:$0x1E400] =	vst v63  }
0x73: {  	_ = 	snop  }
0x74: {  	[tilespmem:s20], [sflag:$0x2] =	stream.indirect.gather [hbm4b:s2+s18], $0x80, s18, s18, $0xb8;
	[tilespmem:$0x1E400] =	vst v63  }
0x75: {  	_ =	swait.ge [sflag:s21], $0x4000  }
0x76: {  	[sflag:s21] =	ssyncset.done $0x0  }
0x77: {  	s24 =	simm.s32 $0x100;
	[sflag:s21] =	ssyncadd.s32 $0xFFFFC000  }
0x78: {  	[tilespmem:s19], [sflag:$0x1] =	stream.indirect.gather [hbm4b:s2+s18], $0x80, s24, s18, $0xb8;
	[tilespmem:$0x1E400] =	vst v63  }
0x79: {  	_ =	swait.ge [sflag:s22], $0x4000  }
0x7a: {  	[sflag:s22] =	ssyncset.done $0x0  }
0x7b: {  	s25 =	simm.s32 $0x180;
	s24 =	simm.s32 $0xFFFFB800;
	[sflag:s22] =	ssyncadd.s32 $0xFFFFC000  }
.LBB2_3:
0x7c: {  	[tilespmem:s20], [sflag:$0x2] =	stream.indirect.gather [hbm4b:s2+s18], $0x80, s25, s18, $0xb8;
	[tilespmem:$0x1E400] =	vst v63  }
0x7d: {  	s25 =	smov.u32 s24  }
0x7e: {  	p2 =	sne.s32 s24, $0xFFFFFC00;
	s24 =	sadd.s32 $0x400, s24;
	_ =	swait.ge [sflag:s21], $0x4000  }
0x7f: {  	s25 =	sshra.s32 s25, $0x2;
	[sflag:s21] =	ssyncset.done $0x0  }
.Ltmp6:
0x80: {  	s26 =	sadd.s32 $0x1400, s25;
	[sflag:s21] =	ssyncadd.s32 $0xFFFFC000;
	(pc) =	sbr.rel @p2 .LBB2_3-.Ltmp6, $4  }
0x81: {  	[tilespmem:s19], [sflag:$0x1] =	stream.indirect.gather [hbm4b:s2+s18], $0x80, s26, s18, $0xb8;
	[tilespmem:$0x1E400] =	vst v63  }
0x82: {  	_ =	swait.ge [sflag:s22], $0x4000  }
0x83: {  	[sflag:s22] =	ssyncset.done $0x0  }
0x84: {  	s25 =	sadd.s32 $0x1480, s25;
	[sflag:s22] =	ssyncadd.s32 $0xFFFFC000  }
0x85: {  	[tilespmem:s20], [sflag:$0x2] =	stream.indirect.gather [hbm4b:s2+s18], $0x80, s25, s18, $0xb8;
	[tilespmem:$0x1E400] =	vst v63  }
0x86: {  	_ =	swait.ge [sflag:s21], $0x4000  }
0x87: {  	[sflag:s21] =	ssyncset.done $0x0  }
0x88: {  	[sflag:s21] =	ssyncadd.s32 $0xFFFFC000  }
0x89: {  	_ =	swait.ge [sflag:s22], $0x4000  }
0x8a: {  	[sflag:s22] =	ssyncset.done $0x0  }
0x8b: {  	[sflag:s22] =	ssyncadd.s32 $0xFFFFC000  }
0x8c: {  	[tilespmem:s1], [sflag:$0x3] =	stream.linear.gather [hbm4b:s13+s1], $0x1400, $0x38;
	[tilespmem:$0x1E400] =	vst v63  }
0x8d: {  	_ =	swait.ge [sflag:s16], $0x1400  }
0x8e: {  	[sflag:s16] =	ssyncset.done $0x0  }
0x8f: {  	[sflag:s16] =	ssyncadd.s32 $0xFFFFEC00  }
0x90: {  	[tilespmem:s17], [sflag:$0x3] =	stream.linear.gather [hbm4b:s14+s1], $0x1400, $0x38;
	[tilespmem:$0x1E400] =	vst v63  }
0x91: {  	_ =	swait.ge [sflag:s16], $0x1400  }
0x92: {  	[sflag:s16] =	ssyncset.done $0x0  }
0x93: {  	[sflag:s16] =	ssyncadd.s32 $0xFFFFEC00  }
0x94: {  	[tilespmem:s19], [sflag:$0x1] =	stream.indirect.gather [hbm4b:s2+s18], $0x80, s1, s18, $0xb8;
	[tilespmem:$0x1E400] =	vst v63  }
0x95: {  	_ = 	snop  }
0x96: {  	[tilespmem:s20], [sflag:$0x2] =	stream.indirect.gather [hbm4b:s2+s18], $0x80, s18, s18, $0xb8;
	[tilespmem:$0x1E400] =	vst v63  }
0x97: {  	_ =	swait.ge [sflag:s21], $0x4000  }
0x98: {  	[sflag:s21] =	ssyncset.done $0x0  }
0x99: {  	s24 =	simm.s32 $0x100;
	[sflag:s21] =	ssyncadd.s32 $0xFFFFC000  }
0x9a: {  	[tilespmem:s19], [sflag:$0x1] =	stream.indirect.gather [hbm4b:s2+s18], $0x80, s24, s18, $0xb8;
	[tilespmem:$0x1E400] =	vst v63  }
0x9b: {  	_ =	swait.ge [sflag:s22], $0x4000  }
0x9c: {  	[sflag:s22] =	ssyncset.done $0x0  }
0x9d: {  	s25 =	simm.s32 $0x180;
	s24 =	simm.s32 $0xFFFFB800;
	[sflag:s22] =	ssyncadd.s32 $0xFFFFC000  }
.LBB2_5:
0x9e: {  	[tilespmem:s20], [sflag:$0x2] =	stream.indirect.gather [hbm4b:s2+s18], $0x80, s25, s18, $0xb8;
	[tilespmem:$0x1E400] =	vst v63  }
0x9f: {  	s25 =	smov.u32 s24  }
0xa0: {  	p2 =	seq.s32 s24, $0xFFFFFC00;
	s24 =	sadd.s32 $0x400, s24;
	_ =	swait.ge [sflag:s21], $0x4000  }
0xa1: {  	s25 =	sshra.s32 s25, $0x2;
	[sflag:s21] =	ssyncset.done $0x0  }
.Ltmp7:
0xa2: {  	s26 =	sadd.s32 $0x1400, s25;
	[sflag:s21] =	ssyncadd.s32 $0xFFFFC000;
	(pc) =	sbr.rel @!p2 .LBB2_5-.Ltmp7, $4  }
0xa3: {  	[tilespmem:s19], [sflag:$0x1] =	stream.indirect.gather [hbm4b:s2+s18], $0x80, s26, s18, $0xb8;
	[tilespmem:$0x1E400] =	vst v63  }
0xa4: {  	_ =	swait.ge [sflag:s22], $0x4000  }
0xa5: {  	[sflag:s22] =	ssyncset.done $0x0  }
0xa6: {  	s25 =	sadd.s32 $0x1480, s25;
	[sflag:s22] =	ssyncadd.s32 $0xFFFFC000  }
.Ltmp8:
0xa7: {  	(pc) =	sbr.rel .LBB2_12-.Ltmp8, $2  }
0xa8: {  	_ =	sdelay $0x2  }
0xa9: {  	[tilespmem:s20], [sflag:$0x2] =	stream.indirect.gather [hbm4b:s2+s18], $0x80, s25, s18, $0xb8;
	[tilespmem:$0x1E400] =	vst v63  }
.LBB2_13:
0xaa: {  	_ =	sfence.sel $0x180000  }
0xab: {  	[bflag:$0x0] =	sbarrier.arrive $0xFFFF  }
0xac: {  	p0 =	sne.s32 s3, $0x0;
	_ =	strace $0x90000047  }
0xad: {  	s0 =	sadd.s32 @!p0 $0x100000, s0;
	[bflag:$0x2] =	sbarrier.arrive $0xFFFF  }
0xae: {  	[sflag:s0] =	ssyncadd.tile.s32 @!p0 $0x1;
	_ =	shalt  }
.Lfunc_end2:
_tile_overlayer_lowered:
.L_overlay_start_2:
0xaf: {  	(tag) =	ssettag $0x2  }
0xb0: {  	s0 =	rddreg [dreg:$0x0];
	s2 =	stileid.u32  }
0xb1: {  	s1 =	rddreg [dreg:$0x1];
	p0 =	sne.s32 s2, $0x0  }
0xb2: {  	s3 =	rddreg [dreg:$0x2];
	[bflag:$0x3] =	sbarrier.arrive $0xFFFF;
	s2 =	simm.s32 @!p0 $0x1C03  }
0xb3: {  	[timem:s3], [sflag:s2] =	dma.local @!p0 [hbm:s0], s1  }
0xb4: {  	s0 =	simm.s32 @!p0 $0x3  }
0xb5: {  	_ =	swait.ge @!p0 [sflag:s0], s1  }
0xb6: {  	s1 =	ssub.s32 @!p0 $0x0, s1;
	[sflag:s0] =	ssyncset.done @!p0 $0x0  }
0xb7: {  	[sflag:s0] =	ssyncadd.s32 @!p0 s1  }
0xb8: {  	[bflag:$0x3] =	sbarrier.arrive $0xFFFF  }
0xb9: {  	_ =	shalt  }

</sc_bundles>
